<compile_context>
chip_gen: v7x
topology: tpu7x:2x2x1
jax: 0.10.2.dev20260603
libtpu: 0.0.44.dev20260713+nightly
codegen_flags: <defaults>
</compile_context>

<pallas_src>
import functools

import jax
import jax.numpy as jnp
from jax import lax
from jax.experimental import pallas as pl
from jax.experimental.pallas import tpu as pltpu
from jax.experimental.pallas import tpu_sc as plsc

N = 10000
E = 320000
D = 128
H1 = 64
H2 = 32

NCORES = 2
NSUB = 16
NW = NCORES * NSUB
EPT = E // NW
EB = 80
NBATCH = EPT // EB
NBUF_DEG = 5
NBUF = 5
NTAIL = NBATCH - (NBATCH // NBUF) * NBUF
NPT = 640
N_PAD = NSUB * NPT
DEGW = 16

ROWBLK = 1280
GRID = N_PAD // ROWBLK


def _sc_mesh():
    return plsc.VectorSubcoreMesh(core_axis_name="c", subcore_axis_name="s")


def _load_idx(er_hbm, row, wid, idx_v):
    pltpu.sync_copy(er_hbm.at[row, wid], idx_v)


def _sc_degree(er, ones_row, zeros16):

    @functools.partial(
        pl.kernel,
        out_type=jax.ShapeDtypeStruct((NCORES, N_PAD, 128), jnp.float32),
        mesh=_sc_mesh(),
        compiler_params=pltpu.CompilerParams(use_tc_tiling_on_sc=False),
        scratch_types=[
            pltpu.VMEM((NBATCH, EB), jnp.int32),
            pltpu.VMEM((EB, DEGW), jnp.float32),
            pltpu.VMEM_SHARED((N_PAD, DEGW), jnp.float32),
        ] + [pltpu.SemaphoreType.DMA] * NBUF_DEG,
    )
    def k(er_hbm, ones_hbm, zero_hbm, out_hbm, dst_v, ones_v, acc_sh, *sems):
        c = lax.axis_index("c")
        s = lax.axis_index("s")
        wid = s * NCORES + c
        _load_idx(er_hbm, 1, wid, dst_v)
        pltpu.sync_copy(ones_hbm, ones_v)
        pltpu.sync_copy(zero_hbm.at[pl.ds(s * NPT, NPT)],
                        acc_sh.at[pl.ds(s * NPT, NPT)])
        plsc.subcore_barrier()

        def body(k_, carry):
            for i in range(NBUF_DEG):
                j = NBUF_DEG * k_ + i

                @pl.when(k_ > 0)
                def _():
                    pltpu.make_async_copy(
                        ones_v, acc_sh.at[dst_v.at[j - NBUF_DEG]],
                        sems[i]).wait()

                pltpu.async_copy(ones_v, acc_sh.at[dst_v.at[j]], sems[i],
                                 add=True)
            return carry

        lax.fori_loop(0, NBATCH // NBUF_DEG, body, 0)
        for i in range(NBUF_DEG):
            j = NBATCH - NBUF_DEG + i
            pltpu.make_async_copy(ones_v, acc_sh.at[dst_v.at[j]], sems[i]).wait()
        plsc.subcore_barrier()
        pltpu.sync_copy(acc_sh.at[pl.ds(s * NPT, NPT)],
                        out_hbm.at[c, pl.ds(s * NPT, NPT), pl.ds(0, DEGW)])

    return k(er, ones_row, zeros16)


def _sc_conv(hws, er, zeros, feat):

    @functools.partial(
        pl.kernel,
        out_type=jax.ShapeDtypeStruct((NCORES, N_PAD, 128), jnp.float32),
        mesh=_sc_mesh(),
        compiler_params=pltpu.CompilerParams(use_tc_tiling_on_sc=False),
        scratch_types=[
            pltpu.VMEM((NBATCH, EB), jnp.int32),
            pltpu.VMEM((NBATCH, EB), jnp.int32),
            pltpu.VMEM_SHARED((N_PAD, feat), jnp.float32),
        ] + [pltpu.VMEM((EB, feat), jnp.float32)] * NBUF
          + [pltpu.SemaphoreType.DMA] * NBUF,
    )
    def k(hws_hbm, er_hbm, zero_hbm, out_hbm, src_v, dst_v, acc_sh, *rest):
        bufs = rest[:NBUF]
        gsem = rest[NBUF:]
        c = lax.axis_index("c")
        s = lax.axis_index("s")
        wid = s * NCORES + c
        _load_idx(er_hbm, 0, wid, src_v)
        _load_idx(er_hbm, 1, wid, dst_v)
        pltpu.sync_copy(zero_hbm.at[pl.ds(s * NPT, NPT)],
                        acc_sh.at[pl.ds(s * NPT, NPT)])
        plsc.subcore_barrier()

        for i in range(NBUF):
            pltpu.async_copy(hws_hbm.at[src_v.at[i]], bufs[i], gsem[i])

        def body(k_, carry):
            for i in range(NBUF):
                j = NBUF * k_ + i
                pltpu.make_async_copy(
                    hws_hbm.at[src_v.at[j]], bufs[i], gsem[i]).wait()
                pltpu.sync_copy(bufs[i], acc_sh.at[dst_v.at[j]], add=True)

                @pl.when(j + NBUF < NBATCH)
                def _():
                    pltpu.async_copy(
                        hws_hbm.at[src_v.at[j + NBUF]], bufs[i], gsem[i])
            return carry

        lax.fori_loop(0, NBATCH // NBUF, body, 0)
        for i in range(NTAIL):
            j = (NBATCH // NBUF) * NBUF + i
            pltpu.make_async_copy(
                hws_hbm.at[src_v.at[j]], bufs[i], gsem[i]).wait()
            pltpu.sync_copy(bufs[i], acc_sh.at[dst_v.at[j]], add=True)
        plsc.subcore_barrier()
        pltpu.sync_copy(acc_sh.at[pl.ds(s * NPT, NPT)],
                        out_hbm.at[c, pl.ds(s * NPT, NPT), pl.ds(0, feat)])

    return k(hws, er, zeros)


def _leaky(x):
    return jnp.where(x >= 0, x, 0.01 * x)


def _tc_mlp(x, W1, b1, W2, b2, Wc1):

    def body(x_ref, W1_ref, b1_ref, W2_ref, b2_ref, Wc1_ref, hw_ref):
        h = jnp.dot(x_ref[...], W1_ref[...], preferred_element_type=jnp.float32)
        h = _leaky(h + b1_ref[...])
        h = jnp.dot(h, W2_ref[...], preferred_element_type=jnp.float32)
        h = _leaky(h + b2_ref[...])
        hw_ref[...] = jnp.dot(h, Wc1_ref[...], preferred_element_type=jnp.float32)

    return pl.pallas_call(
        body,
        grid=(GRID,),
        in_specs=[
            pl.BlockSpec((ROWBLK, D), lambda i: (i, 0)),
            pl.BlockSpec((D, 256), lambda i: (0, 0)),
            pl.BlockSpec((1, 256), lambda i: (0, 0)),
            pl.BlockSpec((256, D), lambda i: (0, 0)),
            pl.BlockSpec((1, D), lambda i: (0, 0)),
            pl.BlockSpec((D, H1), lambda i: (0, 0)),
        ],
        out_specs=pl.BlockSpec((ROWBLK, H1), lambda i: (i, 0)),
        out_shape=jax.ShapeDtypeStruct((N_PAD, H1), jnp.float32),
    )(x, W1, b1, W2, b2, Wc1)


def _tc_scale(hw, dcnt):

    def body(hw_ref, d_ref, hws_ref, dis_ref):
        deg = d_ref[0, :, 0:1] + d_ref[1, :, 0:1] + 1.0
        dis = 1.0 / jnp.sqrt(deg)
        hws_ref[...] = hw_ref[...] * dis
        dis_ref[...] = dis

    return pl.pallas_call(
        body,
        grid=(GRID,),
        in_specs=[
            pl.BlockSpec((ROWBLK, H1), lambda i: (i, 0)),
            pl.BlockSpec((NCORES, ROWBLK, 128), lambda i: (0, i, 0)),
        ],
        out_specs=[
            pl.BlockSpec((ROWBLK, H1), lambda i: (i, 0)),
            pl.BlockSpec((ROWBLK, 1), lambda i: (i, 0)),
        ],
        out_shape=[
            jax.ShapeDtypeStruct((N_PAD, H1), jnp.float32),
            jax.ShapeDtypeStruct((N_PAD, 1), jnp.float32),
        ],
    )(hw, dcnt)


def _tc_mid(acc, hws1, dis, b1, Wc2):

    def body(acc_ref, hws_ref, dis_ref, b1_ref, Wc2_ref, out_ref):
        dis = dis_ref[...]
        agg = acc_ref[0, :, 0:H1] + acc_ref[1, :, 0:H1] + hws_ref[...]
        t = _leaky(agg * dis + b1_ref[...])
        t = t / jnp.sqrt(jnp.sum(t * t, axis=1, keepdims=True))
        out_ref[...] = jnp.dot(t, Wc2_ref[...], preferred_element_type=jnp.float32) * dis

    return pl.pallas_call(
        body,
        grid=(GRID,),
        in_specs=[
            pl.BlockSpec((NCORES, ROWBLK, 128), lambda i: (0, i, 0)),
            pl.BlockSpec((ROWBLK, H1), lambda i: (i, 0)),
            pl.BlockSpec((ROWBLK, 1), lambda i: (i, 0)),
            pl.BlockSpec((1, H1), lambda i: (0, 0)),
            pl.BlockSpec((H1, H2), lambda i: (0, 0)),
        ],
        out_specs=pl.BlockSpec((ROWBLK, H2), lambda i: (i, 0)),
        out_shape=jax.ShapeDtypeStruct((N_PAD, H2), jnp.float32),
    )(acc, hws1, dis, b1, Wc2)


def _tc_post(acc, hws2, dis, b2, Wp, bp):

    def body(acc_ref, hws_ref, dis_ref, b2_ref, Wp_ref, bp_ref, out_ref):
        dis = dis_ref[...]
        agg = acc_ref[0, :, 0:H2] + acc_ref[1, :, 0:H2] + hws_ref[...]
        t = _leaky(agg * dis + b2_ref[...])
        t = t / jnp.sqrt(jnp.sum(t * t, axis=1, keepdims=True))
        out_ref[...] = jnp.dot(t, Wp_ref[...], preferred_element_type=jnp.float32) + bp_ref[...]

    return pl.pallas_call(
        body,
        grid=(GRID,),
        in_specs=[
            pl.BlockSpec((NCORES, ROWBLK, 128), lambda i: (0, i, 0)),
            pl.BlockSpec((ROWBLK, H2), lambda i: (i, 0)),
            pl.BlockSpec((ROWBLK, 1), lambda i: (i, 0)),
            pl.BlockSpec((1, H2), lambda i: (0, 0)),
            pl.BlockSpec((H2, 2), lambda i: (0, 0)),
            pl.BlockSpec((1, 2), lambda i: (0, 0)),
        ],
        out_specs=pl.BlockSpec((ROWBLK, 2), lambda i: (i, 0)),
        out_shape=jax.ShapeDtypeStruct((N, 2), jnp.float32),
    )(acc, hws2, dis, b2, Wp, bp)


def kernel(x, edge_index, W_pre1, b_pre1, W_pre2, b_pre2, W_c1, b_c1, W_c2, b_c2,
           W_post, b_post):
    er = edge_index.reshape(2, NW, NBATCH, EB)

    ones_row = jnp.ones((EB, DEGW), jnp.float32)
    z16 = jnp.zeros((N_PAD, DEGW), jnp.float32)
    z64 = jnp.zeros((N_PAD, H1), jnp.float32)
    z32 = jnp.zeros((N_PAD, H2), jnp.float32)
    dcnt = _sc_degree(er, ones_row, z16)
    hw1 = _tc_mlp(x, W_pre1, b_pre1.reshape(1, -1),
                  W_pre2, b_pre2.reshape(1, -1), W_c1)
    hws1, dis = _tc_scale(hw1, dcnt)
    acc1 = _sc_conv(hws1, er, z64, H1)
    hws2 = _tc_mid(acc1, hws1, dis, b_c1.reshape(1, -1), W_c2)
    acc2 = _sc_conv(hws2, er, z32, H2)
    out = _tc_post(acc2, hws2, dis, b_c2.reshape(1, -1), W_post, b_post.reshape(1, -1))
    return out

# --- scband reference (transcript-rebuilt; emitter-appended) ---
"""Pipeline reference for scband-rolandgnn-42073499631742 (READ-ONLY COPY).

The authoritative reference and input builder live on the scoring server;
editing this copy changes nothing except your own understanding.
"""

import jax, jax.numpy as jnp
import numpy as np

N = 10000
E = 320000
D = 128
H1 = 64
H2 = 32


def _lin_init(key, fan_in, fan_out):
    kw, kb = jax.random.split(key)
    bound = 1.0 / np.sqrt(fan_in)
    W = jax.random.uniform(kw, (fan_in, fan_out), minval=-bound, maxval=bound, dtype=jnp.float32)
    b = jax.random.uniform(kb, (fan_out,), minval=-bound, maxval=bound, dtype=jnp.float32)
    return W, b


def setup_inputs(seed: int = 0) -> dict:
    key = jax.random.key(seed)
    ks = jax.random.split(key, 8)
    x = jax.random.normal(ks[0], (N, D), dtype=jnp.float32)
    edge_index = jax.random.randint(ks[1], (2, E), 0, N, dtype=jnp.int32)
    W_pre1, b_pre1 = _lin_init(ks[2], D, 256)
    W_pre2, b_pre2 = _lin_init(ks[3], 256, 128)
    W_c1, b_c1 = _lin_init(ks[4], 128, H1)
    W_c2, b_c2 = _lin_init(ks[5], H1, H2)
    W_post, b_post = _lin_init(ks[6], H2, 2)
    return {
        'x': x, 'edge_index': edge_index,
        'W_pre1': W_pre1, 'b_pre1': b_pre1,
        'W_pre2': W_pre2, 'b_pre2': b_pre2,
        'W_c1': W_c1, 'b_c1': b_c1,
        'W_c2': W_c2, 'b_c2': b_c2,
        'W_post': W_post, 'b_post': b_post,
    }


def _gcn_norm(edge_index, num_nodes):
    # add self loops, compute symmetric normalization (matches torch_geometric GCNConv defaults)
    loop = jnp.arange(num_nodes, dtype=edge_index.dtype)
    src = jnp.concatenate([edge_index[0], loop])
    dst = jnp.concatenate([edge_index[1], loop])
    deg = jax.ops.segment_sum(jnp.ones_like(dst, dtype=jnp.float32), dst, num_segments=num_nodes)
    dis = jnp.where(deg > 0, 1.0 / jnp.sqrt(jnp.maximum(deg, 1e-12)), 0.0)
    norm = dis[src] * dis[dst]
    return src, dst, norm


def _gcn_conv(h, W, b, src, dst, norm, num_nodes):
    hw = h @ W
    msg = hw[src] * norm[:, None]
    out = jax.ops.segment_sum(msg, dst, num_segments=num_nodes)
    return out + b


def reference(x, edge_index, W_pre1, b_pre1, W_pre2, b_pre2, W_c1, b_c1, W_c2, b_c2, W_post, b_post):
    src, dst, norm = _gcn_norm(edge_index, N)
    # preprocess MLP (dropout p=0.0 is identity)
    h = jax.nn.leaky_relu(x @ W_pre1 + b_pre1)
    h = jax.nn.leaky_relu(h @ W_pre2 + b_pre2)
    # conv1
    h = _gcn_conv(h, W_c1, b_c1, src, dst, norm, N)
    h = jax.nn.leaky_relu(h)
    # moving-average update: tau = 0, previous_embeddings = zeros -> h unchanged
    tau = jnp.float32(0.0)
    prev0 = jnp.zeros((N, H1), dtype=jnp.float32)
    h = tau * prev0 + (1.0 - tau) * h
    h = h / jnp.linalg.norm(h, axis=1, keepdims=True)
    # conv2
    h = _gcn_conv(h, W_c2, b_c2, src, dst, norm, N)
    h = jax.nn.leaky_relu(h)
    prev1 = jnp.zeros((N, H2), dtype=jnp.float32)
    h = tau * prev1 + (1.0 - tau) * h
    h = h / jnp.linalg.norm(h, axis=1, keepdims=True)
    # postprocess to 2-class node logits
    out = h @ W_post + b_post
    return out

if __name__ == "__main__":
    import jax
    _d = setup_inputs()
    print(jax.jit(kernel)(*tuple(_d.values())))

</pallas_src>

<mosaic_0001>
#map = affine_map<(d0, d1) -> (0, 0)>
#map1 = affine_map<(d0, d1) -> (0, 0, 0, 0)>
#map2 = affine_map<(d0, d1) -> (0, 0, 0)>
module attributes {stable_mosaic.version = 14 : i64} {
  func.func @k(%arg0: i32, %arg1: i32, %arg2: memref<10240x64xf32, #tpu.memory_space<hbm>>, %arg3: memref<2x32x125x80xi32, #tpu.memory_space<hbm>>, %arg4: memref<10240x64xf32, #tpu.memory_space<hbm>>, %arg5: memref<2x10240x128xf32, #tpu.memory_space<hbm>>, %arg6: memref<125x80xi32, #tpu.memory_space<vmem>>, %arg7: memref<125x80xi32, #tpu.memory_space<vmem>>, %arg8: memref<10240x64xf32, #tpu.memory_space<vmem_shared>>, %arg9: memref<80x64xf32, #tpu.memory_space<vmem>>, %arg10: memref<80x64xf32, #tpu.memory_space<vmem>>, %arg11: memref<80x64xf32, #tpu.memory_space<vmem>>, %arg12: memref<80x64xf32, #tpu.memory_space<vmem>>, %arg13: memref<80x64xf32, #tpu.memory_space<vmem>>, %arg14: memref<!tpu.dma_semaphore, #tpu.memory_space<semaphore_mem>>, %arg15: memref<!tpu.dma_semaphore, #tpu.memory_space<semaphore_mem>>, %arg16: memref<!tpu.dma_semaphore, #tpu.memory_space<semaphore_mem>>, %arg17: memref<!tpu.dma_semaphore, #tpu.memory_space<semaphore_mem>>, %arg18: memref<!tpu.dma_semaphore, #tpu.memory_space<semaphore_mem>>) attributes {dimension_semantics = [#tpu.dimension_semantics<core_parallel>, #tpu.dimension_semantics<subcore_parallel>], iteration_bounds = array<i64: 2, 16>, scalar_prefetch = 0 : i64, scratch_operands = 13 : i64, tpu.core_type = #tpu.core_type<sc_vector_subcore>, window_params = [{transform_indices = #map}, {transform_indices = #map1}, {transform_indices = #map}, {transform_indices = #map2}]} {
    %mul3A = arith.constant 2 : i32
    %mul3A_0 = arith.muli %arg1, %mul3A : i32
    %add3A = arith.addi %mul3A_0, %arg0 : i32
    %run_scoped3A = arith.constant 0 : i32
    "tpu.region"() ({
      %run_scoped3A_50 = tpu.sem_alloc : memref<!tpu.dma_semaphore, #tpu.memory_space<semaphore_mem>>
      %dma_start3A_51 = arith.constant 0 : i32
      %dma_start3A_52 = arith.constant 0 : i32
      %dma_start3A_53 = tpu.memref_slice %arg3[%run_scoped3A, %add3A, %dma_start3A_51, %dma_start3A_52] : memref<2x32x125x80xi32, #tpu.memory_space<hbm>> -> memref<1x1x125x80xi32, #tpu.memory_space<hbm>>
      %dma_start3A_54 = tpu.memref_squeeze %dma_start3A_53 : memref<1x1x125x80xi32, #tpu.memory_space<hbm>> -> memref<125x80xi32, #tpu.memory_space<hbm>>
      %dma_start3A_55 = arith.constant 0 : i32
      %dma_start3A_56 = arith.constant 0 : i32
      %dma_start3A_57 = tpu.memref_slice %arg3[%run_scoped3A, %add3A, %dma_start3A_55, %dma_start3A_56] : memref<2x32x125x80xi32, #tpu.memory_space<hbm>> -> memref<1x1x125x80xi32, #tpu.memory_space<hbm>>
      %dma_start3A_58 = tpu.memref_squeeze %dma_start3A_57 : memref<1x1x125x80xi32, #tpu.memory_space<hbm>> -> memref<125x80xi32, #tpu.memory_space<hbm>>
      tpu.enqueue_dma source(%dma_start3A_58 : memref<125x80xi32, #tpu.memory_space<hbm>>) target(%arg6 : memref<125x80xi32, #tpu.memory_space<vmem>>) target_semaphore(%run_scoped3A_50 : memref<!tpu.dma_semaphore, #tpu.memory_space<semaphore_mem>>)
      %dma_wait3A = arith.constant 0 : i32
      %dma_wait3A_59 = arith.constant 0 : i32
      %dma_wait3A_60 = tpu.memref_slice %arg3[%run_scoped3A, %add3A, %dma_wait3A, %dma_wait3A_59] : memref<2x32x125x80xi32, #tpu.memory_space<hbm>> -> memref<1x1x125x80xi32, #tpu.memory_space<hbm>>
      %dma_wait3A_61 = tpu.memref_squeeze %dma_wait3A_60 : memref<1x1x125x80xi32, #tpu.memory_space<hbm>> -> memref<125x80xi32, #tpu.memory_space<hbm>>
      %dma_wait3A_62 = arith.constant 0 : i32
      %dma_wait3A_63 = arith.constant 0 : i32
      %dma_wait3A_64 = tpu.memref_slice %arg3[%run_scoped3A, %add3A, %dma_wait3A_62, %dma_wait3A_63] : memref<2x32x125x80xi32, #tpu.memory_space<hbm>> -> memref<1x1x125x80xi32, #tpu.memory_space<hbm>>
      %dma_wait3A_65 = tpu.memref_squeeze %dma_wait3A_64 : memref<1x1x125x80xi32, #tpu.memory_space<hbm>> -> memref<125x80xi32, #tpu.memory_space<hbm>>
      tpu.wait_dma2 semaphore(%run_scoped3A_50 : memref<!tpu.dma_semaphore, #tpu.memory_space<semaphore_mem>>) src(%dma_wait3A_65 : memref<125x80xi32, #tpu.memory_space<hbm>>) dst(%arg6 : memref<125x80xi32, #tpu.memory_space<vmem>>)
      tpu.yield
    }) : () -> ()
    %run_scoped3A_1 = arith.constant 1 : i32
    "tpu.region"() ({
      %run_scoped3A_50 = tpu.sem_alloc : memref<!tpu.dma_semaphore, #tpu.memory_space<semaphore_mem>>
      %dma_start3A_51 = arith.constant 0 : i32
      %dma_start3A_52 = arith.constant 0 : i32
      %dma_start3A_53 = tpu.memref_slice %arg3[%run_scoped3A_1, %add3A, %dma_start3A_51, %dma_start3A_52] : memref<2x32x125x80xi32, #tpu.memory_space<hbm>> -> memref<1x1x125x80xi32, #tpu.memory_space<hbm>>
      %dma_start3A_54 = tpu.memref_squeeze %dma_start3A_53 : memref<1x1x125x80xi32, #tpu.memory_space<hbm>> -> memref<125x80xi32, #tpu.memory_space<hbm>>
      %dma_start3A_55 = arith.constant 0 : i32
      %dma_start3A_56 = arith.constant 0 : i32
      %dma_start3A_57 = tpu.memref_slice %arg3[%run_scoped3A_1, %add3A, %dma_start3A_55, %dma_start3A_56] : memref<2x32x125x80xi32, #tpu.memory_space<hbm>> -> memref<1x1x125x80xi32, #tpu.memory_space<hbm>>
      %dma_start3A_58 = tpu.memref_squeeze %dma_start3A_57 : memref<1x1x125x80xi32, #tpu.memory_space<hbm>> -> memref<125x80xi32, #tpu.memory_space<hbm>>
      tpu.enqueue_dma source(%dma_start3A_58 : memref<125x80xi32, #tpu.memory_space<hbm>>) target(%arg7 : memref<125x80xi32, #tpu.memory_space<vmem>>) target_semaphore(%run_scoped3A_50 : memref<!tpu.dma_semaphore, #tpu.memory_space<semaphore_mem>>)
      %dma_wait3A = arith.constant 0 : i32
      %dma_wait3A_59 = arith.constant 0 : i32
      %dma_wait3A_60 = tpu.memref_slice %arg3[%run_scoped3A_1, %add3A, %dma_wait3A, %dma_wait3A_59] : memref<2x32x125x80xi32, #tpu.memory_space<hbm>> -> memref<1x1x125x80xi32, #tpu.memory_space<hbm>>
      %dma_wait3A_61 = tpu.memref_squeeze %dma_wait3A_60 : memref<1x1x125x80xi32, #tpu.memory_space<hbm>> -> memref<125x80xi32, #tpu.memory_space<hbm>>
      %dma_wait3A_62 = arith.constant 0 : i32
      %dma_wait3A_63 = arith.constant 0 : i32
      %dma_wait3A_64 = tpu.memref_slice %arg3[%run_scoped3A_1, %add3A, %dma_wait3A_62, %dma_wait3A_63] : memref<2x32x125x80xi32, #tpu.memory_space<hbm>> -> memref<1x1x125x80xi32, #tpu.memory_space<hbm>>
      %dma_wait3A_65 = tpu.memref_squeeze %dma_wait3A_64 : memref<1x1x125x80xi32, #tpu.memory_space<hbm>> -> memref<125x80xi32, #tpu.memory_space<hbm>>
      tpu.wait_dma2 semaphore(%run_scoped3A_50 : memref<!tpu.dma_semaphore, #tpu.memory_space<semaphore_mem>>) src(%dma_wait3A_65 : memref<125x80xi32, #tpu.memory_space<hbm>>) dst(%arg7 : memref<125x80xi32, #tpu.memory_space<vmem>>)
      tpu.yield
    }) : () -> ()
    %mul3A_2 = arith.constant 640 : i32
    %mul3A_3 = arith.muli %arg1, %mul3A_2 : i32
    %mul3A_4 = arith.constant 640 : i32
    %mul3A_5 = arith.muli %arg1, %mul3A_4 : i32
    "tpu.region"() ({
      %run_scoped3A_50 = tpu.sem_alloc : memref<!tpu.dma_semaphore, #tpu.memory_space<semaphore_mem>>
      %dma_start3A_51 = arith.constant 0 : i32
      %dma_start3A_52 = tpu.memref_slice %arg8[%mul3A_5, %dma_start3A_51] : memref<10240x64xf32, #tpu.memory_space<vmem_shared>> -> memref<640x64xf32, #tpu.memory_space<vmem_shared>>
      %dma_start3A_53 = arith.constant 0 : i32
      %dma_start3A_54 = tpu.memref_slice %arg4[%mul3A_3, %dma_start3A_53] : memref<10240x64xf32, #tpu.memory_space<hbm>> -> memref<640x64xf32, #tpu.memory_space<hbm>>
      tpu.enqueue_dma source(%dma_start3A_54 : memref<640x64xf32, #tpu.memory_space<hbm>>) target(%dma_start3A_52 : memref<640x64xf32, #tpu.memory_space<vmem_shared>>) target_semaphore(%run_scoped3A_50 : memref<!tpu.dma_semaphore, #tpu.memory_space<semaphore_mem>>)
      %dma_wait3A = arith.constant 0 : i32
      %dma_wait3A_55 = tpu.memref_slice %arg8[%mul3A_5, %dma_wait3A] : memref<10240x64xf32, #tpu.memory_space<vmem_shared>> -> memref<640x64xf32, #tpu.memory_space<vmem_shared>>
      %dma_wait3A_56 = arith.constant 0 : i32
      %dma_wait3A_57 = tpu.memref_slice %arg4[%mul3A_3, %dma_wait3A_56] : memref<10240x64xf32, #tpu.memory_space<hbm>> -> memref<640x64xf32, #tpu.memory_space<hbm>>
      tpu.wait_dma2 semaphore(%run_scoped3A_50 : memref<!tpu.dma_semaphore, #tpu.memory_space<semaphore_mem>>) src(%dma_wait3A_57 : memref<640x64xf32, #tpu.memory_space<hbm>>) dst(%dma_wait3A_55 : memref<640x64xf32, #tpu.memory_space<vmem_shared>>)
      tpu.yield
    }) : () -> ()
    %barrier3A = arith.constant 0 : index
    tpu.barrier barrier_id(%barrier3A)
    %dma_start3A = arith.constant 0 : i32
    %dma_start3A_6 = arith.constant 0 : i32
    %dma_start3A_7 = tpu.memref_slice %arg6[%dma_start3A, %dma_start3A_6] : memref<125x80xi32, #tpu.memory_space<vmem>> -> memref<1x80xi32, #tpu.memory_space<vmem>>
    %dma_start3A_8 = tpu.memref_squeeze %dma_start3A_7 : memref<1x80xi32, #tpu.memory_space<vmem>> -> memref<80xi32, #tpu.memory_space<vmem>>
    %dma_start3A_9 = arith.constant 0 : i32
    %dma_start3A_10 = arith.constant 0 : i32
    %dma_start3A_11 = tpu.memref_slice %arg2[%dma_start3A_9, %dma_start3A_10] : memref<10240x64xf32, #tpu.memory_space<hbm>> -> memref<10240x64xf32, #tpu.memory_space<hbm>>
    tpu.enqueue_indirect_dma source(%dma_start3A_11 : memref<10240x64xf32, #tpu.memory_space<hbm>>) target(%arg9 : memref<80x64xf32, #tpu.memory_space<vmem>>) offsets(%dma_start3A_8 : memref<80xi32, #tpu.memory_space<vmem>>) semaphore(%arg14 : memref<!tpu.dma_semaphore, #tpu.memory_space<semaphore_mem>>)
    %dma_start3A_12 = arith.constant 1 : i32
    %dma_start3A_13 = arith.constant 0 : i32
    %dma_start3A_14 = tpu.memref_slice %arg6[%dma_start3A_12, %dma_start3A_13] : memref<125x80xi32, #tpu.memory_space<vmem>> -> memref<1x80xi32, #tpu.memory_space<vmem>>
    %dma_start3A_15 = tpu.memref_squeeze %dma_start3A_14 : memref<1x80xi32, #tpu.memory_space<vmem>> -> memref<80xi32, #tpu.memory_space<vmem>>
    %dma_start3A_16 = arith.constant 0 : i32
    %dma_start3A_17 = arith.constant 0 : i32
    %dma_start3A_18 = tpu.memref_slice %arg2[%dma_start3A_16, %dma_start3A_17] : memref<10240x64xf32, #tpu.memory_space<hbm>> -> memref<10240x64xf32, #tpu.memory_space<hbm>>
    tpu.enqueue_indirect_dma source(%dma_start3A_18 : memref<10240x64xf32, #tpu.memory_space<hbm>>) target(%arg10 : memref<80x64xf32, #tpu.memory_space<vmem>>) offsets(%dma_start3A_15 : memref<80xi32, #tpu.memory_space<vmem>>) semaphore(%arg15 : memref<!tpu.dma_semaphore, #tpu.memory_space<semaphore_mem>>)
    %dma_start3A_19 = arith.constant 2 : i32
    %dma_start3A_20 = arith.constant 0 : i32
    %dma_start3A_21 = tpu.memref_slice %arg6[%dma_start3A_19, %dma_start3A_20] : memref<125x80xi32, #tpu.memory_space<vmem>> -> memref<1x80xi32, #tpu.memory_space<vmem>>
    %dma_start3A_22 = tpu.memref_squeeze %dma_start3A_21 : memref<1x80xi32, #tpu.memory_space<vmem>> -> memref<80xi32, #tpu.memory_space<vmem>>
    %dma_start3A_23 = arith.constant 0 : i32
    %dma_start3A_24 = arith.constant 0 : i32
    %dma_start3A_25 = tpu.memref_slice %arg2[%dma_start3A_23, %dma_start3A_24] : memref<10240x64xf32, #tpu.memory_space<hbm>> -> memref<10240x64xf32, #tpu.memory_space<hbm>>
    tpu.enqueue_indirect_dma source(%dma_start3A_25 : memref<10240x64xf32, #tpu.memory_space<hbm>>) target(%arg11 : memref<80x64xf32, #tpu.memory_space<vmem>>) offsets(%dma_start3A_22 : memref<80xi32, #tpu.memory_space<vmem>>) semaphore(%arg16 : memref<!tpu.dma_semaphore, #tpu.memory_space<semaphore_mem>>)
    %dma_start3A_26 = arith.constant 3 : i32
    %dma_start3A_27 = arith.constant 0 : i32
    %dma_start3A_28 = tpu.memref_slice %arg6[%dma_start3A_26, %dma_start3A_27] : memref<125x80xi32, #tpu.memory_space<vmem>> -> memref<1x80xi32, #tpu.memory_space<vmem>>
    %dma_start3A_29 = tpu.memref_squeeze %dma_start3A_28 : memref<1x80xi32, #tpu.memory_space<vmem>> -> memref<80xi32, #tpu.memory_space<vmem>>
    %dma_start3A_30 = arith.constant 0 : i32
    %dma_start3A_31 = arith.constant 0 : i32
    %dma_start3A_32 = tpu.memref_slice %arg2[%dma_start3A_30, %dma_start3A_31] : memref<10240x64xf32, #tpu.memory_space<hbm>> -> memref<10240x64xf32, #tpu.memory_space<hbm>>
    tpu.enqueue_indirect_dma source(%dma_start3A_32 : memref<10240x64xf32, #tpu.memory_space<hbm>>) target(%arg12 : memref<80x64xf32, #tpu.memory_space<vmem>>) offsets(%dma_start3A_29 : memref<80xi32, #tpu.memory_space<vmem>>) semaphore(%arg17 : memref<!tpu.dma_semaphore, #tpu.memory_space<semaphore_mem>>)
    %dma_start3A_33 = arith.constant 4 : i32
    %dma_start3A_34 = arith.constant 0 : i32
    %dma_start3A_35 = tpu.memref_slice %arg6[%dma_start3A_33, %dma_start3A_34] : memref<125x80xi32, #tpu.memory_space<vmem>> -> memref<1x80xi32, #tpu.memory_space<vmem>>
    %dma_start3A_36 = tpu.memref_squeeze %dma_start3A_35 : memref<1x80xi32, #tpu.memory_space<vmem>> -> memref<80xi32, #tpu.memory_space<vmem>>
    %dma_start3A_37 = arith.constant 0 : i32
    %dma_start3A_38 = arith.constant 0 : i32
    %dma_start3A_39 = tpu.memref_slice %arg2[%dma_start3A_37, %dma_start3A_38] : memref<10240x64xf32, #tpu.memory_space<hbm>> -> memref<10240x64xf32, #tpu.memory_space<hbm>>
    tpu.enqueue_indirect_dma source(%dma_start3A_39 : memref<10240x64xf32, #tpu.memory_space<hbm>>) target(%arg13 : memref<80x64xf32, #tpu.memory_space<vmem>>) offsets(%dma_start3A_36 : memref<80xi32, #tpu.memory_space<vmem>>) semaphore(%arg18 : memref<!tpu.dma_semaphore, #tpu.memory_space<semaphore_mem>>)
    %scan3A = arith.constant 0 : i32
    %scan3A_40 = arith.constant 0 : i32
    %scan3A_41 = arith.constant 25 : i32
    %scan3A_42 = arith.addi %scan3A_40, %scan3A_41 : i32
    %scan3A_43 = arith.constant 1 : i32
    scf.for %scan3A_50 = %scan3A_40 to %scan3A_42 step %scan3A_43  : i32 {
      %mul3A_51 = arith.constant 5 : i32
      %mul3A_52 = arith.muli %mul3A_51, %scan3A_50 : i32
      %add3A_53 = arith.constant 0 : i32
      %add3A_54 = arith.addi %mul3A_52, %add3A_53 : i32
      %dma_wait3A = arith.constant 0 : i32
      %dma_wait3A_55 = tpu.memref_slice %arg6[%add3A_54, %dma_wait3A] : memref<125x80xi32, #tpu.memory_space<vmem>> -> memref<1x80xi32, #tpu.memory_space<vmem>>
      %dma_wait3A_56 = tpu.memref_squeeze %dma_wait3A_55 : memref<1x80xi32, #tpu.memory_space<vmem>> -> memref<80xi32, #tpu.memory_space<vmem>>
      %dma_wait3A_57 = arith.constant 0 : i32
      %dma_wait3A_58 = arith.constant 0 : i32
      %dma_wait3A_59 = tpu.memref_slice %arg2[%dma_wait3A_57, %dma_wait3A_58] : memref<10240x64xf32, #tpu.memory_space<hbm>> -> memref<10240x64xf32, #tpu.memory_space<hbm>>
      tpu.wait_indirect_dma semaphore(%arg14 : memref<!tpu.dma_semaphore, #tpu.memory_space<semaphore_mem>>) src(%dma_wait3A_59 : memref<10240x64xf32, #tpu.memory_space<hbm>>) dst(%arg9 : memref<80x64xf32, #tpu.memory_space<vmem>>)
      "tpu.region"() ({
        %run_scoped3A_132 = tpu.sem_alloc : memref<!tpu.dma_semaphore, #tpu.memory_space<semaphore_mem>>
        %dma_start3A_133 = arith.constant 0 : i32
        %dma_start3A_134 = tpu.memref_slice %arg7[%add3A_54, %dma_start3A_133] : memref<125x80xi32, #tpu.memory_space<vmem>> -> memref<1x80xi32, #tpu.memory_space<vmem>>
        %dma_start3A_135 = tpu.memref_squeeze %dma_start3A_134 : memref<1x80xi32, #tpu.memory_space<vmem>> -> memref<80xi32, #tpu.memory_space<vmem>>
        %dma_start3A_136 = arith.constant 0 : i32
        %dma_start3A_137 = arith.constant 0 : i32
        %dma_start3A_138 = tpu.memref_slice %arg8[%dma_start3A_136, %dma_start3A_137] : memref<10240x64xf32, #tpu.memory_space<vmem_shared>> -> memref<10240x64xf32, #tpu.memory_space<vmem_shared>>
        tpu.enqueue_indirect_dma source(%arg9 : memref<80x64xf32, #tpu.memory_space<vmem>>) target(%dma_start3A_138 : memref<10240x64xf32, #tpu.memory_space<vmem_shared>>) offsets(%dma_start3A_135 : memref<80xi32, #tpu.memory_space<vmem>>) semaphore(%run_scoped3A_132 : memref<!tpu.dma_semaphore, #tpu.memory_space<semaphore_mem>>) {add = true}
        %dma_wait3A_139 = arith.constant 0 : i32
        %dma_wait3A_140 = tpu.memref_slice %arg7[%add3A_54, %dma_wait3A_139] : memref<125x80xi32, #tpu.memory_space<vmem>> -> memref<1x80xi32, #tpu.memory_space<vmem>>
        %dma_wait3A_141 = tpu.memref_squeeze %dma_wait3A_140 : memref<1x80xi32, #tpu.memory_space<vmem>> -> memref<80xi32, #tpu.memory_space<vmem>>
        %dma_wait3A_142 = arith.constant 0 : i32
        %dma_wait3A_143 = arith.constant 0 : i32
        %dma_wait3A_144 = tpu.memref_slice %arg8[%dma_wait3A_142, %dma_wait3A_143] : memref<10240x64xf32, #tpu.memory_space<vmem_shared>> -> memref<10240x64xf32, #tpu.memory_space<vmem_shared>>
        tpu.wait_indirect_dma semaphore(%run_scoped3A_132 : memref<!tpu.dma_semaphore, #tpu.memory_space<semaphore_mem>>) src(%arg9 : memref<80x64xf32, #tpu.memory_space<vmem>>) dst(%dma_wait3A_144 : memref<10240x64xf32, #tpu.memory_space<vmem_shared>>)
        tpu.yield
      }) : () -> ()
      %add3A_60 = arith.constant 5 : i32
      %add3A_61 = arith.addi %add3A_54, %add3A_60 : i32
      %lt3A = arith.constant 125 : i32
      %lt3A_62 = arith.cmpi slt, %add3A_61, %lt3A : i32
      %convert_element_type3A = arith.extui %lt3A_62 : i1 to i32
      %cond3A = arith.constant 0 : i32
      %cond3A_63 = arith.cmpi ne, %convert_element_type3A, %cond3A : i32
      scf.if %cond3A_63 {
        %add3A_132 = arith.constant 5 : i32
        %add3A_133 = arith.addi %add3A_54, %add3A_132 : i32
        %dma_start3A_134 = arith.constant 0 : i32
        %dma_start3A_135 = tpu.memref_slice %arg6[%add3A_133, %dma_start3A_134] : memref<125x80xi32, #tpu.memory_space<vmem>> -> memref<1x80xi32, #tpu.memory_space<vmem>>
        %dma_start3A_136 = tpu.memref_squeeze %dma_start3A_135 : memref<1x80xi32, #tpu.memory_space<vmem>> -> memref<80xi32, #tpu.memory_space<vmem>>
        %dma_start3A_137 = arith.constant 0 : i32
        %dma_start3A_138 = arith.constant 0 : i32
        %dma_start3A_139 = tpu.memref_slice %arg2[%dma_start3A_137, %dma_start3A_138] : memref<10240x64xf32, #tpu.memory_space<hbm>> -> memref<10240x64xf32, #tpu.memory_space<hbm>>
        tpu.enqueue_indirect_dma source(%dma_start3A_139 : memref<10240x64xf32, #tpu.memory_space<hbm>>) target(%arg9 : memref<80x64xf32, #tpu.memory_space<vmem>>) offsets(%dma_start3A_136 : memref<80xi32, #tpu.memory_space<vmem>>) semaphore(%arg14 : memref<!tpu.dma_semaphore, #tpu.memory_space<semaphore_mem>>)
      } else {
      }
      %mul3A_64 = arith.constant 5 : i32
      %mul3A_65 = arith.muli %mul3A_64, %scan3A_50 : i32
      %add3A_66 = arith.constant 1 : i32
      %add3A_67 = arith.addi %mul3A_65, %add3A_66 : i32
      %dma_wait3A_68 = arith.constant 0 : i32
      %dma_wait3A_69 = tpu.memref_slice %arg6[%add3A_67, %dma_wait3A_68] : memref<125x80xi32, #tpu.memory_space<vmem>> -> memref<1x80xi32, #tpu.memory_space<vmem>>
      %dma_wait3A_70 = tpu.memref_squeeze %dma_wait3A_69 : memref<1x80xi32, #tpu.memory_space<vmem>> -> memref<80xi32, #tpu.memory_space<vmem>>
      %dma_wait3A_71 = arith.constant 0 : i32
      %dma_wait3A_72 = arith.constant 0 : i32
      %dma_wait3A_73 = tpu.memref_slice %arg2[%dma_wait3A_71, %dma_wait3A_72] : memref<10240x64xf32, #tpu.memory_space<hbm>> -> memref<10240x64xf32, #tpu.memory_space<hbm>>
      tpu.wait_indirect_dma semaphore(%arg15 : memref<!tpu.dma_semaphore, #tpu.memory_space<semaphore_mem>>) src(%dma_wait3A_73 : memref<10240x64xf32, #tpu.memory_space<hbm>>) dst(%arg10 : memref<80x64xf32, #tpu.memory_space<vmem>>)
      "tpu.region"() ({
        %run_scoped3A_132 = tpu.sem_alloc : memref<!tpu.dma_semaphore, #tpu.memory_space<semaphore_mem>>
        %dma_start3A_133 = arith.constant 0 : i32
        %dma_start3A_134 = tpu.memref_slice %arg7[%add3A_67, %dma_start3A_133] : memref<125x80xi32, #tpu.memory_space<vmem>> -> memref<1x80xi32, #tpu.memory_space<vmem>>
        %dma_start3A_135 = tpu.memref_squeeze %dma_start3A_134 : memref<1x80xi32, #tpu.memory_space<vmem>> -> memref<80xi32, #tpu.memory_space<vmem>>
        %dma_start3A_136 = arith.constant 0 : i32
        %dma_start3A_137 = arith.constant 0 : i32
        %dma_start3A_138 = tpu.memref_slice %arg8[%dma_start3A_136, %dma_start3A_137] : memref<10240x64xf32, #tpu.memory_space<vmem_shared>> -> memref<10240x64xf32, #tpu.memory_space<vmem_shared>>
        tpu.enqueue_indirect_dma source(%arg10 : memref<80x64xf32, #tpu.memory_space<vmem>>) target(%dma_start3A_138 : memref<10240x64xf32, #tpu.memory_space<vmem_shared>>) offsets(%dma_start3A_135 : memref<80xi32, #tpu.memory_space<vmem>>) semaphore(%run_scoped3A_132 : memref<!tpu.dma_semaphore, #tpu.memory_space<semaphore_mem>>) {add = true}
        %dma_wait3A_139 = arith.constant 0 : i32
        %dma_wait3A_140 = tpu.memref_slice %arg7[%add3A_67, %dma_wait3A_139] : memref<125x80xi32, #tpu.memory_space<vmem>> -> memref<1x80xi32, #tpu.memory_space<vmem>>
        %dma_wait3A_141 = tpu.memref_squeeze %dma_wait3A_140 : memref<1x80xi32, #tpu.memory_space<vmem>> -> memref<80xi32, #tpu.memory_space<vmem>>
        %dma_wait3A_142 = arith.constant 0 : i32
        %dma_wait3A_143 = arith.constant 0 : i32
        %dma_wait3A_144 = tpu.memref_slice %arg8[%dma_wait3A_142, %dma_wait3A_143] : memref<10240x64xf32, #tpu.memory_space<vmem_shared>> -> memref<10240x64xf32, #tpu.memory_space<vmem_shared>>
        tpu.wait_indirect_dma semaphore(%run_scoped3A_132 : memref<!tpu.dma_semaphore, #tpu.memory_space<semaphore_mem>>) src(%arg10 : memref<80x64xf32, #tpu.memory_space<vmem>>) dst(%dma_wait3A_144 : memref<10240x64xf32, #tpu.memory_space<vmem_shared>>)
        tpu.yield
      }) : () -> ()
      %add3A_74 = arith.constant 5 : i32
      %add3A_75 = arith.addi %add3A_67, %add3A_74 : i32
      %lt3A_76 = arith.constant 125 : i32
      %lt3A_77 = arith.cmpi slt, %add3A_75, %lt3A_76 : i32
      %convert_element_type3A_78 = arith.extui %lt3A_77 : i1 to i32
      %cond3A_79 = arith.constant 0 : i32
      %cond3A_80 = arith.cmpi ne, %convert_element_type3A_78, %cond3A_79 : i32
      scf.if %cond3A_80 {
        %add3A_132 = arith.constant 5 : i32
        %add3A_133 = arith.addi %add3A_67, %add3A_132 : i32
        %dma_start3A_134 = arith.constant 0 : i32
        %dma_start3A_135 = tpu.memref_slice %arg6[%add3A_133, %dma_start3A_134] : memref<125x80xi32, #tpu.memory_space<vmem>> -> memref<1x80xi32, #tpu.memory_space<vmem>>
        %dma_start3A_136 = tpu.memref_squeeze %dma_start3A_135 : memref<1x80xi32, #tpu.memory_space<vmem>> -> memref<80xi32, #tpu.memory_space<vmem>>
        %dma_start3A_137 = arith.constant 0 : i32
        %dma_start3A_138 = arith.constant 0 : i32
        %dma_start3A_139 = tpu.memref_slice %arg2[%dma_start3A_137, %dma_start3A_138] : memref<10240x64xf32, #tpu.memory_space<hbm>> -> memref<10240x64xf32, #tpu.memory_space<hbm>>
        tpu.enqueue_indirect_dma source(%dma_start3A_139 : memref<10240x64xf32, #tpu.memory_space<hbm>>) target(%arg10 : memref<80x64xf32, #tpu.memory_space<vmem>>) offsets(%dma_start3A_136 : memref<80xi32, #tpu.memory_space<vmem>>) semaphore(%arg15 : memref<!tpu.dma_semaphore, #tpu.memory_space<semaphore_mem>>)
      } else {
      }
      %mul3A_81 = arith.constant 5 : i32
      %mul3A_82 = arith.muli %mul3A_81, %scan3A_50 : i32
      %add3A_83 = arith.constant 2 : i32
      %add3A_84 = arith.addi %mul3A_82, %add3A_83 : i32
      %dma_wait3A_85 = arith.constant 0 : i32
      %dma_wait3A_86 = tpu.memref_slice %arg6[%add3A_84, %dma_wait3A_85] : memref<125x80xi32, #tpu.memory_space<vmem>> -> memref<1x80xi32, #tpu.memory_space<vmem>>
      %dma_wait3A_87 = tpu.memref_squeeze %dma_wait3A_86 : memref<1x80xi32, #tpu.memory_space<vmem>> -> memref<80xi32, #tpu.memory_space<vmem>>
      %dma_wait3A_88 = arith.constant 0 : i32
      %dma_wait3A_89 = arith.constant 0 : i32
      %dma_wait3A_90 = tpu.memref_slice %arg2[%dma_wait3A_88, %dma_wait3A_89] : memref<10240x64xf32, #tpu.memory_space<hbm>> -> memref<10240x64xf32, #tpu.memory_space<hbm>>
      tpu.wait_indirect_dma semaphore(%arg16 : memref<!tpu.dma_semaphore, #tpu.memory_space<semaphore_mem>>) src(%dma_wait3A_90 : memref<10240x64xf32, #tpu.memory_space<hbm>>) dst(%arg11 : memref<80x64xf32, #tpu.memory_space<vmem>>)
      "tpu.region"() ({
        %run_scoped3A_132 = tpu.sem_alloc : memref<!tpu.dma_semaphore, #tpu.memory_space<semaphore_mem>>
        %dma_start3A_133 = arith.constant 0 : i32
        %dma_start3A_134 = tpu.memref_slice %arg7[%add3A_84, %dma_start3A_133] : memref<125x80xi32, #tpu.memory_space<vmem>> -> memref<1x80xi32, #tpu.memory_space<vmem>>
        %dma_start3A_135 = tpu.memref_squeeze %dma_start3A_134 : memref<1x80xi32, #tpu.memory_space<vmem>> -> memref<80xi32, #tpu.memory_space<vmem>>
        %dma_start3A_136 = arith.constant 0 : i32
        %dma_start3A_137 = arith.constant 0 : i32
        %dma_start3A_138 = tpu.memref_slice %arg8[%dma_start3A_136, %dma_start3A_137] : memref<10240x64xf32, #tpu.memory_space<vmem_shared>> -> memref<10240x64xf32, #tpu.memory_space<vmem_shared>>
        tpu.enqueue_indirect_dma source(%arg11 : memref<80x64xf32, #tpu.memory_space<vmem>>) target(%dma_start3A_138 : memref<10240x64xf32, #tpu.memory_space<vmem_shared>>) offsets(%dma_start3A_135 : memref<80xi32, #tpu.memory_space<vmem>>) semaphore(%run_scoped3A_132 : memref<!tpu.dma_semaphore, #tpu.memory_space<semaphore_mem>>) {add = true}
        %dma_wait3A_139 = arith.constant 0 : i32
        %dma_wait3A_140 = tpu.memref_slice %arg7[%add3A_84, %dma_wait3A_139] : memref<125x80xi32, #tpu.memory_space<vmem>> -> memref<1x80xi32, #tpu.memory_space<vmem>>
        %dma_wait3A_141 = tpu.memref_squeeze %dma_wait3A_140 : memref<1x80xi32, #tpu.memory_space<vmem>> -> memref<80xi32, #tpu.memory_space<vmem>>
        %dma_wait3A_142 = arith.constant 0 : i32
        %dma_wait3A_143 = arith.constant 0 : i32
        %dma_wait3A_144 = tpu.memref_slice %arg8[%dma_wait3A_142, %dma_wait3A_143] : memref<10240x64xf32, #tpu.memory_space<vmem_shared>> -> memref<10240x64xf32, #tpu.memory_space<vmem_shared>>
        tpu.wait_indirect_dma semaphore(%run_scoped3A_132 : memref<!tpu.dma_semaphore, #tpu.memory_space<semaphore_mem>>) src(%arg11 : memref<80x64xf32, #tpu.memory_space<vmem>>) dst(%dma_wait3A_144 : memref<10240x64xf32, #tpu.memory_space<vmem_shared>>)
        tpu.yield
      }) : () -> ()
      %add3A_91 = arith.constant 5 : i32
      %add3A_92 = arith.addi %add3A_84, %add3A_91 : i32
      %lt3A_93 = arith.constant 125 : i32
      %lt3A_94 = arith.cmpi slt, %add3A_92, %lt3A_93 : i32
      %convert_element_type3A_95 = arith.extui %lt3A_94 : i1 to i32
      %cond3A_96 = arith.constant 0 : i32
      %cond3A_97 = arith.cmpi ne, %convert_element_type3A_95, %cond3A_96 : i32
      scf.if %cond3A_97 {
        %add3A_132 = arith.constant 5 : i32
        %add3A_133 = arith.addi %add3A_84, %add3A_132 : i32
        %dma_start3A_134 = arith.constant 0 : i32
        %dma_start3A_135 = tpu.memref_slice %arg6[%add3A_133, %dma_start3A_134] : memref<125x80xi32, #tpu.memory_space<vmem>> -> memref<1x80xi32, #tpu.memory_space<vmem>>
        %dma_start3A_136 = tpu.memref_squeeze %dma_start3A_135 : memref<1x80xi32, #tpu.memory_space<vmem>> -> memref<80xi32, #tpu.memory_space<vmem>>
        %dma_start3A_137 = arith.constant 0 : i32
        %dma_start3A_138 = arith.constant 0 : i32
        %dma_start3A_139 = tpu.memref_slice %arg2[%dma_start3A_137, %dma_start3A_138] : memref<10240x64xf32, #tpu.memory_space<hbm>> -> memref<10240x64xf32, #tpu.memory_space<hbm>>
        tpu.enqueue_indirect_dma source(%dma_start3A_139 : memref<10240x64xf32, #tpu.memory_space<hbm>>) target(%arg11 : memref<80x64xf32, #tpu.memory_space<vmem>>) offsets(%dma_start3A_136 : memref<80xi32, #tpu.memory_space<vmem>>) semaphore(%arg16 : memref<!tpu.dma_semaphore, #tpu.memory_space<semaphore_mem>>)
      } else {
      }
      %mul3A_98 = arith.constant 5 : i32
      %mul3A_99 = arith.muli %mul3A_98, %scan3A_50 : i32
      %add3A_100 = arith.constant 3 : i32
      %add3A_101 = arith.addi %mul3A_99, %add3A_100 : i32
      %dma_wait3A_102 = arith.constant 0 : i32
      %dma_wait3A_103 = tpu.memref_slice %arg6[%add3A_101, %dma_wait3A_102] : memref<125x80xi32, #tpu.memory_space<vmem>> -> memref<1x80xi32, #tpu.memory_space<vmem>>
      %dma_wait3A_104 = tpu.memref_squeeze %dma_wait3A_103 : memref<1x80xi32, #tpu.memory_space<vmem>> -> memref<80xi32, #tpu.memory_space<vmem>>
      %dma_wait3A_105 = arith.constant 0 : i32
      %dma_wait3A_106 = arith.constant 0 : i32
      %dma_wait3A_107 = tpu.memref_slice %arg2[%dma_wait3A_105, %dma_wait3A_106] : memref<10240x64xf32, #tpu.memory_space<hbm>> -> memref<10240x64xf32, #tpu.memory_space<hbm>>
      tpu.wait_indirect_dma semaphore(%arg17 : memref<!tpu.dma_semaphore, #tpu.memory_space<semaphore_mem>>) src(%dma_wait3A_107 : memref<10240x64xf32, #tpu.memory_space<hbm>>) dst(%arg12 : memref<80x64xf32, #tpu.memory_space<vmem>>)
      "tpu.region"() ({
        %run_scoped3A_132 = tpu.sem_alloc : memref<!tpu.dma_semaphore, #tpu.memory_space<semaphore_mem>>
        %dma_start3A_133 = arith.constant 0 : i32
        %dma_start3A_134 = tpu.memref_slice %arg7[%add3A_101, %dma_start3A_133] : memref<125x80xi32, #tpu.memory_space<vmem>> -> memref<1x80xi32, #tpu.memory_space<vmem>>
        %dma_start3A_135 = tpu.memref_squeeze %dma_start3A_134 : memref<1x80xi32, #tpu.memory_space<vmem>> -> memref<80xi32, #tpu.memory_space<vmem>>
        %dma_start3A_136 = arith.constant 0 : i32
        %dma_start3A_137 = arith.constant 0 : i32
        %dma_start3A_138 = tpu.memref_slice %arg8[%dma_start3A_136, %dma_start3A_137] : memref<10240x64xf32, #tpu.memory_space<vmem_shared>> -> memref<10240x64xf32, #tpu.memory_space<vmem_shared>>
        tpu.enqueue_indirect_dma source(%arg12 : memref<80x64xf32, #tpu.memory_space<vmem>>) target(%dma_start3A_138 : memref<10240x64xf32, #tpu.memory_space<vmem_shared>>) offsets(%dma_start3A_135 : memref<80xi32, #tpu.memory_space<vmem>>) semaphore(%run_scoped3A_132 : memref<!tpu.dma_semaphore, #tpu.memory_space<semaphore_mem>>) {add = true}
        %dma_wait3A_139 = arith.constant 0 : i32
        %dma_wait3A_140 = tpu.memref_slice %arg7[%add3A_101, %dma_wait3A_139] : memref<125x80xi32, #tpu.memory_space<vmem>> -> memref<1x80xi32, #tpu.memory_space<vmem>>
        %dma_wait3A_141 = tpu.memref_squeeze %dma_wait3A_140 : memref<1x80xi32, #tpu.memory_space<vmem>> -> memref<80xi32, #tpu.memory_space<vmem>>
        %dma_wait3A_142 = arith.constant 0 : i32
        %dma_wait3A_143 = arith.constant 0 : i32
        %dma_wait3A_144 = tpu.memref_slice %arg8[%dma_wait3A_142, %dma_wait3A_143] : memref<10240x64xf32, #tpu.memory_space<vmem_shared>> -> memref<10240x64xf32, #tpu.memory_space<vmem_shared>>
        tpu.wait_indirect_dma semaphore(%run_scoped3A_132 : memref<!tpu.dma_semaphore, #tpu.memory_space<semaphore_mem>>) src(%arg12 : memref<80x64xf32, #tpu.memory_space<vmem>>) dst(%dma_wait3A_144 : memref<10240x64xf32, #tpu.memory_space<vmem_shared>>)
        tpu.yield
      }) : () -> ()
      %add3A_108 = arith.constant 5 : i32
      %add3A_109 = arith.addi %add3A_101, %add3A_108 : i32
      %lt3A_110 = arith.constant 125 : i32
      %lt3A_111 = arith.cmpi slt, %add3A_109, %lt3A_110 : i32
      %convert_element_type3A_112 = arith.extui %lt3A_111 : i1 to i32
      %cond3A_113 = arith.constant 0 : i32
      %cond3A_114 = arith.cmpi ne, %convert_element_type3A_112, %cond3A_113 : i32
      scf.if %cond3A_114 {
        %add3A_132 = arith.constant 5 : i32
        %add3A_133 = arith.addi %add3A_101, %add3A_132 : i32
        %dma_start3A_134 = arith.constant 0 : i32
        %dma_start3A_135 = tpu.memref_slice %arg6[%add3A_133, %dma_start3A_134] : memref<125x80xi32, #tpu.memory_space<vmem>> -> memref<1x80xi32, #tpu.memory_space<vmem>>
        %dma_start3A_136 = tpu.memref_squeeze %dma_start3A_135 : memref<1x80xi32, #tpu.memory_space<vmem>> -> memref<80xi32, #tpu.memory_space<vmem>>
        %dma_start3A_137 = arith.constant 0 : i32
        %dma_start3A_138 = arith.constant 0 : i32
        %dma_start3A_139 = tpu.memref_slice %arg2[%dma_start3A_137, %dma_start3A_138] : memref<10240x64xf32, #tpu.memory_space<hbm>> -> memref<10240x64xf32, #tpu.memory_space<hbm>>
        tpu.enqueue_indirect_dma source(%dma_start3A_139 : memref<10240x64xf32, #tpu.memory_space<hbm>>) target(%arg12 : memref<80x64xf32, #tpu.memory_space<vmem>>) offsets(%dma_start3A_136 : memref<80xi32, #tpu.memory_space<vmem>>) semaphore(%arg17 : memref<!tpu.dma_semaphore, #tpu.memory_space<semaphore_mem>>)
      } else {
      }
      %mul3A_115 = arith.constant 5 : i32
      %mul3A_116 = arith.muli %mul3A_115, %scan3A_50 : i32
      %add3A_117 = arith.constant 4 : i32
      %add3A_118 = arith.addi %mul3A_116, %add3A_117 : i32
      %dma_wait3A_119 = arith.constant 0 : i32
      %dma_wait3A_120 = tpu.memref_slice %arg6[%add3A_118, %dma_wait3A_119] : memref<125x80xi32, #tpu.memory_space<vmem>> -> memref<1x80xi32, #tpu.memory_space<vmem>>
      %dma_wait3A_121 = tpu.memref_squeeze %dma_wait3A_120 : memref<1x80xi32, #tpu.memory_space<vmem>> -> memref<80xi32, #tpu.memory_space<vmem>>
      %dma_wait3A_122 = arith.constant 0 : i32
      %dma_wait3A_123 = arith.constant 0 : i32
      %dma_wait3A_124 = tpu.memref_slice %arg2[%dma_wait3A_122, %dma_wait3A_123] : memref<10240x64xf32, #tpu.memory_space<hbm>> -> memref<10240x64xf32, #tpu.memory_space<hbm>>
      tpu.wait_indirect_dma semaphore(%arg18 : memref<!tpu.dma_semaphore, #tpu.memory_space<semaphore_mem>>) src(%dma_wait3A_124 : memref<10240x64xf32, #tpu.memory_space<hbm>>) dst(%arg13 : memref<80x64xf32, #tpu.memory_space<vmem>>)
      "tpu.region"() ({
        %run_scoped3A_132 = tpu.sem_alloc : memref<!tpu.dma_semaphore, #tpu.memory_space<semaphore_mem>>
        %dma_start3A_133 = arith.constant 0 : i32
        %dma_start3A_134 = tpu.memref_slice %arg7[%add3A_118, %dma_start3A_133] : memref<125x80xi32, #tpu.memory_space<vmem>> -> memref<1x80xi32, #tpu.memory_space<vmem>>
        %dma_start3A_135 = tpu.memref_squeeze %dma_start3A_134 : memref<1x80xi32, #tpu.memory_space<vmem>> -> memref<80xi32, #tpu.memory_space<vmem>>
        %dma_start3A_136 = arith.constant 0 : i32
        %dma_start3A_137 = arith.constant 0 : i32
        %dma_start3A_138 = tpu.memref_slice %arg8[%dma_start3A_136, %dma_start3A_137] : memref<10240x64xf32, #tpu.memory_space<vmem_shared>> -> memref<10240x64xf32, #tpu.memory_space<vmem_shared>>
        tpu.enqueue_indirect_dma source(%arg13 : memref<80x64xf32, #tpu.memory_space<vmem>>) target(%dma_start3A_138 : memref<10240x64xf32, #tpu.memory_space<vmem_shared>>) offsets(%dma_start3A_135 : memref<80xi32, #tpu.memory_space<vmem>>) semaphore(%run_scoped3A_132 : memref<!tpu.dma_semaphore, #tpu.memory_space<semaphore_mem>>) {add = true}
        %dma_wait3A_139 = arith.constant 0 : i32
        %dma_wait3A_140 = tpu.memref_slice %arg7[%add3A_118, %dma_wait3A_139] : memref<125x80xi32, #tpu.memory_space<vmem>> -> memref<1x80xi32, #tpu.memory_space<vmem>>
        %dma_wait3A_141 = tpu.memref_squeeze %dma_wait3A_140 : memref<1x80xi32, #tpu.memory_space<vmem>> -> memref<80xi32, #tpu.memory_space<vmem>>
        %dma_wait3A_142 = arith.constant 0 : i32
        %dma_wait3A_143 = arith.constant 0 : i32
        %dma_wait3A_144 = tpu.memref_slice %arg8[%dma_wait3A_142, %dma_wait3A_143] : memref<10240x64xf32, #tpu.memory_space<vmem_shared>> -> memref<10240x64xf32, #tpu.memory_space<vmem_shared>>
        tpu.wait_indirect_dma semaphore(%run_scoped3A_132 : memref<!tpu.dma_semaphore, #tpu.memory_space<semaphore_mem>>) src(%arg13 : memref<80x64xf32, #tpu.memory_space<vmem>>) dst(%dma_wait3A_144 : memref<10240x64xf32, #tpu.memory_space<vmem_shared>>)
        tpu.yield
      }) : () -> ()
      %add3A_125 = arith.constant 5 : i32
      %add3A_126 = arith.addi %add3A_118, %add3A_125 : i32
      %lt3A_127 = arith.constant 125 : i32
      %lt3A_128 = arith.cmpi slt, %add3A_126, %lt3A_127 : i32
      %convert_element_type3A_129 = arith.extui %lt3A_128 : i1 to i32
      %cond3A_130 = arith.constant 0 : i32
      %cond3A_131 = arith.cmpi ne, %convert_element_type3A_129, %cond3A_130 : i32
      scf.if %cond3A_131 {
        %add3A_132 = arith.constant 5 : i32
        %add3A_133 = arith.addi %add3A_118, %add3A_132 : i32
        %dma_start3A_134 = arith.constant 0 : i32
        %dma_start3A_135 = tpu.memref_slice %arg6[%add3A_133, %dma_start3A_134] : memref<125x80xi32, #tpu.memory_space<vmem>> -> memref<1x80xi32, #tpu.memory_space<vmem>>
        %dma_start3A_136 = tpu.memref_squeeze %dma_start3A_135 : memref<1x80xi32, #tpu.memory_space<vmem>> -> memref<80xi32, #tpu.memory_space<vmem>>
        %dma_start3A_137 = arith.constant 0 : i32
        %dma_start3A_138 = arith.constant 0 : i32
        %dma_start3A_139 = tpu.memref_slice %arg2[%dma_start3A_137, %dma_start3A_138] : memref<10240x64xf32, #tpu.memory_space<hbm>> -> memref<10240x64xf32, #tpu.memory_space<hbm>>
        tpu.enqueue_indirect_dma source(%dma_start3A_139 : memref<10240x64xf32, #tpu.memory_space<hbm>>) target(%arg13 : memref<80x64xf32, #tpu.memory_space<vmem>>) offsets(%dma_start3A_136 : memref<80xi32, #tpu.memory_space<vmem>>) semaphore(%arg18 : memref<!tpu.dma_semaphore, #tpu.memory_space<semaphore_mem>>)
      } else {
      }
    }
    %scan3A_44 = arith.constant 25 : i32
    %barrier3A_45 = arith.constant 0 : index
    tpu.barrier barrier_id(%barrier3A_45)
    %mul3A_46 = arith.constant 640 : i32
    %mul3A_47 = arith.muli %arg1, %mul3A_46 : i32
    %mul3A_48 = arith.constant 640 : i32
    %mul3A_49 = arith.muli %arg1, %mul3A_48 : i32
    "tpu.region"() ({
      %run_scoped3A_50 = tpu.sem_alloc : memref<!tpu.dma_semaphore, #tpu.memory_space<semaphore_mem>>
      %dma_start3A_51 = arith.constant 0 : i32
      %dma_start3A_52 = tpu.memref_slice %arg5[%arg0, %mul3A_49, %dma_start3A_51] : memref<2x10240x128xf32, #tpu.memory_space<hbm>> -> memref<1x640x64xf32, #tpu.memory_space<hbm>>
      %dma_start3A_53 = tpu.memref_squeeze %dma_start3A_52 : memref<1x640x64xf32, #tpu.memory_space<hbm>> -> memref<640x64xf32, #tpu.memory_space<hbm>>
      %dma_start3A_54 = arith.constant 0 : i32
      %dma_start3A_55 = tpu.memref_slice %arg8[%mul3A_47, %dma_start3A_54] : memref<10240x64xf32, #tpu.memory_space<vmem_shared>> -> memref<640x64xf32, #tpu.memory_space<vmem_shared>>
      tpu.enqueue_dma source(%dma_start3A_55 : memref<640x64xf32, #tpu.memory_space<vmem_shared>>) target(%dma_start3A_53 : memref<640x64xf32, #tpu.memory_space<hbm>>) target_semaphore(%run_scoped3A_50 : memref<!tpu.dma_semaphore, #tpu.memory_space<semaphore_mem>>)
      %dma_wait3A = arith.constant 0 : i32
      %dma_wait3A_56 = tpu.memref_slice %arg5[%arg0, %mul3A_49, %dma_wait3A] : memref<2x10240x128xf32, #tpu.memory_space<hbm>> -> memref<1x640x64xf32, #tpu.memory_space<hbm>>
      %dma_wait3A_57 = tpu.memref_squeeze %dma_wait3A_56 : memref<1x640x64xf32, #tpu.memory_space<hbm>> -> memref<640x64xf32, #tpu.memory_space<hbm>>
      %dma_wait3A_58 = arith.constant 0 : i32
      %dma_wait3A_59 = tpu.memref_slice %arg8[%mul3A_47, %dma_wait3A_58] : memref<10240x64xf32, #tpu.memory_space<vmem_shared>> -> memref<640x64xf32, #tpu.memory_space<vmem_shared>>
      tpu.wait_dma2 semaphore(%run_scoped3A_50 : memref<!tpu.dma_semaphore, #tpu.memory_space<semaphore_mem>>) src(%dma_wait3A_59 : memref<640x64xf32, #tpu.memory_space<vmem_shared>>) dst(%dma_wait3A_57 : memref<640x64xf32, #tpu.memory_space<hbm>>)
      tpu.yield
    }) : () -> ()
    return
  }
}

#map = affine_map<(d0, d1) -> (0, 0, 0, 0)>
#map1 = affine_map<(d0, d1) -> (0, 0)>
#map2 = affine_map<(d0, d1) -> (0, 0, 0)>
module attributes {stable_mosaic.version = 14 : i64} {
  func.func @k(%arg0: i32, %arg1: i32, %arg2: memref<2x32x125x80xi32, #tpu.memory_space<hbm>>, %arg3: memref<80x16xf32, #tpu.memory_space<hbm>>, %arg4: memref<10240x16xf32, #tpu.memory_space<hbm>>, %arg5: memref<2x10240x128xf32, #tpu.memory_space<hbm>>, %arg6: memref<125x80xi32, #tpu.memory_space<vmem>>, %arg7: memref<80x16xf32, #tpu.memory_space<vmem>>, %arg8: memref<10240x16xf32, #tpu.memory_space<vmem_shared>>, %arg9: memref<!tpu.dma_semaphore, #tpu.memory_space<semaphore_mem>>, %arg10: memref<!tpu.dma_semaphore, #tpu.memory_space<semaphore_mem>>, %arg11: memref<!tpu.dma_semaphore, #tpu.memory_space<semaphore_mem>>, %arg12: memref<!tpu.dma_semaphore, #tpu.memory_space<semaphore_mem>>, %arg13: memref<!tpu.dma_semaphore, #tpu.memory_space<semaphore_mem>>) attributes {dimension_semantics = [#tpu.dimension_semantics<core_parallel>, #tpu.dimension_semantics<subcore_parallel>], iteration_bounds = array<i64: 2, 16>, scalar_prefetch = 0 : i64, scratch_operands = 8 : i64, tpu.core_type = #tpu.core_type<sc_vector_subcore>, window_params = [{transform_indices = #map}, {transform_indices = #map1}, {transform_indices = #map1}, {transform_indices = #map2}]} {
    %mul3A = arith.constant 2 : i32
    %mul3A_0 = arith.muli %arg1, %mul3A : i32
    %add3A = arith.addi %mul3A_0, %arg0 : i32
    %run_scoped3A = arith.constant 1 : i32
    "tpu.region"() ({
      %run_scoped3A_49 = tpu.sem_alloc : memref<!tpu.dma_semaphore, #tpu.memory_space<semaphore_mem>>
      %dma_start3A = arith.constant 0 : i32
      %dma_start3A_50 = arith.constant 0 : i32
      %dma_start3A_51 = tpu.memref_slice %arg2[%run_scoped3A, %add3A, %dma_start3A, %dma_start3A_50] : memref<2x32x125x80xi32, #tpu.memory_space<hbm>> -> memref<1x1x125x80xi32, #tpu.memory_space<hbm>>
      %dma_start3A_52 = tpu.memref_squeeze %dma_start3A_51 : memref<1x1x125x80xi32, #tpu.memory_space<hbm>> -> memref<125x80xi32, #tpu.memory_space<hbm>>
      %dma_start3A_53 = arith.constant 0 : i32
      %dma_start3A_54 = arith.constant 0 : i32
      %dma_start3A_55 = tpu.memref_slice %arg2[%run_scoped3A, %add3A, %dma_start3A_53, %dma_start3A_54] : memref<2x32x125x80xi32, #tpu.memory_space<hbm>> -> memref<1x1x125x80xi32, #tpu.memory_space<hbm>>
      %dma_start3A_56 = tpu.memref_squeeze %dma_start3A_55 : memref<1x1x125x80xi32, #tpu.memory_space<hbm>> -> memref<125x80xi32, #tpu.memory_space<hbm>>
      tpu.enqueue_dma source(%dma_start3A_56 : memref<125x80xi32, #tpu.memory_space<hbm>>) target(%arg6 : memref<125x80xi32, #tpu.memory_space<vmem>>) target_semaphore(%run_scoped3A_49 : memref<!tpu.dma_semaphore, #tpu.memory_space<semaphore_mem>>)
      %dma_wait3A_57 = arith.constant 0 : i32
      %dma_wait3A_58 = arith.constant 0 : i32
      %dma_wait3A_59 = tpu.memref_slice %arg2[%run_scoped3A, %add3A, %dma_wait3A_57, %dma_wait3A_58] : memref<2x32x125x80xi32, #tpu.memory_space<hbm>> -> memref<1x1x125x80xi32, #tpu.memory_space<hbm>>
      %dma_wait3A_60 = tpu.memref_squeeze %dma_wait3A_59 : memref<1x1x125x80xi32, #tpu.memory_space<hbm>> -> memref<125x80xi32, #tpu.memory_space<hbm>>
      %dma_wait3A_61 = arith.constant 0 : i32
      %dma_wait3A_62 = arith.constant 0 : i32
      %dma_wait3A_63 = tpu.memref_slice %arg2[%run_scoped3A, %add3A, %dma_wait3A_61, %dma_wait3A_62] : memref<2x32x125x80xi32, #tpu.memory_space<hbm>> -> memref<1x1x125x80xi32, #tpu.memory_space<hbm>>
      %dma_wait3A_64 = tpu.memref_squeeze %dma_wait3A_63 : memref<1x1x125x80xi32, #tpu.memory_space<hbm>> -> memref<125x80xi32, #tpu.memory_space<hbm>>
      tpu.wait_dma2 semaphore(%run_scoped3A_49 : memref<!tpu.dma_semaphore, #tpu.memory_space<semaphore_mem>>) src(%dma_wait3A_64 : memref<125x80xi32, #tpu.memory_space<hbm>>) dst(%arg6 : memref<125x80xi32, #tpu.memory_space<vmem>>)
      tpu.yield
    }) : () -> ()
    "tpu.region"() ({
      %run_scoped3A_49 = tpu.sem_alloc : memref<!tpu.dma_semaphore, #tpu.memory_space<semaphore_mem>>
      tpu.enqueue_dma source(%arg3 : memref<80x16xf32, #tpu.memory_space<hbm>>) target(%arg7 : memref<80x16xf32, #tpu.memory_space<vmem>>) target_semaphore(%run_scoped3A_49 : memref<!tpu.dma_semaphore, #tpu.memory_space<semaphore_mem>>)
      tpu.wait_dma2 semaphore(%run_scoped3A_49 : memref<!tpu.dma_semaphore, #tpu.memory_space<semaphore_mem>>) src(%arg3 : memref<80x16xf32, #tpu.memory_space<hbm>>) dst(%arg7 : memref<80x16xf32, #tpu.memory_space<vmem>>)
      tpu.yield
    }) : () -> ()
    %mul3A_1 = arith.constant 640 : i32
    %mul3A_2 = arith.muli %arg1, %mul3A_1 : i32
    %mul3A_3 = arith.constant 640 : i32
    %mul3A_4 = arith.muli %arg1, %mul3A_3 : i32
    "tpu.region"() ({
      %run_scoped3A_49 = tpu.sem_alloc : memref<!tpu.dma_semaphore, #tpu.memory_space<semaphore_mem>>
      %dma_start3A = arith.constant 0 : i32
      %dma_start3A_50 = tpu.memref_slice %arg8[%mul3A_4, %dma_start3A] : memref<10240x16xf32, #tpu.memory_space<vmem_shared>> -> memref<640x16xf32, #tpu.memory_space<vmem_shared>>
      %dma_start3A_51 = arith.constant 0 : i32
      %dma_start3A_52 = tpu.memref_slice %arg4[%mul3A_2, %dma_start3A_51] : memref<10240x16xf32, #tpu.memory_space<hbm>> -> memref<640x16xf32, #tpu.memory_space<hbm>>
      tpu.enqueue_dma source(%dma_start3A_52 : memref<640x16xf32, #tpu.memory_space<hbm>>) target(%dma_start3A_50 : memref<640x16xf32, #tpu.memory_space<vmem_shared>>) target_semaphore(%run_scoped3A_49 : memref<!tpu.dma_semaphore, #tpu.memory_space<semaphore_mem>>)
      %dma_wait3A_53 = arith.constant 0 : i32
      %dma_wait3A_54 = tpu.memref_slice %arg8[%mul3A_4, %dma_wait3A_53] : memref<10240x16xf32, #tpu.memory_space<vmem_shared>> -> memref<640x16xf32, #tpu.memory_space<vmem_shared>>
      %dma_wait3A_55 = arith.constant 0 : i32
      %dma_wait3A_56 = tpu.memref_slice %arg4[%mul3A_2, %dma_wait3A_55] : memref<10240x16xf32, #tpu.memory_space<hbm>> -> memref<640x16xf32, #tpu.memory_space<hbm>>
      tpu.wait_dma2 semaphore(%run_scoped3A_49 : memref<!tpu.dma_semaphore, #tpu.memory_space<semaphore_mem>>) src(%dma_wait3A_56 : memref<640x16xf32, #tpu.memory_space<hbm>>) dst(%dma_wait3A_54 : memref<640x16xf32, #tpu.memory_space<vmem_shared>>)
      tpu.yield
    }) : () -> ()
    %barrier3A = arith.constant 0 : index
    tpu.barrier barrier_id(%barrier3A)
    %scan3A = arith.constant 0 : i32
    %scan3A_5 = arith.constant 0 : i32
    %scan3A_6 = arith.constant 25 : i32
    %scan3A_7 = arith.addi %scan3A_5, %scan3A_6 : i32
    %scan3A_8 = arith.constant 1 : i32
    scf.for %scan3A_49 = %scan3A_5 to %scan3A_7 step %scan3A_8  : i32 {
      %mul3A_50 = arith.constant 5 : i32
      %mul3A_51 = arith.muli %mul3A_50, %scan3A_49 : i32
      %add3A_52 = arith.constant 0 : i32
      %add3A_53 = arith.addi %mul3A_51, %add3A_52 : i32
      %gt3A = arith.constant 0 : i32
      %gt3A_54 = arith.cmpi sgt, %scan3A_49, %gt3A : i32
      %convert_element_type3A = arith.extui %gt3A_54 : i1 to i32
      %cond3A = arith.constant 0 : i32
      %cond3A_55 = arith.cmpi ne, %convert_element_type3A, %cond3A : i32
      scf.if %cond3A_55 {
        %sub3A = arith.constant 5 : i32
        %sub3A_121 = arith.subi %add3A_53, %sub3A : i32
        %dma_wait3A_122 = arith.constant 0 : i32
        %dma_wait3A_123 = tpu.memref_slice %arg6[%sub3A_121, %dma_wait3A_122] : memref<125x80xi32, #tpu.memory_space<vmem>> -> memref<1x80xi32, #tpu.memory_space<vmem>>
        %dma_wait3A_124 = tpu.memref_squeeze %dma_wait3A_123 : memref<1x80xi32, #tpu.memory_space<vmem>> -> memref<80xi32, #tpu.memory_space<vmem>>
        %dma_wait3A_125 = arith.constant 0 : i32
        %dma_wait3A_126 = arith.constant 0 : i32
        %dma_wait3A_127 = tpu.memref_slice %arg8[%dma_wait3A_125, %dma_wait3A_126] : memref<10240x16xf32, #tpu.memory_space<vmem_shared>> -> memref<10240x16xf32, #tpu.memory_space<vmem_shared>>
        tpu.wait_indirect_dma semaphore(%arg9 : memref<!tpu.dma_semaphore, #tpu.memory_space<semaphore_mem>>) src(%arg7 : memref<80x16xf32, #tpu.memory_space<vmem>>) dst(%dma_wait3A_127 : memref<10240x16xf32, #tpu.memory_space<vmem_shared>>)
      } else {
      }
      %dma_start3A = arith.constant 0 : i32
      %dma_start3A_56 = tpu.memref_slice %arg6[%add3A_53, %dma_start3A] : memref<125x80xi32, #tpu.memory_space<vmem>> -> memref<1x80xi32, #tpu.memory_space<vmem>>
      %dma_start3A_57 = tpu.memref_squeeze %dma_start3A_56 : memref<1x80xi32, #tpu.memory_space<vmem>> -> memref<80xi32, #tpu.memory_space<vmem>>
      %dma_start3A_58 = arith.constant 0 : i32
      %dma_start3A_59 = arith.constant 0 : i32
      %dma_start3A_60 = tpu.memref_slice %arg8[%dma_start3A_58, %dma_start3A_59] : memref<10240x16xf32, #tpu.memory_space<vmem_shared>> -> memref<10240x16xf32, #tpu.memory_space<vmem_shared>>
      tpu.enqueue_indirect_dma source(%arg7 : memref<80x16xf32, #tpu.memory_space<vmem>>) target(%dma_start3A_60 : memref<10240x16xf32, #tpu.memory_space<vmem_shared>>) offsets(%dma_start3A_57 : memref<80xi32, #tpu.memory_space<vmem>>) semaphore(%arg9 : memref<!tpu.dma_semaphore, #tpu.memory_space<semaphore_mem>>) {add = true}
      %mul3A_61 = arith.constant 5 : i32
      %mul3A_62 = arith.muli %mul3A_61, %scan3A_49 : i32
      %add3A_63 = arith.constant 1 : i32
      %add3A_64 = arith.addi %mul3A_62, %add3A_63 : i32
      %gt3A_65 = arith.constant 0 : i32
      %gt3A_66 = arith.cmpi sgt, %scan3A_49, %gt3A_65 : i32
      %convert_element_type3A_67 = arith.extui %gt3A_66 : i1 to i32
      %cond3A_68 = arith.constant 0 : i32
      %cond3A_69 = arith.cmpi ne, %convert_element_type3A_67, %cond3A_68 : i32
      scf.if %cond3A_69 {
        %sub3A = arith.constant 5 : i32
        %sub3A_121 = arith.subi %add3A_64, %sub3A : i32
        %dma_wait3A_122 = arith.constant 0 : i32
        %dma_wait3A_123 = tpu.memref_slice %arg6[%sub3A_121, %dma_wait3A_122] : memref<125x80xi32, #tpu.memory_space<vmem>> -> memref<1x80xi32, #tpu.memory_space<vmem>>
        %dma_wait3A_124 = tpu.memref_squeeze %dma_wait3A_123 : memref<1x80xi32, #tpu.memory_space<vmem>> -> memref<80xi32, #tpu.memory_space<vmem>>
        %dma_wait3A_125 = arith.constant 0 : i32
        %dma_wait3A_126 = arith.constant 0 : i32
        %dma_wait3A_127 = tpu.memref_slice %arg8[%dma_wait3A_125, %dma_wait3A_126] : memref<10240x16xf32, #tpu.memory_space<vmem_shared>> -> memref<10240x16xf32, #tpu.memory_space<vmem_shared>>
        tpu.wait_indirect_dma semaphore(%arg10 : memref<!tpu.dma_semaphore, #tpu.memory_space<semaphore_mem>>) src(%arg7 : memref<80x16xf32, #tpu.memory_space<vmem>>) dst(%dma_wait3A_127 : memref<10240x16xf32, #tpu.memory_space<vmem_shared>>)
      } else {
      }
      %dma_start3A_70 = arith.constant 0 : i32
      %dma_start3A_71 = tpu.memref_slice %arg6[%add3A_64, %dma_start3A_70] : memref<125x80xi32, #tpu.memory_space<vmem>> -> memref<1x80xi32, #tpu.memory_space<vmem>>
      %dma_start3A_72 = tpu.memref_squeeze %dma_start3A_71 : memref<1x80xi32, #tpu.memory_space<vmem>> -> memref<80xi32, #tpu.memory_space<vmem>>
      %dma_start3A_73 = arith.constant 0 : i32
      %dma_start3A_74 = arith.constant 0 : i32
      %dma_start3A_75 = tpu.memref_slice %arg8[%dma_start3A_73, %dma_start3A_74] : memref<10240x16xf32, #tpu.memory_space<vmem_shared>> -> memref<10240x16xf32, #tpu.memory_space<vmem_shared>>
      tpu.enqueue_indirect_dma source(%arg7 : memref<80x16xf32, #tpu.memory_space<vmem>>) target(%dma_start3A_75 : memref<10240x16xf32, #tpu.memory_space<vmem_shared>>) offsets(%dma_start3A_72 : memref<80xi32, #tpu.memory_space<vmem>>) semaphore(%arg10 : memref<!tpu.dma_semaphore, #tpu.memory_space<semaphore_mem>>) {add = true}
      %mul3A_76 = arith.constant 5 : i32
      %mul3A_77 = arith.muli %mul3A_76, %scan3A_49 : i32
      %add3A_78 = arith.constant 2 : i32
      %add3A_79 = arith.addi %mul3A_77, %add3A_78 : i32
      %gt3A_80 = arith.constant 0 : i32
      %gt3A_81 = arith.cmpi sgt, %scan3A_49, %gt3A_80 : i32
      %convert_element_type3A_82 = arith.extui %gt3A_81 : i1 to i32
      %cond3A_83 = arith.constant 0 : i32
      %cond3A_84 = arith.cmpi ne, %convert_element_type3A_82, %cond3A_83 : i32
      scf.if %cond3A_84 {
        %sub3A = arith.constant 5 : i32
        %sub3A_121 = arith.subi %add3A_79, %sub3A : i32
        %dma_wait3A_122 = arith.constant 0 : i32
        %dma_wait3A_123 = tpu.memref_slice %arg6[%sub3A_121, %dma_wait3A_122] : memref<125x80xi32, #tpu.memory_space<vmem>> -> memref<1x80xi32, #tpu.memory_space<vmem>>
        %dma_wait3A_124 = tpu.memref_squeeze %dma_wait3A_123 : memref<1x80xi32, #tpu.memory_space<vmem>> -> memref<80xi32, #tpu.memory_space<vmem>>
        %dma_wait3A_125 = arith.constant 0 : i32
        %dma_wait3A_126 = arith.constant 0 : i32
        %dma_wait3A_127 = tpu.memref_slice %arg8[%dma_wait3A_125, %dma_wait3A_126] : memref<10240x16xf32, #tpu.memory_space<vmem_shared>> -> memref<10240x16xf32, #tpu.memory_space<vmem_shared>>
        tpu.wait_indirect_dma semaphore(%arg11 : memref<!tpu.dma_semaphore, #tpu.memory_space<semaphore_mem>>) src(%arg7 : memref<80x16xf32, #tpu.memory_space<vmem>>) dst(%dma_wait3A_127 : memref<10240x16xf32, #tpu.memory_space<vmem_shared>>)
      } else {
      }
      %dma_start3A_85 = arith.constant 0 : i32
      %dma_start3A_86 = tpu.memref_slice %arg6[%add3A_79, %dma_start3A_85] : memref<125x80xi32, #tpu.memory_space<vmem>> -> memref<1x80xi32, #tpu.memory_space<vmem>>
      %dma_start3A_87 = tpu.memref_squeeze %dma_start3A_86 : memref<1x80xi32, #tpu.memory_space<vmem>> -> memref<80xi32, #tpu.memory_space<vmem>>
      %dma_start3A_88 = arith.constant 0 : i32
      %dma_start3A_89 = arith.constant 0 : i32
      %dma_start3A_90 = tpu.memref_slice %arg8[%dma_start3A_88, %dma_start3A_89] : memref<10240x16xf32, #tpu.memory_space<vmem_shared>> -> memref<10240x16xf32, #tpu.memory_space<vmem_shared>>
      tpu.enqueue_indirect_dma source(%arg7 : memref<80x16xf32, #tpu.memory_space<vmem>>) target(%dma_start3A_90 : memref<10240x16xf32, #tpu.memory_space<vmem_shared>>) offsets(%dma_start3A_87 : memref<80xi32, #tpu.memory_space<vmem>>) semaphore(%arg11 : memref<!tpu.dma_semaphore, #tpu.memory_space<semaphore_mem>>) {add = true}
      %mul3A_91 = arith.constant 5 : i32
      %mul3A_92 = arith.muli %mul3A_91, %scan3A_49 : i32
      %add3A_93 = arith.constant 3 : i32
      %add3A_94 = arith.addi %mul3A_92, %add3A_93 : i32
      %gt3A_95 = arith.constant 0 : i32
      %gt3A_96 = arith.cmpi sgt, %scan3A_49, %gt3A_95 : i32
      %convert_element_type3A_97 = arith.extui %gt3A_96 : i1 to i32
      %cond3A_98 = arith.constant 0 : i32
      %cond3A_99 = arith.cmpi ne, %convert_element_type3A_97, %cond3A_98 : i32
      scf.if %cond3A_99 {
        %sub3A = arith.constant 5 : i32
        %sub3A_121 = arith.subi %add3A_94, %sub3A : i32
        %dma_wait3A_122 = arith.constant 0 : i32
        %dma_wait3A_123 = tpu.memref_slice %arg6[%sub3A_121, %dma_wait3A_122] : memref<125x80xi32, #tpu.memory_space<vmem>> -> memref<1x80xi32, #tpu.memory_space<vmem>>
        %dma_wait3A_124 = tpu.memref_squeeze %dma_wait3A_123 : memref<1x80xi32, #tpu.memory_space<vmem>> -> memref<80xi32, #tpu.memory_space<vmem>>
        %dma_wait3A_125 = arith.constant 0 : i32
        %dma_wait3A_126 = arith.constant 0 : i32
        %dma_wait3A_127 = tpu.memref_slice %arg8[%dma_wait3A_125, %dma_wait3A_126] : memref<10240x16xf32, #tpu.memory_space<vmem_shared>> -> memref<10240x16xf32, #tpu.memory_space<vmem_shared>>
        tpu.wait_indirect_dma semaphore(%arg12 : memref<!tpu.dma_semaphore, #tpu.memory_space<semaphore_mem>>) src(%arg7 : memref<80x16xf32, #tpu.memory_space<vmem>>) dst(%dma_wait3A_127 : memref<10240x16xf32, #tpu.memory_space<vmem_shared>>)
      } else {
      }
      %dma_start3A_100 = arith.constant 0 : i32
      %dma_start3A_101 = tpu.memref_slice %arg6[%add3A_94, %dma_start3A_100] : memref<125x80xi32, #tpu.memory_space<vmem>> -> memref<1x80xi32, #tpu.memory_space<vmem>>
      %dma_start3A_102 = tpu.memref_squeeze %dma_start3A_101 : memref<1x80xi32, #tpu.memory_space<vmem>> -> memref<80xi32, #tpu.memory_space<vmem>>
      %dma_start3A_103 = arith.constant 0 : i32
      %dma_start3A_104 = arith.constant 0 : i32
      %dma_start3A_105 = tpu.memref_slice %arg8[%dma_start3A_103, %dma_start3A_104] : memref<10240x16xf32, #tpu.memory_space<vmem_shared>> -> memref<10240x16xf32, #tpu.memory_space<vmem_shared>>
      tpu.enqueue_indirect_dma source(%arg7 : memref<80x16xf32, #tpu.memory_space<vmem>>) target(%dma_start3A_105 : memref<10240x16xf32, #tpu.memory_space<vmem_shared>>) offsets(%dma_start3A_102 : memref<80xi32, #tpu.memory_space<vmem>>) semaphore(%arg12 : memref<!tpu.dma_semaphore, #tpu.memory_space<semaphore_mem>>) {add = true}
      %mul3A_106 = arith.constant 5 : i32
      %mul3A_107 = arith.muli %mul3A_106, %scan3A_49 : i32
      %add3A_108 = arith.constant 4 : i32
      %add3A_109 = arith.addi %mul3A_107, %add3A_108 : i32
      %gt3A_110 = arith.constant 0 : i32
      %gt3A_111 = arith.cmpi sgt, %scan3A_49, %gt3A_110 : i32
      %convert_element_type3A_112 = arith.extui %gt3A_111 : i1 to i32
      %cond3A_113 = arith.constant 0 : i32
      %cond3A_114 = arith.cmpi ne, %convert_element_type3A_112, %cond3A_113 : i32
      scf.if %cond3A_114 {
        %sub3A = arith.constant 5 : i32
        %sub3A_121 = arith.subi %add3A_109, %sub3A : i32
        %dma_wait3A_122 = arith.constant 0 : i32
        %dma_wait3A_123 = tpu.memref_slice %arg6[%sub3A_121, %dma_wait3A_122] : memref<125x80xi32, #tpu.memory_space<vmem>> -> memref<1x80xi32, #tpu.memory_space<vmem>>
        %dma_wait3A_124 = tpu.memref_squeeze %dma_wait3A_123 : memref<1x80xi32, #tpu.memory_space<vmem>> -> memref<80xi32, #tpu.memory_space<vmem>>
        %dma_wait3A_125 = arith.constant 0 : i32
        %dma_wait3A_126 = arith.constant 0 : i32
        %dma_wait3A_127 = tpu.memref_slice %arg8[%dma_wait3A_125, %dma_wait3A_126] : memref<10240x16xf32, #tpu.memory_space<vmem_shared>> -> memref<10240x16xf32, #tpu.memory_space<vmem_shared>>
        tpu.wait_indirect_dma semaphore(%arg13 : memref<!tpu.dma_semaphore, #tpu.memory_space<semaphore_mem>>) src(%arg7 : memref<80x16xf32, #tpu.memory_space<vmem>>) dst(%dma_wait3A_127 : memref<10240x16xf32, #tpu.memory_space<vmem_shared>>)
      } else {
      }
      %dma_start3A_115 = arith.constant 0 : i32
      %dma_start3A_116 = tpu.memref_slice %arg6[%add3A_109, %dma_start3A_115] : memref<125x80xi32, #tpu.memory_space<vmem>> -> memref<1x80xi32, #tpu.memory_space<vmem>>
      %dma_start3A_117 = tpu.memref_squeeze %dma_start3A_116 : memref<1x80xi32, #tpu.memory_space<vmem>> -> memref<80xi32, #tpu.memory_space<vmem>>
      %dma_start3A_118 = arith.constant 0 : i32
      %dma_start3A_119 = arith.constant 0 : i32
      %dma_start3A_120 = tpu.memref_slice %arg8[%dma_start3A_118, %dma_start3A_119] : memref<10240x16xf32, #tpu.memory_space<vmem_shared>> -> memref<10240x16xf32, #tpu.memory_space<vmem_shared>>
      tpu.enqueue_indirect_dma source(%arg7 : memref<80x16xf32, #tpu.memory_space<vmem>>) target(%dma_start3A_120 : memref<10240x16xf32, #tpu.memory_space<vmem_shared>>) offsets(%dma_start3A_117 : memref<80xi32, #tpu.memory_space<vmem>>) semaphore(%arg13 : memref<!tpu.dma_semaphore, #tpu.memory_space<semaphore_mem>>) {add = true}
    }
    %scan3A_9 = arith.constant 25 : i32
    %dma_wait3A = arith.constant 120 : i32
    %dma_wait3A_10 = arith.constant 0 : i32
    %dma_wait3A_11 = tpu.memref_slice %arg6[%dma_wait3A, %dma_wait3A_10] : memref<125x80xi32, #tpu.memory_space<vmem>> -> memref<1x80xi32, #tpu.memory_space<vmem>>
    %dma_wait3A_12 = tpu.memref_squeeze %dma_wait3A_11 : memref<1x80xi32, #tpu.memory_space<vmem>> -> memref<80xi32, #tpu.memory_space<vmem>>
    %dma_wait3A_13 = arith.constant 0 : i32
    %dma_wait3A_14 = arith.constant 0 : i32
    %dma_wait3A_15 = tpu.memref_slice %arg8[%dma_wait3A_13, %dma_wait3A_14] : memref<10240x16xf32, #tpu.memory_space<vmem_shared>> -> memref<10240x16xf32, #tpu.memory_space<vmem_shared>>
    tpu.wait_indirect_dma semaphore(%arg9 : memref<!tpu.dma_semaphore, #tpu.memory_space<semaphore_mem>>) src(%arg7 : memref<80x16xf32, #tpu.memory_space<vmem>>) dst(%dma_wait3A_15 : memref<10240x16xf32, #tpu.memory_space<vmem_shared>>)
    %dma_wait3A_16 = arith.constant 121 : i32
    %dma_wait3A_17 = arith.constant 0 : i32
    %dma_wait3A_18 = tpu.memref_slice %arg6[%dma_wait3A_16, %dma_wait3A_17] : memref<125x80xi32, #tpu.memory_space<vmem>> -> memref<1x80xi32, #tpu.memory_space<vmem>>
    %dma_wait3A_19 = tpu.memref_squeeze %dma_wait3A_18 : memref<1x80xi32, #tpu.memory_space<vmem>> -> memref<80xi32, #tpu.memory_space<vmem>>
    %dma_wait3A_20 = arith.constant 0 : i32
    %dma_wait3A_21 = arith.constant 0 : i32
    %dma_wait3A_22 = tpu.memref_slice %arg8[%dma_wait3A_20, %dma_wait3A_21] : memref<10240x16xf32, #tpu.memory_space<vmem_shared>> -> memref<10240x16xf32, #tpu.memory_space<vmem_shared>>
    tpu.wait_indirect_dma semaphore(%arg10 : memref<!tpu.dma_semaphore, #tpu.memory_space<semaphore_mem>>) src(%arg7 : memref<80x16xf32, #tpu.memory_space<vmem>>) dst(%dma_wait3A_22 : memref<10240x16xf32, #tpu.memory_space<vmem_shared>>)
    %dma_wait3A_23 = arith.constant 122 : i32
    %dma_wait3A_24 = arith.constant 0 : i32
    %dma_wait3A_25 = tpu.memref_slice %arg6[%dma_wait3A_23, %dma_wait3A_24] : memref<125x80xi32, #tpu.memory_space<vmem>> -> memref<1x80xi32, #tpu.memory_space<vmem>>
    %dma_wait3A_26 = tpu.memref_squeeze %dma_wait3A_25 : memref<1x80xi32, #tpu.memory_space<vmem>> -> memref<80xi32, #tpu.memory_space<vmem>>
    %dma_wait3A_27 = arith.constant 0 : i32
    %dma_wait3A_28 = arith.constant 0 : i32
    %dma_wait3A_29 = tpu.memref_slice %arg8[%dma_wait3A_27, %dma_wait3A_28] : memref<10240x16xf32, #tpu.memory_space<vmem_shared>> -> memref<10240x16xf32, #tpu.memory_space<vmem_shared>>
    tpu.wait_indirect_dma semaphore(%arg11 : memref<!tpu.dma_semaphore, #tpu.memory_space<semaphore_mem>>) src(%arg7 : memref<80x16xf32, #tpu.memory_space<vmem>>) dst(%dma_wait3A_29 : memref<10240x16xf32, #tpu.memory_space<vmem_shared>>)
    %dma_wait3A_30 = arith.constant 123 : i32
    %dma_wait3A_31 = arith.constant 0 : i32
    %dma_wait3A_32 = tpu.memref_slice %arg6[%dma_wait3A_30, %dma_wait3A_31] : memref<125x80xi32, #tpu.memory_space<vmem>> -> memref<1x80xi32, #tpu.memory_space<vmem>>
    %dma_wait3A_33 = tpu.memref_squeeze %dma_wait3A_32 : memref<1x80xi32, #tpu.memory_space<vmem>> -> memref<80xi32, #tpu.memory_space<vmem>>
    %dma_wait3A_34 = arith.constant 0 : i32
    %dma_wait3A_35 = arith.constant 0 : i32
    %dma_wait3A_36 = tpu.memref_slice %arg8[%dma_wait3A_34, %dma_wait3A_35] : memref<10240x16xf32, #tpu.memory_space<vmem_shared>> -> memref<10240x16xf32, #tpu.memory_space<vmem_shared>>
    tpu.wait_indirect_dma semaphore(%arg12 : memref<!tpu.dma_semaphore, #tpu.memory_space<semaphore_mem>>) src(%arg7 : memref<80x16xf32, #tpu.memory_space<vmem>>) dst(%dma_wait3A_36 : memref<10240x16xf32, #tpu.memory_space<vmem_shared>>)
    %dma_wait3A_37 = arith.constant 124 : i32
    %dma_wait3A_38 = arith.constant 0 : i32
    %dma_wait3A_39 = tpu.memref_slice %arg6[%dma_wait3A_37, %dma_wait3A_38] : memref<125x80xi32, #tpu.memory_space<vmem>> -> memref<1x80xi32, #tpu.memory_space<vmem>>
    %dma_wait3A_40 = tpu.memref_squeeze %dma_wait3A_39 : memref<1x80xi32, #tpu.memory_space<vmem>> -> memref<80xi32, #tpu.memory_space<vmem>>
    %dma_wait3A_41 = arith.constant 0 : i32
    %dma_wait3A_42 = arith.constant 0 : i32
    %dma_wait3A_43 = tpu.memref_slice %arg8[%dma_wait3A_41, %dma_wait3A_42] : memref<10240x16xf32, #tpu.memory_space<vmem_shared>> -> memref<10240x16xf32, #tpu.memory_space<vmem_shared>>
    tpu.wait_indirect_dma semaphore(%arg13 : memref<!tpu.dma_semaphore, #tpu.memory_space<semaphore_mem>>) src(%arg7 : memref<80x16xf32, #tpu.memory_space<vmem>>) dst(%dma_wait3A_43 : memref<10240x16xf32, #tpu.memory_space<vmem_shared>>)
    %barrier3A_44 = arith.constant 0 : index
    tpu.barrier barrier_id(%barrier3A_44)
    %mul3A_45 = arith.constant 640 : i32
    %mul3A_46 = arith.muli %arg1, %mul3A_45 : i32
    %mul3A_47 = arith.constant 640 : i32
    %mul3A_48 = arith.muli %arg1, %mul3A_47 : i32
    "tpu.region"() ({
      %run_scoped3A_49 = tpu.sem_alloc : memref<!tpu.dma_semaphore, #tpu.memory_space<semaphore_mem>>
      %dma_start3A = arith.constant 0 : i32
      %dma_start3A_50 = tpu.memref_slice %arg5[%arg0, %mul3A_48, %dma_start3A] : memref<2x10240x128xf32, #tpu.memory_space<hbm>> -> memref<1x640x16xf32, #tpu.memory_space<hbm>>
      %dma_start3A_51 = tpu.memref_squeeze %dma_start3A_50 : memref<1x640x16xf32, #tpu.memory_space<hbm>> -> memref<640x16xf32, #tpu.memory_space<hbm>>
      %dma_start3A_52 = arith.constant 0 : i32
      %dma_start3A_53 = tpu.memref_slice %arg8[%mul3A_46, %dma_start3A_52] : memref<10240x16xf32, #tpu.memory_space<vmem_shared>> -> memref<640x16xf32, #tpu.memory_space<vmem_shared>>
      tpu.enqueue_dma source(%dma_start3A_53 : memref<640x16xf32, #tpu.memory_space<vmem_shared>>) target(%dma_start3A_51 : memref<640x16xf32, #tpu.memory_space<hbm>>) target_semaphore(%run_scoped3A_49 : memref<!tpu.dma_semaphore, #tpu.memory_space<semaphore_mem>>)
      %dma_wait3A_54 = arith.constant 0 : i32
      %dma_wait3A_55 = tpu.memref_slice %arg5[%arg0, %mul3A_48, %dma_wait3A_54] : memref<2x10240x128xf32, #tpu.memory_space<hbm>> -> memref<1x640x16xf32, #tpu.memory_space<hbm>>
      %dma_wait3A_56 = tpu.memref_squeeze %dma_wait3A_55 : memref<1x640x16xf32, #tpu.memory_space<hbm>> -> memref<640x16xf32, #tpu.memory_space<hbm>>
      %dma_wait3A_57 = arith.constant 0 : i32
      %dma_wait3A_58 = tpu.memref_slice %arg8[%mul3A_46, %dma_wait3A_57] : memref<10240x16xf32, #tpu.memory_space<vmem_shared>> -> memref<640x16xf32, #tpu.memory_space<vmem_shared>>
      tpu.wait_dma2 semaphore(%run_scoped3A_49 : memref<!tpu.dma_semaphore, #tpu.memory_space<semaphore_mem>>) src(%dma_wait3A_58 : memref<640x16xf32, #tpu.memory_space<vmem_shared>>) dst(%dma_wait3A_56 : memref<640x16xf32, #tpu.memory_space<hbm>>)
      tpu.yield
    }) : () -> ()
    return
  }
}

#map = affine_map<(d0, d1) -> (0, 0)>
#map1 = affine_map<(d0, d1) -> (0, 0, 0, 0)>
#map2 = affine_map<(d0, d1) -> (0, 0, 0)>
module attributes {stable_mosaic.version = 14 : i64} {
  func.func @k(%arg0: i32, %arg1: i32, %arg2: memref<10240x32xf32, #tpu.memory_space<hbm>>, %arg3: memref<2x32x125x80xi32, #tpu.memory_space<hbm>>, %arg4: memref<10240x32xf32, #tpu.memory_space<hbm>>, %arg5: memref<2x10240x128xf32, #tpu.memory_space<hbm>>, %arg6: memref<125x80xi32, #tpu.memory_space<vmem>>, %arg7: memref<125x80xi32, #tpu.memory_space<vmem>>, %arg8: memref<10240x32xf32, #tpu.memory_space<vmem_shared>>, %arg9: memref<80x32xf32, #tpu.memory_space<vmem>>, %arg10: memref<80x32xf32, #tpu.memory_space<vmem>>, %arg11: memref<80x32xf32, #tpu.memory_space<vmem>>, %arg12: memref<80x32xf32, #tpu.memory_space<vmem>>, %arg13: memref<80x32xf32, #tpu.memory_space<vmem>>, %arg14: memref<!tpu.dma_semaphore, #tpu.memory_space<semaphore_mem>>, %arg15: memref<!tpu.dma_semaphore, #tpu.memory_space<semaphore_mem>>, %arg16: memref<!tpu.dma_semaphore, #tpu.memory_space<semaphore_mem>>, %arg17: memref<!tpu.dma_semaphore, #tpu.memory_space<semaphore_mem>>, %arg18: memref<!tpu.dma_semaphore, #tpu.memory_space<semaphore_mem>>) attributes {dimension_semantics = [#tpu.dimension_semantics<core_parallel>, #tpu.dimension_semantics<subcore_parallel>], iteration_bounds = array<i64: 2, 16>, scalar_prefetch = 0 : i64, scratch_operands = 13 : i64, tpu.core_type = #tpu.core_type<sc_vector_subcore>, window_params = [{transform_indices = #map}, {transform_indices = #map1}, {transform_indices = #map}, {transform_indices = #map2}]} {
    %mul3A = arith.constant 2 : i32
    %mul3A_0 = arith.muli %arg1, %mul3A : i32
    %add3A = arith.addi %mul3A_0, %arg0 : i32
    %run_scoped3A = arith.constant 0 : i32
    "tpu.region"() ({
      %run_scoped3A_50 = tpu.sem_alloc : memref<!tpu.dma_semaphore, #tpu.memory_space<semaphore_mem>>
      %dma_start3A_51 = arith.constant 0 : i32
      %dma_start3A_52 = arith.constant 0 : i32
      %dma_start3A_53 = tpu.memref_slice %arg3[%run_scoped3A, %add3A, %dma_start3A_51, %dma_start3A_52] : memref<2x32x125x80xi32, #tpu.memory_space<hbm>> -> memref<1x1x125x80xi32, #tpu.memory_space<hbm>>
      %dma_start3A_54 = tpu.memref_squeeze %dma_start3A_53 : memref<1x1x125x80xi32, #tpu.memory_space<hbm>> -> memref<125x80xi32, #tpu.memory_space<hbm>>
      %dma_start3A_55 = arith.constant 0 : i32
      %dma_start3A_56 = arith.constant 0 : i32
      %dma_start3A_57 = tpu.memref_slice %arg3[%run_scoped3A, %add3A, %dma_start3A_55, %dma_start3A_56] : memref<2x32x125x80xi32, #tpu.memory_space<hbm>> -> memref<1x1x125x80xi32, #tpu.memory_space<hbm>>
      %dma_start3A_58 = tpu.memref_squeeze %dma_start3A_57 : memref<1x1x125x80xi32, #tpu.memory_space<hbm>> -> memref<125x80xi32, #tpu.memory_space<hbm>>
      tpu.enqueue_dma source(%dma_start3A_58 : memref<125x80xi32, #tpu.memory_space<hbm>>) target(%arg6 : memref<125x80xi32, #tpu.memory_space<vmem>>) target_semaphore(%run_scoped3A_50 : memref<!tpu.dma_semaphore, #tpu.memory_space<semaphore_mem>>)
      %dma_wait3A = arith.constant 0 : i32
      %dma_wait3A_59 = arith.constant 0 : i32
      %dma_wait3A_60 = tpu.memref_slice %arg3[%run_scoped3A, %add3A, %dma_wait3A, %dma_wait3A_59] : memref<2x32x125x80xi32, #tpu.memory_space<hbm>> -> memref<1x1x125x80xi32, #tpu.memory_space<hbm>>
      %dma_wait3A_61 = tpu.memref_squeeze %dma_wait3A_60 : memref<1x1x125x80xi32, #tpu.memory_space<hbm>> -> memref<125x80xi32, #tpu.memory_space<hbm>>
      %dma_wait3A_62 = arith.constant 0 : i32
      %dma_wait3A_63 = arith.constant 0 : i32
      %dma_wait3A_64 = tpu.memref_slice %arg3[%run_scoped3A, %add3A, %dma_wait3A_62, %dma_wait3A_63] : memref<2x32x125x80xi32, #tpu.memory_space<hbm>> -> memref<1x1x125x80xi32, #tpu.memory_space<hbm>>
      %dma_wait3A_65 = tpu.memref_squeeze %dma_wait3A_64 : memref<1x1x125x80xi32, #tpu.memory_space<hbm>> -> memref<125x80xi32, #tpu.memory_space<hbm>>
      tpu.wait_dma2 semaphore(%run_scoped3A_50 : memref<!tpu.dma_semaphore, #tpu.memory_space<semaphore_mem>>) src(%dma_wait3A_65 : memref<125x80xi32, #tpu.memory_space<hbm>>) dst(%arg6 : memref<125x80xi32, #tpu.memory_space<vmem>>)
      tpu.yield
    }) : () -> ()
    %run_scoped3A_1 = arith.constant 1 : i32
    "tpu.region"() ({
      %run_scoped3A_50 = tpu.sem_alloc : memref<!tpu.dma_semaphore, #tpu.memory_space<semaphore_mem>>
      %dma_start3A_51 = arith.constant 0 : i32
      %dma_start3A_52 = arith.constant 0 : i32
      %dma_start3A_53 = tpu.memref_slice %arg3[%run_scoped3A_1, %add3A, %dma_start3A_51, %dma_start3A_52] : memref<2x32x125x80xi32, #tpu.memory_space<hbm>> -> memref<1x1x125x80xi32, #tpu.memory_space<hbm>>
      %dma_start3A_54 = tpu.memref_squeeze %dma_start3A_53 : memref<1x1x125x80xi32, #tpu.memory_space<hbm>> -> memref<125x80xi32, #tpu.memory_space<hbm>>
      %dma_start3A_55 = arith.constant 0 : i32
      %dma_start3A_56 = arith.constant 0 : i32
      %dma_start3A_57 = tpu.memref_slice %arg3[%run_scoped3A_1, %add3A, %dma_start3A_55, %dma_start3A_56] : memref<2x32x125x80xi32, #tpu.memory_space<hbm>> -> memref<1x1x125x80xi32, #tpu.memory_space<hbm>>
      %dma_start3A_58 = tpu.memref_squeeze %dma_start3A_57 : memref<1x1x125x80xi32, #tpu.memory_space<hbm>> -> memref<125x80xi32, #tpu.memory_space<hbm>>
      tpu.enqueue_dma source(%dma_start3A_58 : memref<125x80xi32, #tpu.memory_space<hbm>>) target(%arg7 : memref<125x80xi32, #tpu.memory_space<vmem>>) target_semaphore(%run_scoped3A_50 : memref<!tpu.dma_semaphore, #tpu.memory_space<semaphore_mem>>)
      %dma_wait3A = arith.constant 0 : i32
      %dma_wait3A_59 = arith.constant 0 : i32
      %dma_wait3A_60 = tpu.memref_slice %arg3[%run_scoped3A_1, %add3A, %dma_wait3A, %dma_wait3A_59] : memref<2x32x125x80xi32, #tpu.memory_space<hbm>> -> memref<1x1x125x80xi32, #tpu.memory_space<hbm>>
      %dma_wait3A_61 = tpu.memref_squeeze %dma_wait3A_60 : memref<1x1x125x80xi32, #tpu.memory_space<hbm>> -> memref<125x80xi32, #tpu.memory_space<hbm>>
      %dma_wait3A_62 = arith.constant 0 : i32
      %dma_wait3A_63 = arith.constant 0 : i32
      %dma_wait3A_64 = tpu.memref_slice %arg3[%run_scoped3A_1, %add3A, %dma_wait3A_62, %dma_wait3A_63] : memref<2x32x125x80xi32, #tpu.memory_space<hbm>> -> memref<1x1x125x80xi32, #tpu.memory_space<hbm>>
      %dma_wait3A_65 = tpu.memref_squeeze %dma_wait3A_64 : memref<1x1x125x80xi32, #tpu.memory_space<hbm>> -> memref<125x80xi32, #tpu.memory_space<hbm>>
      tpu.wait_dma2 semaphore(%run_scoped3A_50 : memref<!tpu.dma_semaphore, #tpu.memory_space<semaphore_mem>>) src(%dma_wait3A_65 : memref<125x80xi32, #tpu.memory_space<hbm>>) dst(%arg7 : memref<125x80xi32, #tpu.memory_space<vmem>>)
      tpu.yield
    }) : () -> ()
    %mul3A_2 = arith.constant 640 : i32
    %mul3A_3 = arith.muli %arg1, %mul3A_2 : i32
    %mul3A_4 = arith.constant 640 : i32
    %mul3A_5 = arith.muli %arg1, %mul3A_4 : i32
    "tpu.region"() ({
      %run_scoped3A_50 = tpu.sem_alloc : memref<!tpu.dma_semaphore, #tpu.memory_space<semaphore_mem>>
      %dma_start3A_51 = arith.constant 0 : i32
      %dma_start3A_52 = tpu.memref_slice %arg8[%mul3A_5, %dma_start3A_51] : memref<10240x32xf32, #tpu.memory_space<vmem_shared>> -> memref<640x32xf32, #tpu.memory_space<vmem_shared>>
      %dma_start3A_53 = arith.constant 0 : i32
      %dma_start3A_54 = tpu.memref_slice %arg4[%mul3A_3, %dma_start3A_53] : memref<10240x32xf32, #tpu.memory_space<hbm>> -> memref<640x32xf32, #tpu.memory_space<hbm>>
      tpu.enqueue_dma source(%dma_start3A_54 : memref<640x32xf32, #tpu.memory_space<hbm>>) target(%dma_start3A_52 : memref<640x32xf32, #tpu.memory_space<vmem_shared>>) target_semaphore(%run_scoped3A_50 : memref<!tpu.dma_semaphore, #tpu.memory_space<semaphore_mem>>)
      %dma_wait3A = arith.constant 0 : i32
      %dma_wait3A_55 = tpu.memref_slice %arg8[%mul3A_5, %dma_wait3A] : memref<10240x32xf32, #tpu.memory_space<vmem_shared>> -> memref<640x32xf32, #tpu.memory_space<vmem_shared>>
      %dma_wait3A_56 = arith.constant 0 : i32
      %dma_wait3A_57 = tpu.memref_slice %arg4[%mul3A_3, %dma_wait3A_56] : memref<10240x32xf32, #tpu.memory_space<hbm>> -> memref<640x32xf32, #tpu.memory_space<hbm>>
      tpu.wait_dma2 semaphore(%run_scoped3A_50 : memref<!tpu.dma_semaphore, #tpu.memory_space<semaphore_mem>>) src(%dma_wait3A_57 : memref<640x32xf32, #tpu.memory_space<hbm>>) dst(%dma_wait3A_55 : memref<640x32xf32, #tpu.memory_space<vmem_shared>>)
      tpu.yield
    }) : () -> ()
    %barrier3A = arith.constant 0 : index
    tpu.barrier barrier_id(%barrier3A)
    %dma_start3A = arith.constant 0 : i32
    %dma_start3A_6 = arith.constant 0 : i32
    %dma_start3A_7 = tpu.memref_slice %arg6[%dma_start3A, %dma_start3A_6] : memref<125x80xi32, #tpu.memory_space<vmem>> -> memref<1x80xi32, #tpu.memory_space<vmem>>
    %dma_start3A_8 = tpu.memref_squeeze %dma_start3A_7 : memref<1x80xi32, #tpu.memory_space<vmem>> -> memref<80xi32, #tpu.memory_space<vmem>>
    %dma_start3A_9 = arith.constant 0 : i32
    %dma_start3A_10 = arith.constant 0 : i32
    %dma_start3A_11 = tpu.memref_slice %arg2[%dma_start3A_9, %dma_start3A_10] : memref<10240x32xf32, #tpu.memory_space<hbm>> -> memref<10240x32xf32, #tpu.memory_space<hbm>>
    tpu.enqueue_indirect_dma source(%dma_start3A_11 : memref<10240x32xf32, #tpu.memory_space<hbm>>) target(%arg9 : memref<80x32xf32, #tpu.memory_space<vmem>>) offsets(%dma_start3A_8 : memref<80xi32, #tpu.memory_space<vmem>>) semaphore(%arg14 : memref<!tpu.dma_semaphore, #tpu.memory_space<semaphore_mem>>)
    %dma_start3A_12 = arith.constant 1 : i32
    %dma_start3A_13 = arith.constant 0 : i32
    %dma_start3A_14 = tpu.memref_slice %arg6[%dma_start3A_12, %dma_start3A_13] : memref<125x80xi32, #tpu.memory_space<vmem>> -> memref<1x80xi32, #tpu.memory_space<vmem>>
    %dma_start3A_15 = tpu.memref_squeeze %dma_start3A_14 : memref<1x80xi32, #tpu.memory_space<vmem>> -> memref<80xi32, #tpu.memory_space<vmem>>
    %dma_start3A_16 = arith.constant 0 : i32
    %dma_start3A_17 = arith.constant 0 : i32
    %dma_start3A_18 = tpu.memref_slice %arg2[%dma_start3A_16, %dma_start3A_17] : memref<10240x32xf32, #tpu.memory_space<hbm>> -> memref<10240x32xf32, #tpu.memory_space<hbm>>
    tpu.enqueue_indirect_dma source(%dma_start3A_18 : memref<10240x32xf32, #tpu.memory_space<hbm>>) target(%arg10 : memref<80x32xf32, #tpu.memory_space<vmem>>) offsets(%dma_start3A_15 : memref<80xi32, #tpu.memory_space<vmem>>) semaphore(%arg15 : memref<!tpu.dma_semaphore, #tpu.memory_space<semaphore_mem>>)
    %dma_start3A_19 = arith.constant 2 : i32
    %dma_start3A_20 = arith.constant 0 : i32
    %dma_start3A_21 = tpu.memref_slice %arg6[%dma_start3A_19, %dma_start3A_20] : memref<125x80xi32, #tpu.memory_space<vmem>> -> memref<1x80xi32, #tpu.memory_space<vmem>>
    %dma_start3A_22 = tpu.memref_squeeze %dma_start3A_21 : memref<1x80xi32, #tpu.memory_space<vmem>> -> memref<80xi32, #tpu.memory_space<vmem>>
    %dma_start3A_23 = arith.constant 0 : i32
    %dma_start3A_24 = arith.constant 0 : i32
    %dma_start3A_25 = tpu.memref_slice %arg2[%dma_start3A_23, %dma_start3A_24] : memref<10240x32xf32, #tpu.memory_space<hbm>> -> memref<10240x32xf32, #tpu.memory_space<hbm>>
    tpu.enqueue_indirect_dma source(%dma_start3A_25 : memref<10240x32xf32, #tpu.memory_space<hbm>>) target(%arg11 : memref<80x32xf32, #tpu.memory_space<vmem>>) offsets(%dma_start3A_22 : memref<80xi32, #tpu.memory_space<vmem>>) semaphore(%arg16 : memref<!tpu.dma_semaphore, #tpu.memory_space<semaphore_mem>>)
    %dma_start3A_26 = arith.constant 3 : i32
    %dma_start3A_27 = arith.constant 0 : i32
    %dma_start3A_28 = tpu.memref_slice %arg6[%dma_start3A_26, %dma_start3A_27] : memref<125x80xi32, #tpu.memory_space<vmem>> -> memref<1x80xi32, #tpu.memory_space<vmem>>
    %dma_start3A_29 = tpu.memref_squeeze %dma_start3A_28 : memref<1x80xi32, #tpu.memory_space<vmem>> -> memref<80xi32, #tpu.memory_space<vmem>>
    %dma_start3A_30 = arith.constant 0 : i32
    %dma_start3A_31 = arith.constant 0 : i32
    %dma_start3A_32 = tpu.memref_slice %arg2[%dma_start3A_30, %dma_start3A_31] : memref<10240x32xf32, #tpu.memory_space<hbm>> -> memref<10240x32xf32, #tpu.memory_space<hbm>>
    tpu.enqueue_indirect_dma source(%dma_start3A_32 : memref<10240x32xf32, #tpu.memory_space<hbm>>) target(%arg12 : memref<80x32xf32, #tpu.memory_space<vmem>>) offsets(%dma_start3A_29 : memref<80xi32, #tpu.memory_space<vmem>>) semaphore(%arg17 : memref<!tpu.dma_semaphore, #tpu.memory_space<semaphore_mem>>)
    %dma_start3A_33 = arith.constant 4 : i32
    %dma_start3A_34 = arith.constant 0 : i32
    %dma_start3A_35 = tpu.memref_slice %arg6[%dma_start3A_33, %dma_start3A_34] : memref<125x80xi32, #tpu.memory_space<vmem>> -> memref<1x80xi32, #tpu.memory_space<vmem>>
    %dma_start3A_36 = tpu.memref_squeeze %dma_start3A_35 : memref<1x80xi32, #tpu.memory_space<vmem>> -> memref<80xi32, #tpu.memory_space<vmem>>
    %dma_start3A_37 = arith.constant 0 : i32
    %dma_start3A_38 = arith.constant 0 : i32
    %dma_start3A_39 = tpu.memref_slice %arg2[%dma_start3A_37, %dma_start3A_38] : memref<10240x32xf32, #tpu.memory_space<hbm>> -> memref<10240x32xf32, #tpu.memory_space<hbm>>
    tpu.enqueue_indirect_dma source(%dma_start3A_39 : memref<10240x32xf32, #tpu.memory_space<hbm>>) target(%arg13 : memref<80x32xf32, #tpu.memory_space<vmem>>) offsets(%dma_start3A_36 : memref<80xi32, #tpu.memory_space<vmem>>) semaphore(%arg18 : memref<!tpu.dma_semaphore, #tpu.memory_space<semaphore_mem>>)
    %scan3A = arith.constant 0 : i32
    %scan3A_40 = arith.constant 0 : i32
    %scan3A_41 = arith.constant 25 : i32
    %scan3A_42 = arith.addi %scan3A_40, %scan3A_41 : i32
    %scan3A_43 = arith.constant 1 : i32
    scf.for %scan3A_50 = %scan3A_40 to %scan3A_42 step %scan3A_43  : i32 {
      %mul3A_51 = arith.constant 5 : i32
      %mul3A_52 = arith.muli %mul3A_51, %scan3A_50 : i32
      %add3A_53 = arith.constant 0 : i32
      %add3A_54 = arith.addi %mul3A_52, %add3A_53 : i32
      %dma_wait3A = arith.constant 0 : i32
      %dma_wait3A_55 = tpu.memref_slice %arg6[%add3A_54, %dma_wait3A] : memref<125x80xi32, #tpu.memory_space<vmem>> -> memref<1x80xi32, #tpu.memory_space<vmem>>
      %dma_wait3A_56 = tpu.memref_squeeze %dma_wait3A_55 : memref<1x80xi32, #tpu.memory_space<vmem>> -> memref<80xi32, #tpu.memory_space<vmem>>
      %dma_wait3A_57 = arith.constant 0 : i32
      %dma_wait3A_58 = arith.constant 0 : i32
      %dma_wait3A_59 = tpu.memref_slice %arg2[%dma_wait3A_57, %dma_wait3A_58] : memref<10240x32xf32, #tpu.memory_space<hbm>> -> memref<10240x32xf32, #tpu.memory_space<hbm>>
      tpu.wait_indirect_dma semaphore(%arg14 : memref<!tpu.dma_semaphore, #tpu.memory_space<semaphore_mem>>) src(%dma_wait3A_59 : memref<10240x32xf32, #tpu.memory_space<hbm>>) dst(%arg9 : memref<80x32xf32, #tpu.memory_space<vmem>>)
      "tpu.region"() ({
        %run_scoped3A_132 = tpu.sem_alloc : memref<!tpu.dma_semaphore, #tpu.memory_space<semaphore_mem>>
        %dma_start3A_133 = arith.constant 0 : i32
        %dma_start3A_134 = tpu.memref_slice %arg7[%add3A_54, %dma_start3A_133] : memref<125x80xi32, #tpu.memory_space<vmem>> -> memref<1x80xi32, #tpu.memory_space<vmem>>
        %dma_start3A_135 = tpu.memref_squeeze %dma_start3A_134 : memref<1x80xi32, #tpu.memory_space<vmem>> -> memref<80xi32, #tpu.memory_space<vmem>>
        %dma_start3A_136 = arith.constant 0 : i32
        %dma_start3A_137 = arith.constant 0 : i32
        %dma_start3A_138 = tpu.memref_slice %arg8[%dma_start3A_136, %dma_start3A_137] : memref<10240x32xf32, #tpu.memory_space<vmem_shared>> -> memref<10240x32xf32, #tpu.memory_space<vmem_shared>>
        tpu.enqueue_indirect_dma source(%arg9 : memref<80x32xf32, #tpu.memory_space<vmem>>) target(%dma_start3A_138 : memref<10240x32xf32, #tpu.memory_space<vmem_shared>>) offsets(%dma_start3A_135 : memref<80xi32, #tpu.memory_space<vmem>>) semaphore(%run_scoped3A_132 : memref<!tpu.dma_semaphore, #tpu.memory_space<semaphore_mem>>) {add = true}
        %dma_wait3A_139 = arith.constant 0 : i32
        %dma_wait3A_140 = tpu.memref_slice %arg7[%add3A_54, %dma_wait3A_139] : memref<125x80xi32, #tpu.memory_space<vmem>> -> memref<1x80xi32, #tpu.memory_space<vmem>>
        %dma_wait3A_141 = tpu.memref_squeeze %dma_wait3A_140 : memref<1x80xi32, #tpu.memory_space<vmem>> -> memref<80xi32, #tpu.memory_space<vmem>>
        %dma_wait3A_142 = arith.constant 0 : i32
        %dma_wait3A_143 = arith.constant 0 : i32
        %dma_wait3A_144 = tpu.memref_slice %arg8[%dma_wait3A_142, %dma_wait3A_143] : memref<10240x32xf32, #tpu.memory_space<vmem_shared>> -> memref<10240x32xf32, #tpu.memory_space<vmem_shared>>
        tpu.wait_indirect_dma semaphore(%run_scoped3A_132 : memref<!tpu.dma_semaphore, #tpu.memory_space<semaphore_mem>>) src(%arg9 : memref<80x32xf32, #tpu.memory_space<vmem>>) dst(%dma_wait3A_144 : memref<10240x32xf32, #tpu.memory_space<vmem_shared>>)
        tpu.yield
      }) : () -> ()
      %add3A_60 = arith.constant 5 : i32
      %add3A_61 = arith.addi %add3A_54, %add3A_60 : i32
      %lt3A = arith.constant 125 : i32
      %lt3A_62 = arith.cmpi slt, %add3A_61, %lt3A : i32
      %convert_element_type3A = arith.extui %lt3A_62 : i1 to i32
      %cond3A = arith.constant 0 : i32
      %cond3A_63 = arith.cmpi ne, %convert_element_type3A, %cond3A : i32
      scf.if %cond3A_63 {
        %add3A_132 = arith.constant 5 : i32
        %add3A_133 = arith.addi %add3A_54, %add3A_132 : i32
        %dma_start3A_134 = arith.constant 0 : i32
        %dma_start3A_135 = tpu.memref_slice %arg6[%add3A_133, %dma_start3A_134] : memref<125x80xi32, #tpu.memory_space<vmem>> -> memref<1x80xi32, #tpu.memory_space<vmem>>
        %dma_start3A_136 = tpu.memref_squeeze %dma_start3A_135 : memref<1x80xi32, #tpu.memory_space<vmem>> -> memref<80xi32, #tpu.memory_space<vmem>>
        %dma_start3A_137 = arith.constant 0 : i32
        %dma_start3A_138 = arith.constant 0 : i32
        %dma_start3A_139 = tpu.memref_slice %arg2[%dma_start3A_137, %dma_start3A_138] : memref<10240x32xf32, #tpu.memory_space<hbm>> -> memref<10240x32xf32, #tpu.memory_space<hbm>>
        tpu.enqueue_indirect_dma source(%dma_start3A_139 : memref<10240x32xf32, #tpu.memory_space<hbm>>) target(%arg9 : memref<80x32xf32, #tpu.memory_space<vmem>>) offsets(%dma_start3A_136 : memref<80xi32, #tpu.memory_space<vmem>>) semaphore(%arg14 : memref<!tpu.dma_semaphore, #tpu.memory_space<semaphore_mem>>)
      } else {
      }
      %mul3A_64 = arith.constant 5 : i32
      %mul3A_65 = arith.muli %mul3A_64, %scan3A_50 : i32
      %add3A_66 = arith.constant 1 : i32
      %add3A_67 = arith.addi %mul3A_65, %add3A_66 : i32
      %dma_wait3A_68 = arith.constant 0 : i32
      %dma_wait3A_69 = tpu.memref_slice %arg6[%add3A_67, %dma_wait3A_68] : memref<125x80xi32, #tpu.memory_space<vmem>> -> memref<1x80xi32, #tpu.memory_space<vmem>>
      %dma_wait3A_70 = tpu.memref_squeeze %dma_wait3A_69 : memref<1x80xi32, #tpu.memory_space<vmem>> -> memref<80xi32, #tpu.memory_space<vmem>>
      %dma_wait3A_71 = arith.constant 0 : i32
      %dma_wait3A_72 = arith.constant 0 : i32
      %dma_wait3A_73 = tpu.memref_slice %arg2[%dma_wait3A_71, %dma_wait3A_72] : memref<10240x32xf32, #tpu.memory_space<hbm>> -> memref<10240x32xf32, #tpu.memory_space<hbm>>
      tpu.wait_indirect_dma semaphore(%arg15 : memref<!tpu.dma_semaphore, #tpu.memory_space<semaphore_mem>>) src(%dma_wait3A_73 : memref<10240x32xf32, #tpu.memory_space<hbm>>) dst(%arg10 : memref<80x32xf32, #tpu.memory_space<vmem>>)
      "tpu.region"() ({
        %run_scoped3A_132 = tpu.sem_alloc : memref<!tpu.dma_semaphore, #tpu.memory_space<semaphore_mem>>
        %dma_start3A_133 = arith.constant 0 : i32
        %dma_start3A_134 = tpu.memref_slice %arg7[%add3A_67, %dma_start3A_133] : memref<125x80xi32, #tpu.memory_space<vmem>> -> memref<1x80xi32, #tpu.memory_space<vmem>>
        %dma_start3A_135 = tpu.memref_squeeze %dma_start3A_134 : memref<1x80xi32, #tpu.memory_space<vmem>> -> memref<80xi32, #tpu.memory_space<vmem>>
        %dma_start3A_136 = arith.constant 0 : i32
        %dma_start3A_137 = arith.constant 0 : i32
        %dma_start3A_138 = tpu.memref_slice %arg8[%dma_start3A_136, %dma_start3A_137] : memref<10240x32xf32, #tpu.memory_space<vmem_shared>> -> memref<10240x32xf32, #tpu.memory_space<vmem_shared>>
        tpu.enqueue_indirect_dma source(%arg10 : memref<80x32xf32, #tpu.memory_space<vmem>>) target(%dma_start3A_138 : memref<10240x32xf32, #tpu.memory_space<vmem_shared>>) offsets(%dma_start3A_135 : memref<80xi32, #tpu.memory_space<vmem>>) semaphore(%run_scoped3A_132 : memref<!tpu.dma_semaphore, #tpu.memory_space<semaphore_mem>>) {add = true}
        %dma_wait3A_139 = arith.constant 0 : i32
        %dma_wait3A_140 = tpu.memref_slice %arg7[%add3A_67, %dma_wait3A_139] : memref<125x80xi32, #tpu.memory_space<vmem>> -> memref<1x80xi32, #tpu.memory_space<vmem>>
        %dma_wait3A_141 = tpu.memref_squeeze %dma_wait3A_140 : memref<1x80xi32, #tpu.memory_space<vmem>> -> memref<80xi32, #tpu.memory_space<vmem>>
        %dma_wait3A_142 = arith.constant 0 : i32
        %dma_wait3A_143 = arith.constant 0 : i32
        %dma_wait3A_144 = tpu.memref_slice %arg8[%dma_wait3A_142, %dma_wait3A_143] : memref<10240x32xf32, #tpu.memory_space<vmem_shared>> -> memref<10240x32xf32, #tpu.memory_space<vmem_shared>>
        tpu.wait_indirect_dma semaphore(%run_scoped3A_132 : memref<!tpu.dma_semaphore, #tpu.memory_space<semaphore_mem>>) src(%arg10 : memref<80x32xf32, #tpu.memory_space<vmem>>) dst(%dma_wait3A_144 : memref<10240x32xf32, #tpu.memory_space<vmem_shared>>)
        tpu.yield
      }) : () -> ()
      %add3A_74 = arith.constant 5 : i32
      %add3A_75 = arith.addi %add3A_67, %add3A_74 : i32
      %lt3A_76 = arith.constant 125 : i32
      %lt3A_77 = arith.cmpi slt, %add3A_75, %lt3A_76 : i32
      %convert_element_type3A_78 = arith.extui %lt3A_77 : i1 to i32
      %cond3A_79 = arith.constant 0 : i32
      %cond3A_80 = arith.cmpi ne, %convert_element_type3A_78, %cond3A_79 : i32
      scf.if %cond3A_80 {
        %add3A_132 = arith.constant 5 : i32
        %add3A_133 = arith.addi %add3A_67, %add3A_132 : i32
        %dma_start3A_134 = arith.constant 0 : i32
        %dma_start3A_135 = tpu.memref_slice %arg6[%add3A_133, %dma_start3A_134] : memref<125x80xi32, #tpu.memory_space<vmem>> -> memref<1x80xi32, #tpu.memory_space<vmem>>
        %dma_start3A_136 = tpu.memref_squeeze %dma_start3A_135 : memref<1x80xi32, #tpu.memory_space<vmem>> -> memref<80xi32, #tpu.memory_space<vmem>>
        %dma_start3A_137 = arith.constant 0 : i32
        %dma_start3A_138 = arith.constant 0 : i32
        %dma_start3A_139 = tpu.memref_slice %arg2[%dma_start3A_137, %dma_start3A_138] : memref<10240x32xf32, #tpu.memory_space<hbm>> -> memref<10240x32xf32, #tpu.memory_space<hbm>>
        tpu.enqueue_indirect_dma source(%dma_start3A_139 : memref<10240x32xf32, #tpu.memory_space<hbm>>) target(%arg10 : memref<80x32xf32, #tpu.memory_space<vmem>>) offsets(%dma_start3A_136 : memref<80xi32, #tpu.memory_space<vmem>>) semaphore(%arg15 : memref<!tpu.dma_semaphore, #tpu.memory_space<semaphore_mem>>)
      } else {
      }
      %mul3A_81 = arith.constant 5 : i32
      %mul3A_82 = arith.muli %mul3A_81, %scan3A_50 : i32
      %add3A_83 = arith.constant 2 : i32
      %add3A_84 = arith.addi %mul3A_82, %add3A_83 : i32
      %dma_wait3A_85 = arith.constant 0 : i32
      %dma_wait3A_86 = tpu.memref_slice %arg6[%add3A_84, %dma_wait3A_85] : memref<125x80xi32, #tpu.memory_space<vmem>> -> memref<1x80xi32, #tpu.memory_space<vmem>>
      %dma_wait3A_87 = tpu.memref_squeeze %dma_wait3A_86 : memref<1x80xi32, #tpu.memory_space<vmem>> -> memref<80xi32, #tpu.memory_space<vmem>>
      %dma_wait3A_88 = arith.constant 0 : i32
      %dma_wait3A_89 = arith.constant 0 : i32
      %dma_wait3A_90 = tpu.memref_slice %arg2[%dma_wait3A_88, %dma_wait3A_89] : memref<10240x32xf32, #tpu.memory_space<hbm>> -> memref<10240x32xf32, #tpu.memory_space<hbm>>
      tpu.wait_indirect_dma semaphore(%arg16 : memref<!tpu.dma_semaphore, #tpu.memory_space<semaphore_mem>>) src(%dma_wait3A_90 : memref<10240x32xf32, #tpu.memory_space<hbm>>) dst(%arg11 : memref<80x32xf32, #tpu.memory_space<vmem>>)
      "tpu.region"() ({
        %run_scoped3A_132 = tpu.sem_alloc : memref<!tpu.dma_semaphore, #tpu.memory_space<semaphore_mem>>
        %dma_start3A_133 = arith.constant 0 : i32
        %dma_start3A_134 = tpu.memref_slice %arg7[%add3A_84, %dma_start3A_133] : memref<125x80xi32, #tpu.memory_space<vmem>> -> memref<1x80xi32, #tpu.memory_space<vmem>>
        %dma_start3A_135 = tpu.memref_squeeze %dma_start3A_134 : memref<1x80xi32, #tpu.memory_space<vmem>> -> memref<80xi32, #tpu.memory_space<vmem>>
        %dma_start3A_136 = arith.constant 0 : i32
        %dma_start3A_137 = arith.constant 0 : i32
        %dma_start3A_138 = tpu.memref_slice %arg8[%dma_start3A_136, %dma_start3A_137] : memref<10240x32xf32, #tpu.memory_space<vmem_shared>> -> memref<10240x32xf32, #tpu.memory_space<vmem_shared>>
        tpu.enqueue_indirect_dma source(%arg11 : memref<80x32xf32, #tpu.memory_space<vmem>>) target(%dma_start3A_138 : memref<10240x32xf32, #tpu.memory_space<vmem_shared>>) offsets(%dma_start3A_135 : memref<80xi32, #tpu.memory_space<vmem>>) semaphore(%run_scoped3A_132 : memref<!tpu.dma_semaphore, #tpu.memory_space<semaphore_mem>>) {add = true}
        %dma_wait3A_139 = arith.constant 0 : i32
        %dma_wait3A_140 = tpu.memref_slice %arg7[%add3A_84, %dma_wait3A_139] : memref<125x80xi32, #tpu.memory_space<vmem>> -> memref<1x80xi32, #tpu.memory_space<vmem>>
        %dma_wait3A_141 = tpu.memref_squeeze %dma_wait3A_140 : memref<1x80xi32, #tpu.memory_space<vmem>> -> memref<80xi32, #tpu.memory_space<vmem>>
        %dma_wait3A_142 = arith.constant 0 : i32
        %dma_wait3A_143 = arith.constant 0 : i32
        %dma_wait3A_144 = tpu.memref_slice %arg8[%dma_wait3A_142, %dma_wait3A_143] : memref<10240x32xf32, #tpu.memory_space<vmem_shared>> -> memref<10240x32xf32, #tpu.memory_space<vmem_shared>>
        tpu.wait_indirect_dma semaphore(%run_scoped3A_132 : memref<!tpu.dma_semaphore, #tpu.memory_space<semaphore_mem>>) src(%arg11 : memref<80x32xf32, #tpu.memory_space<vmem>>) dst(%dma_wait3A_144 : memref<10240x32xf32, #tpu.memory_space<vmem_shared>>)
        tpu.yield
      }) : () -> ()
      %add3A_91 = arith.constant 5 : i32
      %add3A_92 = arith.addi %add3A_84, %add3A_91 : i32
      %lt3A_93 = arith.constant 125 : i32
      %lt3A_94 = arith.cmpi slt, %add3A_92, %lt3A_93 : i32
      %convert_element_type3A_95 = arith.extui %lt3A_94 : i1 to i32
      %cond3A_96 = arith.constant 0 : i32
      %cond3A_97 = arith.cmpi ne, %convert_element_type3A_95, %cond3A_96 : i32
      scf.if %cond3A_97 {
        %add3A_132 = arith.constant 5 : i32
        %add3A_133 = arith.addi %add3A_84, %add3A_132 : i32
        %dma_start3A_134 = arith.constant 0 : i32
        %dma_start3A_135 = tpu.memref_slice %arg6[%add3A_133, %dma_start3A_134] : memref<125x80xi32, #tpu.memory_space<vmem>> -> memref<1x80xi32, #tpu.memory_space<vmem>>
        %dma_start3A_136 = tpu.memref_squeeze %dma_start3A_135 : memref<1x80xi32, #tpu.memory_space<vmem>> -> memref<80xi32, #tpu.memory_space<vmem>>
        %dma_start3A_137 = arith.constant 0 : i32
        %dma_start3A_138 = arith.constant 0 : i32
        %dma_start3A_139 = tpu.memref_slice %arg2[%dma_start3A_137, %dma_start3A_138] : memref<10240x32xf32, #tpu.memory_space<hbm>> -> memref<10240x32xf32, #tpu.memory_space<hbm>>
        tpu.enqueue_indirect_dma source(%dma_start3A_139 : memref<10240x32xf32, #tpu.memory_space<hbm>>) target(%arg11 : memref<80x32xf32, #tpu.memory_space<vmem>>) offsets(%dma_start3A_136 : memref<80xi32, #tpu.memory_space<vmem>>) semaphore(%arg16 : memref<!tpu.dma_semaphore, #tpu.memory_space<semaphore_mem>>)
      } else {
      }
      %mul3A_98 = arith.constant 5 : i32
      %mul3A_99 = arith.muli %mul3A_98, %scan3A_50 : i32
      %add3A_100 = arith.constant 3 : i32
      %add3A_101 = arith.addi %mul3A_99, %add3A_100 : i32
      %dma_wait3A_102 = arith.constant 0 : i32
      %dma_wait3A_103 = tpu.memref_slice %arg6[%add3A_101, %dma_wait3A_102] : memref<125x80xi32, #tpu.memory_space<vmem>> -> memref<1x80xi32, #tpu.memory_space<vmem>>
      %dma_wait3A_104 = tpu.memref_squeeze %dma_wait3A_103 : memref<1x80xi32, #tpu.memory_space<vmem>> -> memref<80xi32, #tpu.memory_space<vmem>>
      %dma_wait3A_105 = arith.constant 0 : i32
      %dma_wait3A_106 = arith.constant 0 : i32
      %dma_wait3A_107 = tpu.memref_slice %arg2[%dma_wait3A_105, %dma_wait3A_106] : memref<10240x32xf32, #tpu.memory_space<hbm>> -> memref<10240x32xf32, #tpu.memory_space<hbm>>
      tpu.wait_indirect_dma semaphore(%arg17 : memref<!tpu.dma_semaphore, #tpu.memory_space<semaphore_mem>>) src(%dma_wait3A_107 : memref<10240x32xf32, #tpu.memory_space<hbm>>) dst(%arg12 : memref<80x32xf32, #tpu.memory_space<vmem>>)
      "tpu.region"() ({
        %run_scoped3A_132 = tpu.sem_alloc : memref<!tpu.dma_semaphore, #tpu.memory_space<semaphore_mem>>
        %dma_start3A_133 = arith.constant 0 : i32
        %dma_start3A_134 = tpu.memref_slice %arg7[%add3A_101, %dma_start3A_133] : memref<125x80xi32, #tpu.memory_space<vmem>> -> memref<1x80xi32, #tpu.memory_space<vmem>>
        %dma_start3A_135 = tpu.memref_squeeze %dma_start3A_134 : memref<1x80xi32, #tpu.memory_space<vmem>> -> memref<80xi32, #tpu.memory_space<vmem>>
        %dma_start3A_136 = arith.constant 0 : i32
        %dma_start3A_137 = arith.constant 0 : i32
        %dma_start3A_138 = tpu.memref_slice %arg8[%dma_start3A_136, %dma_start3A_137] : memref<10240x32xf32, #tpu.memory_space<vmem_shared>> -> memref<10240x32xf32, #tpu.memory_space<vmem_shared>>
        tpu.enqueue_indirect_dma source(%arg12 : memref<80x32xf32, #tpu.memory_space<vmem>>) target(%dma_start3A_138 : memref<10240x32xf32, #tpu.memory_space<vmem_shared>>) offsets(%dma_start3A_135 : memref<80xi32, #tpu.memory_space<vmem>>) semaphore(%run_scoped3A_132 : memref<!tpu.dma_semaphore, #tpu.memory_space<semaphore_mem>>) {add = true}
        %dma_wait3A_139 = arith.constant 0 : i32
        %dma_wait3A_140 = tpu.memref_slice %arg7[%add3A_101, %dma_wait3A_139] : memref<125x80xi32, #tpu.memory_space<vmem>> -> memref<1x80xi32, #tpu.memory_space<vmem>>
        %dma_wait3A_141 = tpu.memref_squeeze %dma_wait3A_140 : memref<1x80xi32, #tpu.memory_space<vmem>> -> memref<80xi32, #tpu.memory_space<vmem>>
        %dma_wait3A_142 = arith.constant 0 : i32
        %dma_wait3A_143 = arith.constant 0 : i32
        %dma_wait3A_144 = tpu.memref_slice %arg8[%dma_wait3A_142, %dma_wait3A_143] : memref<10240x32xf32, #tpu.memory_space<vmem_shared>> -> memref<10240x32xf32, #tpu.memory_space<vmem_shared>>
        tpu.wait_indirect_dma semaphore(%run_scoped3A_132 : memref<!tpu.dma_semaphore, #tpu.memory_space<semaphore_mem>>) src(%arg12 : memref<80x32xf32, #tpu.memory_space<vmem>>) dst(%dma_wait3A_144 : memref<10240x32xf32, #tpu.memory_space<vmem_shared>>)
        tpu.yield
      }) : () -> ()
      %add3A_108 = arith.constant 5 : i32
      %add3A_109 = arith.addi %add3A_101, %add3A_108 : i32
      %lt3A_110 = arith.constant 125 : i32
      %lt3A_111 = arith.cmpi slt, %add3A_109, %lt3A_110 : i32
      %convert_element_type3A_112 = arith.extui %lt3A_111 : i1 to i32
      %cond3A_113 = arith.constant 0 : i32
      %cond3A_114 = arith.cmpi ne, %convert_element_type3A_112, %cond3A_113 : i32
      scf.if %cond3A_114 {
        %add3A_132 = arith.constant 5 : i32
        %add3A_133 = arith.addi %add3A_101, %add3A_132 : i32
        %dma_start3A_134 = arith.constant 0 : i32
        %dma_start3A_135 = tpu.memref_slice %arg6[%add3A_133, %dma_start3A_134] : memref<125x80xi32, #tpu.memory_space<vmem>> -> memref<1x80xi32, #tpu.memory_space<vmem>>
        %dma_start3A_136 = tpu.memref_squeeze %dma_start3A_135 : memref<1x80xi32, #tpu.memory_space<vmem>> -> memref<80xi32, #tpu.memory_space<vmem>>
        %dma_start3A_137 = arith.constant 0 : i32
        %dma_start3A_138 = arith.constant 0 : i32
        %dma_start3A_139 = tpu.memref_slice %arg2[%dma_start3A_137, %dma_start3A_138] : memref<10240x32xf32, #tpu.memory_space<hbm>> -> memref<10240x32xf32, #tpu.memory_space<hbm>>
        tpu.enqueue_indirect_dma source(%dma_start3A_139 : memref<10240x32xf32, #tpu.memory_space<hbm>>) target(%arg12 : memref<80x32xf32, #tpu.memory_space<vmem>>) offsets(%dma_start3A_136 : memref<80xi32, #tpu.memory_space<vmem>>) semaphore(%arg17 : memref<!tpu.dma_semaphore, #tpu.memory_space<semaphore_mem>>)
      } else {
      }
      %mul3A_115 = arith.constant 5 : i32
      %mul3A_116 = arith.muli %mul3A_115, %scan3A_50 : i32
      %add3A_117 = arith.constant 4 : i32
      %add3A_118 = arith.addi %mul3A_116, %add3A_117 : i32
      %dma_wait3A_119 = arith.constant 0 : i32
      %dma_wait3A_120 = tpu.memref_slice %arg6[%add3A_118, %dma_wait3A_119] : memref<125x80xi32, #tpu.memory_space<vmem>> -> memref<1x80xi32, #tpu.memory_space<vmem>>
      %dma_wait3A_121 = tpu.memref_squeeze %dma_wait3A_120 : memref<1x80xi32, #tpu.memory_space<vmem>> -> memref<80xi32, #tpu.memory_space<vmem>>
      %dma_wait3A_122 = arith.constant 0 : i32
      %dma_wait3A_123 = arith.constant 0 : i32
      %dma_wait3A_124 = tpu.memref_slice %arg2[%dma_wait3A_122, %dma_wait3A_123] : memref<10240x32xf32, #tpu.memory_space<hbm>> -> memref<10240x32xf32, #tpu.memory_space<hbm>>
      tpu.wait_indirect_dma semaphore(%arg18 : memref<!tpu.dma_semaphore, #tpu.memory_space<semaphore_mem>>) src(%dma_wait3A_124 : memref<10240x32xf32, #tpu.memory_space<hbm>>) dst(%arg13 : memref<80x32xf32, #tpu.memory_space<vmem>>)
      "tpu.region"() ({
        %run_scoped3A_132 = tpu.sem_alloc : memref<!tpu.dma_semaphore, #tpu.memory_space<semaphore_mem>>
        %dma_start3A_133 = arith.constant 0 : i32
        %dma_start3A_134 = tpu.memref_slice %arg7[%add3A_118, %dma_start3A_133] : memref<125x80xi32, #tpu.memory_space<vmem>> -> memref<1x80xi32, #tpu.memory_space<vmem>>
        %dma_start3A_135 = tpu.memref_squeeze %dma_start3A_134 : memref<1x80xi32, #tpu.memory_space<vmem>> -> memref<80xi32, #tpu.memory_space<vmem>>
        %dma_start3A_136 = arith.constant 0 : i32
        %dma_start3A_137 = arith.constant 0 : i32
        %dma_start3A_138 = tpu.memref_slice %arg8[%dma_start3A_136, %dma_start3A_137] : memref<10240x32xf32, #tpu.memory_space<vmem_shared>> -> memref<10240x32xf32, #tpu.memory_space<vmem_shared>>
        tpu.enqueue_indirect_dma source(%arg13 : memref<80x32xf32, #tpu.memory_space<vmem>>) target(%dma_start3A_138 : memref<10240x32xf32, #tpu.memory_space<vmem_shared>>) offsets(%dma_start3A_135 : memref<80xi32, #tpu.memory_space<vmem>>) semaphore(%run_scoped3A_132 : memref<!tpu.dma_semaphore, #tpu.memory_space<semaphore_mem>>) {add = true}
        %dma_wait3A_139 = arith.constant 0 : i32
        %dma_wait3A_140 = tpu.memref_slice %arg7[%add3A_118, %dma_wait3A_139] : memref<125x80xi32, #tpu.memory_space<vmem>> -> memref<1x80xi32, #tpu.memory_space<vmem>>
        %dma_wait3A_141 = tpu.memref_squeeze %dma_wait3A_140 : memref<1x80xi32, #tpu.memory_space<vmem>> -> memref<80xi32, #tpu.memory_space<vmem>>
        %dma_wait3A_142 = arith.constant 0 : i32
        %dma_wait3A_143 = arith.constant 0 : i32
        %dma_wait3A_144 = tpu.memref_slice %arg8[%dma_wait3A_142, %dma_wait3A_143] : memref<10240x32xf32, #tpu.memory_space<vmem_shared>> -> memref<10240x32xf32, #tpu.memory_space<vmem_shared>>
        tpu.wait_indirect_dma semaphore(%run_scoped3A_132 : memref<!tpu.dma_semaphore, #tpu.memory_space<semaphore_mem>>) src(%arg13 : memref<80x32xf32, #tpu.memory_space<vmem>>) dst(%dma_wait3A_144 : memref<10240x32xf32, #tpu.memory_space<vmem_shared>>)
        tpu.yield
      }) : () -> ()
      %add3A_125 = arith.constant 5 : i32
      %add3A_126 = arith.addi %add3A_118, %add3A_125 : i32
      %lt3A_127 = arith.constant 125 : i32
      %lt3A_128 = arith.cmpi slt, %add3A_126, %lt3A_127 : i32
      %convert_element_type3A_129 = arith.extui %lt3A_128 : i1 to i32
      %cond3A_130 = arith.constant 0 : i32
      %cond3A_131 = arith.cmpi ne, %convert_element_type3A_129, %cond3A_130 : i32
      scf.if %cond3A_131 {
        %add3A_132 = arith.constant 5 : i32
        %add3A_133 = arith.addi %add3A_118, %add3A_132 : i32
        %dma_start3A_134 = arith.constant 0 : i32
        %dma_start3A_135 = tpu.memref_slice %arg6[%add3A_133, %dma_start3A_134] : memref<125x80xi32, #tpu.memory_space<vmem>> -> memref<1x80xi32, #tpu.memory_space<vmem>>
        %dma_start3A_136 = tpu.memref_squeeze %dma_start3A_135 : memref<1x80xi32, #tpu.memory_space<vmem>> -> memref<80xi32, #tpu.memory_space<vmem>>
        %dma_start3A_137 = arith.constant 0 : i32
        %dma_start3A_138 = arith.constant 0 : i32
        %dma_start3A_139 = tpu.memref_slice %arg2[%dma_start3A_137, %dma_start3A_138] : memref<10240x32xf32, #tpu.memory_space<hbm>> -> memref<10240x32xf32, #tpu.memory_space<hbm>>
        tpu.enqueue_indirect_dma source(%dma_start3A_139 : memref<10240x32xf32, #tpu.memory_space<hbm>>) target(%arg13 : memref<80x32xf32, #tpu.memory_space<vmem>>) offsets(%dma_start3A_136 : memref<80xi32, #tpu.memory_space<vmem>>) semaphore(%arg18 : memref<!tpu.dma_semaphore, #tpu.memory_space<semaphore_mem>>)
      } else {
      }
    }
    %scan3A_44 = arith.constant 25 : i32
    %barrier3A_45 = arith.constant 0 : index
    tpu.barrier barrier_id(%barrier3A_45)
    %mul3A_46 = arith.constant 640 : i32
    %mul3A_47 = arith.muli %arg1, %mul3A_46 : i32
    %mul3A_48 = arith.constant 640 : i32
    %mul3A_49 = arith.muli %arg1, %mul3A_48 : i32
    "tpu.region"() ({
      %run_scoped3A_50 = tpu.sem_alloc : memref<!tpu.dma_semaphore, #tpu.memory_space<semaphore_mem>>
      %dma_start3A_51 = arith.constant 0 : i32
      %dma_start3A_52 = tpu.memref_slice %arg5[%arg0, %mul3A_49, %dma_start3A_51] : memref<2x10240x128xf32, #tpu.memory_space<hbm>> -> memref<1x640x32xf32, #tpu.memory_space<hbm>>
      %dma_start3A_53 = tpu.memref_squeeze %dma_start3A_52 : memref<1x640x32xf32, #tpu.memory_space<hbm>> -> memref<640x32xf32, #tpu.memory_space<hbm>>
      %dma_start3A_54 = arith.constant 0 : i32
      %dma_start3A_55 = tpu.memref_slice %arg8[%mul3A_47, %dma_start3A_54] : memref<10240x32xf32, #tpu.memory_space<vmem_shared>> -> memref<640x32xf32, #tpu.memory_space<vmem_shared>>
      tpu.enqueue_dma source(%dma_start3A_55 : memref<640x32xf32, #tpu.memory_space<vmem_shared>>) target(%dma_start3A_53 : memref<640x32xf32, #tpu.memory_space<hbm>>) target_semaphore(%run_scoped3A_50 : memref<!tpu.dma_semaphore, #tpu.memory_space<semaphore_mem>>)
      %dma_wait3A = arith.constant 0 : i32
      %dma_wait3A_56 = tpu.memref_slice %arg5[%arg0, %mul3A_49, %dma_wait3A] : memref<2x10240x128xf32, #tpu.memory_space<hbm>> -> memref<1x640x32xf32, #tpu.memory_space<hbm>>
      %dma_wait3A_57 = tpu.memref_squeeze %dma_wait3A_56 : memref<1x640x32xf32, #tpu.memory_space<hbm>> -> memref<640x32xf32, #tpu.memory_space<hbm>>
      %dma_wait3A_58 = arith.constant 0 : i32
      %dma_wait3A_59 = tpu.memref_slice %arg8[%mul3A_47, %dma_wait3A_58] : memref<10240x32xf32, #tpu.memory_space<vmem_shared>> -> memref<640x32xf32, #tpu.memory_space<vmem_shared>>
      tpu.wait_dma2 semaphore(%run_scoped3A_50 : memref<!tpu.dma_semaphore, #tpu.memory_space<semaphore_mem>>) src(%dma_wait3A_59 : memref<640x32xf32, #tpu.memory_space<vmem_shared>>) dst(%dma_wait3A_57 : memref<640x32xf32, #tpu.memory_space<hbm>>)
      tpu.yield
    }) : () -> ()
    return
  }
}

module attributes {stable_mosaic.version = 14 : i64} {
  func.func @body(%arg0: i32, %arg1: memref<1280x64xf32, #tpu.memory_space<vmem>>, %arg2: memref<2x1280x128xf32, #tpu.memory_space<vmem>>, %arg3: memref<1280x64xf32, #tpu.memory_space<vmem>>, %arg4: memref<1280x1xf32, #tpu.memory_space<vmem>>) attributes {dimension_semantics = [#tpu.dimension_semantics<arbitrary>], iteration_bounds = array<i64: 8>, scalar_prefetch = 0 : i64, scratch_operands = 0 : i64, tpu.core_type = #tpu.core_type<tc>, window_params = [{transform_indices = @transform_0, window_bounds = array<i64: 1280, 64>}, {transform_indices = @transform_1, window_bounds = array<i64: 2, 1280, 128>}, {transform_indices = @transform_2, window_bounds = array<i64: 1280, 64>}, {transform_indices = @transform_3, window_bounds = array<i64: 1280, 1>}]} {
    %get3A = arith.constant 0 : index
    %get3A_0 = arith.constant 0 : index
    %get3A_1 = arith.constant 0 : index
    %get3A_2 = vector.load %arg2[%get3A, %get3A_0, %get3A_1] : memref<2x1280x128xf32, #tpu.memory_space<vmem>>, vector<1x1280x1xf32>
    %get3A_3 = vector.shape_cast %get3A_2 : vector<1x1280x1xf32> to vector<1280x1xf32>
    %get3A_4 = arith.constant 1 : index
    %get3A_5 = arith.constant 0 : index
    %get3A_6 = arith.constant 0 : index
    %get3A_7 = vector.load %arg2[%get3A_4, %get3A_5, %get3A_6] : memref<2x1280x128xf32, #tpu.memory_space<vmem>>, vector<1x1280x1xf32>
    %get3A_8 = vector.shape_cast %get3A_7 : vector<1x1280x1xf32> to vector<1280x1xf32>
    %add3A = arith.addf %get3A_3, %get3A_8 : vector<1280x1xf32>
    %add3A_9 = arith.constant 1.000000e+00 : f32
    %add3A_10 = vector.broadcast %add3A_9 : f32 to vector<1280x1xf32>
    %add3A_11 = arith.addf %add3A, %add3A_10 : vector<1280x1xf32>
    %sqrt3A = math.sqrt %add3A_11 : vector<1280x1xf32>
    %div3A = arith.constant 1.000000e+00 : f32
    %div3A_12 = vector.broadcast %div3A : f32 to vector<1280x1xf32>
    %div3A_13 = arith.divf %div3A_12, %sqrt3A : vector<1280x1xf32>
    %get3A_14 = arith.constant 0 : index
    %get3A_15 = arith.constant 0 : index
    %get3A_16 = vector.load %arg1[%get3A_14, %get3A_15] : memref<1280x64xf32, #tpu.memory_space<vmem>>, vector<1280x64xf32>
    %mul3A = vector.broadcast %div3A_13 : vector<1280x1xf32> to vector<1280x64xf32>
    %mul3A_17 = arith.mulf %get3A_16, %mul3A : vector<1280x64xf32>
    %swap3A = arith.constant 0 : index
    %swap3A_18 = arith.constant 0 : index
    %swap3A_19 = vector.load %arg3[%swap3A, %swap3A_18] : memref<1280x64xf32, #tpu.memory_space<vmem>>, vector<1280x64xf32>
    tpu.vector_store %arg3[%swap3A, %swap3A_18], %mul3A_17 {strides = array<i32>} : memref<1280x64xf32, #tpu.memory_space<vmem>>, vector<1280x64xf32>,
    %swap3A_20 = arith.constant 0 : index
    %swap3A_21 = arith.constant 0 : index
    %swap3A_22 = vector.load %arg4[%swap3A_20, %swap3A_21] : memref<1280x1xf32, #tpu.memory_space<vmem>>, vector<1280x1xf32>
    tpu.vector_store %arg4[%swap3A_20, %swap3A_21], %div3A_13 {strides = array<i32>} : memref<1280x1xf32, #tpu.memory_space<vmem>>, vector<1280x1xf32>,
    return
  }
  func.func @transform_0(%arg0: i32) -> (i32, i32) {
    %c0_i32 = arith.constant 0 : i32
    %c0_i32_0 = arith.constant 0 : i32
    return %arg0, %c0_i32 : i32, i32
  }
  func.func @transform_1(%arg0: i32) -> (i32, i32, i32) {
    %c0_i32 = arith.constant 0 : i32
    %c0_i32_0 = arith.constant 0 : i32
    %c0_i32_1 = arith.constant 0 : i32
    return %c0_i32, %arg0, %c0_i32_0 : i32, i32, i32
  }
  func.func @transform_2(%arg0: i32) -> (i32, i32) {
    %c0_i32 = arith.constant 0 : i32
    %c0_i32_0 = arith.constant 0 : i32
    return %arg0, %c0_i32 : i32, i32
  }
  func.func @transform_3(%arg0: i32) -> (i32, i32) {
    %c0_i32 = arith.constant 0 : i32
    %c0_i32_0 = arith.constant 0 : i32
    return %arg0, %c0_i32 : i32, i32
  }
}

module attributes {stable_mosaic.version = 14 : i64} {
  func.func @body(%arg0: i32, %arg1: memref<1280x128xf32, #tpu.memory_space<vmem>>, %arg2: memref<128x256xf32, #tpu.memory_space<vmem>>, %arg3: memref<1x256xf32, #tpu.memory_space<vmem>>, %arg4: memref<256x128xf32, #tpu.memory_space<vmem>>, %arg5: memref<1x128xf32, #tpu.memory_space<vmem>>, %arg6: memref<128x64xf32, #tpu.memory_space<vmem>>, %arg7: memref<1280x64xf32, #tpu.memory_space<vmem>>) attributes {dimension_semantics = [#tpu.dimension_semantics<arbitrary>], iteration_bounds = array<i64: 8>, scalar_prefetch = 0 : i64, scratch_operands = 0 : i64, tpu.core_type = #tpu.core_type<tc>, window_params = [{transform_indices = @transform_0, window_bounds = array<i64: 1280, 128>}, {pipeline_mode = #tpu.pipeline_mode<synchronous>, transform_indices = @transform_1, window_bounds = array<i64: 128, 256>}, {pipeline_mode = #tpu.pipeline_mode<synchronous>, transform_indices = @transform_2, window_bounds = array<i64: 1, 256>}, {pipeline_mode = #tpu.pipeline_mode<synchronous>, transform_indices = @transform_3, window_bounds = array<i64: 256, 128>}, {pipeline_mode = #tpu.pipeline_mode<synchronous>, transform_indices = @transform_4, window_bounds = array<i64: 1, 128>}, {pipeline_mode = #tpu.pipeline_mode<synchronous>, transform_indices = @transform_5, window_bounds = array<i64: 128, 64>}, {transform_indices = @transform_6, window_bounds = array<i64: 1280, 64>}]} {
    %get3A = arith.constant 0 : index
    %get3A_0 = arith.constant 0 : index
    %get3A_1 = vector.load %arg1[%get3A, %get3A_0] : memref<1280x128xf32, #tpu.memory_space<vmem>>, vector<1280x128xf32>
    %get3A_2 = arith.constant 0 : index
    %get3A_3 = arith.constant 0 : index
    %get3A_4 = vector.load %arg2[%get3A_2, %get3A_3] : memref<128x256xf32, #tpu.memory_space<vmem>>, vector<128x256xf32>
    %dot_general3A = arith.constant dense<0.000000e+00> : vector<1280x256xf32>
    %dot_general3A_5 = tpu.matmul %get3A_1, %get3A_4, %dot_general3A {dimension_numbers = #tpu.dot_dimension_numbers<[1], [0], [0], [1], [0, 0, 1, 1], [], []>, transpose_lhs_hint = false} : vector<1280x128xf32>, vector<128x256xf32>, vector<1280x256xf32> -> vector<1280x256xf32>
    %get3A_6 = arith.constant 0 : index
    %get3A_7 = arith.constant 0 : index
    %get3A_8 = vector.load %arg3[%get3A_6, %get3A_7] : memref<1x256xf32, #tpu.memory_space<vmem>>, vector<1x256xf32>
    %add3A = vector.broadcast %get3A_8 : vector<1x256xf32> to vector<1280x256xf32>
    %add3A_9 = arith.addf %dot_general3A_5, %add3A : vector<1280x256xf32>
    %ge3A = arith.constant 0.000000e+00 : f32
    %ge3A_10 = vector.broadcast %ge3A : f32 to vector<1280x256xf32>
    %ge3A_11 = arith.cmpf oge, %add3A_9, %ge3A_10 : vector<1280x256xf32>
    %mul3A = arith.constant 0.00999999977 : f32
    %mul3A_12 = vector.broadcast %mul3A : f32 to vector<1280x256xf32>
    %mul3A_13 = arith.mulf %mul3A_12, %add3A_9 : vector<1280x256xf32>
    %select_n3A = arith.select %ge3A_11, %add3A_9, %mul3A_13 : vector<1280x256xi1>, vector<1280x256xf32>
    %get3A_14 = arith.constant 0 : index
    %get3A_15 = arith.constant 0 : index
    %get3A_16 = vector.load %arg4[%get3A_14, %get3A_15] : memref<256x128xf32, #tpu.memory_space<vmem>>, vector<256x128xf32>
    %dot_general3A_17 = arith.constant dense<0.000000e+00> : vector<1280x128xf32>
    %dot_general3A_18 = tpu.matmul %select_n3A, %get3A_16, %dot_general3A_17 {dimension_numbers = #tpu.dot_dimension_numbers<[1], [0], [0], [1], [0, 0, 1, 1], [], []>, transpose_lhs_hint = false} : vector<1280x256xf32>, vector<256x128xf32>, vector<1280x128xf32> -> vector<1280x128xf32>
    %get3A_19 = arith.constant 0 : index
    %get3A_20 = arith.constant 0 : index
    %get3A_21 = vector.load %arg5[%get3A_19, %get3A_20] : memref<1x128xf32, #tpu.memory_space<vmem>>, vector<1x128xf32>
    %add3A_22 = vector.broadcast %get3A_21 : vector<1x128xf32> to vector<1280x128xf32>
    %add3A_23 = arith.addf %dot_general3A_18, %add3A_22 : vector<1280x128xf32>
    %ge3A_24 = arith.constant 0.000000e+00 : f32
    %ge3A_25 = vector.broadcast %ge3A_24 : f32 to vector<1280x128xf32>
    %ge3A_26 = arith.cmpf oge, %add3A_23, %ge3A_25 : vector<1280x128xf32>
    %mul3A_27 = arith.constant 0.00999999977 : f32
    %mul3A_28 = vector.broadcast %mul3A_27 : f32 to vector<1280x128xf32>
    %mul3A_29 = arith.mulf %mul3A_28, %add3A_23 : vector<1280x128xf32>
    %select_n3A_30 = arith.select %ge3A_26, %add3A_23, %mul3A_29 : vector<1280x128xi1>, vector<1280x128xf32>
    %get3A_31 = arith.constant 0 : index
    %get3A_32 = arith.constant 0 : index
    %get3A_33 = vector.load %arg6[%get3A_31, %get3A_32] : memref<128x64xf32, #tpu.memory_space<vmem>>, vector<128x64xf32>
    %dot_general3A_34 = arith.constant dense<0.000000e+00> : vector<1280x64xf32>
    %dot_general3A_35 = tpu.matmul %select_n3A_30, %get3A_33, %dot_general3A_34 {dimension_numbers = #tpu.dot_dimension_numbers<[1], [0], [0], [1], [0, 0, 1, 1], [], []>, transpose_lhs_hint = false} : vector<1280x128xf32>, vector<128x64xf32>, vector<1280x64xf32> -> vector<1280x64xf32>
    %swap3A = arith.constant 0 : index
    %swap3A_36 = arith.constant 0 : index
    %swap3A_37 = vector.load %arg7[%swap3A, %swap3A_36] : memref<1280x64xf32, #tpu.memory_space<vmem>>, vector<1280x64xf32>
    tpu.vector_store %arg7[%swap3A, %swap3A_36], %dot_general3A_35 {strides = array<i32>} : memref<1280x64xf32, #tpu.memory_space<vmem>>, vector<1280x64xf32>,
    return
  }
  func.func @transform_0(%arg0: i32) -> (i32, i32) {
    %c0_i32 = arith.constant 0 : i32
    %c0_i32_0 = arith.constant 0 : i32
    return %arg0, %c0_i32 : i32, i32
  }
  func.func @transform_1(%arg0: i32) -> (i32, i32) {
    %c0_i32 = arith.constant 0 : i32
    %c0_i32_0 = arith.constant 0 : i32
    %c0_i32_1 = arith.constant 0 : i32
    return %c0_i32, %c0_i32_0 : i32, i32
  }
  func.func @transform_2(%arg0: i32) -> (i32, i32) {
    %c0_i32 = arith.constant 0 : i32
    %c0_i32_0 = arith.constant 0 : i32
    %c0_i32_1 = arith.constant 0 : i32
    return %c0_i32, %c0_i32_0 : i32, i32
  }
  func.func @transform_3(%arg0: i32) -> (i32, i32) {
    %c0_i32 = arith.constant 0 : i32
    %c0_i32_0 = arith.constant 0 : i32
    %c0_i32_1 = arith.constant 0 : i32
    return %c0_i32, %c0_i32_0 : i32, i32
  }
  func.func @transform_4(%arg0: i32) -> (i32, i32) {
    %c0_i32 = arith.constant 0 : i32
    %c0_i32_0 = arith.constant 0 : i32
    %c0_i32_1 = arith.constant 0 : i32
    return %c0_i32, %c0_i32_0 : i32, i32
  }
  func.func @transform_5(%arg0: i32) -> (i32, i32) {
    %c0_i32 = arith.constant 0 : i32
    %c0_i32_0 = arith.constant 0 : i32
    %c0_i32_1 = arith.constant 0 : i32
    return %c0_i32, %c0_i32_0 : i32, i32
  }
  func.func @transform_6(%arg0: i32) -> (i32, i32) {
    %c0_i32 = arith.constant 0 : i32
    %c0_i32_0 = arith.constant 0 : i32
    return %arg0, %c0_i32 : i32, i32
  }
}

module attributes {stable_mosaic.version = 14 : i64} {
  func.func @body(%arg0: i32, %arg1: memref<2x1280x128xf32, #tpu.memory_space<vmem>>, %arg2: memref<1280x64xf32, #tpu.memory_space<vmem>>, %arg3: memref<1280x1xf32, #tpu.memory_space<vmem>>, %arg4: memref<1x64xf32, #tpu.memory_space<vmem>>, %arg5: memref<64x32xf32, #tpu.memory_space<vmem>>, %arg6: memref<1280x32xf32, #tpu.memory_space<vmem>>) attributes {dimension_semantics = [#tpu.dimension_semantics<arbitrary>], iteration_bounds = array<i64: 8>, scalar_prefetch = 0 : i64, scratch_operands = 0 : i64, tpu.core_type = #tpu.core_type<tc>, window_params = [{transform_indices = @transform_0, window_bounds = array<i64: 2, 1280, 128>}, {transform_indices = @transform_1, window_bounds = array<i64: 1280, 64>}, {transform_indices = @transform_2, window_bounds = array<i64: 1280, 1>}, {pipeline_mode = #tpu.pipeline_mode<synchronous>, transform_indices = @transform_3, window_bounds = array<i64: 1, 64>}, {pipeline_mode = #tpu.pipeline_mode<synchronous>, transform_indices = @transform_4, window_bounds = array<i64: 64, 32>}, {transform_indices = @transform_5, window_bounds = array<i64: 1280, 32>}]} {
    %get3A = arith.constant 0 : index
    %get3A_0 = arith.constant 0 : index
    %get3A_1 = vector.load %arg3[%get3A, %get3A_0] : memref<1280x1xf32, #tpu.memory_space<vmem>>, vector<1280x1xf32>
    %get3A_2 = arith.constant 0 : index
    %get3A_3 = arith.constant 0 : index
    %get3A_4 = arith.constant 0 : index
    %get3A_5 = vector.load %arg1[%get3A_2, %get3A_3, %get3A_4] : memref<2x1280x128xf32, #tpu.memory_space<vmem>>, vector<1x1280x64xf32>
    %get3A_6 = vector.shape_cast %get3A_5 : vector<1x1280x64xf32> to vector<1280x64xf32>
    %get3A_7 = arith.constant 1 : index
    %get3A_8 = arith.constant 0 : index
    %get3A_9 = arith.constant 0 : index
    %get3A_10 = vector.load %arg1[%get3A_7, %get3A_8, %get3A_9] : memref<2x1280x128xf32, #tpu.memory_space<vmem>>, vector<1x1280x64xf32>
    %get3A_11 = vector.shape_cast %get3A_10 : vector<1x1280x64xf32> to vector<1280x64xf32>
    %add3A = arith.addf %get3A_6, %get3A_11 : vector<1280x64xf32>
    %get3A_12 = arith.constant 0 : index
    %get3A_13 = arith.constant 0 : index
    %get3A_14 = vector.load %arg2[%get3A_12, %get3A_13] : memref<1280x64xf32, #tpu.memory_space<vmem>>, vector<1280x64xf32>
    %add3A_15 = arith.addf %add3A, %get3A_14 : vector<1280x64xf32>
    %mul3A = vector.broadcast %get3A_1 : vector<1280x1xf32> to vector<1280x64xf32>
    %mul3A_16 = arith.mulf %add3A_15, %mul3A : vector<1280x64xf32>
    %get3A_17 = arith.constant 0 : index
    %get3A_18 = arith.constant 0 : index
    %get3A_19 = vector.load %arg4[%get3A_17, %get3A_18] : memref<1x64xf32, #tpu.memory_space<vmem>>, vector<1x64xf32>
    %add3A_20 = vector.broadcast %get3A_19 : vector<1x64xf32> to vector<1280x64xf32>
    %add3A_21 = arith.addf %mul3A_16, %add3A_20 : vector<1280x64xf32>
    %ge3A = arith.constant 0.000000e+00 : f32
    %ge3A_22 = vector.broadcast %ge3A : f32 to vector<1280x64xf32>
    %ge3A_23 = arith.cmpf oge, %add3A_21, %ge3A_22 : vector<1280x64xf32>
    %mul3A_24 = arith.constant 0.00999999977 : f32
    %mul3A_25 = vector.broadcast %mul3A_24 : f32 to vector<1280x64xf32>
    %mul3A_26 = arith.mulf %mul3A_25, %add3A_21 : vector<1280x64xf32>
    %select_n3A = arith.select %ge3A_23, %add3A_21, %mul3A_26 : vector<1280x64xi1>, vector<1280x64xf32>
    %mul3A_27 = arith.mulf %select_n3A, %select_n3A : vector<1280x64xf32>
    %reduce_sum3A = arith.constant dense<0.000000e+00> : vector<1280xf32>
    %reduce_sum3A_28 = vector.multi_reduction <add>, %mul3A_27, %reduce_sum3A [1] : vector<1280x64xf32> to vector<1280xf32>
    %broadcast_in_dim3A = vector.shape_cast %reduce_sum3A_28 : vector<1280xf32> to vector<1280x1xf32>
    %sqrt3A = math.sqrt %broadcast_in_dim3A : vector<1280x1xf32>
    %div3A = vector.broadcast %sqrt3A : vector<1280x1xf32> to vector<1280x64xf32>
    %div3A_29 = arith.divf %select_n3A, %div3A : vector<1280x64xf32>
    %get3A_30 = arith.constant 0 : index
    %get3A_31 = arith.constant 0 : index
    %get3A_32 = vector.load %arg5[%get3A_30, %get3A_31] : memref<64x32xf32, #tpu.memory_space<vmem>>, vector<64x32xf32>
    %dot_general3A = arith.constant dense<0.000000e+00> : vector<1280x32xf32>
    %dot_general3A_33 = tpu.matmul %div3A_29, %get3A_32, %dot_general3A {dimension_numbers = #tpu.dot_dimension_numbers<[1], [0], [0], [1], [0, 0, 1, 1], [], []>, transpose_lhs_hint = false} : vector<1280x64xf32>, vector<64x32xf32>, vector<1280x32xf32> -> vector<1280x32xf32>
    %mul3A_34 = vector.broadcast %get3A_1 : vector<1280x1xf32> to vector<1280x32xf32>
    %mul3A_35 = arith.mulf %dot_general3A_33, %mul3A_34 : vector<1280x32xf32>
    %swap3A = arith.constant 0 : index
    %swap3A_36 = arith.constant 0 : index
    %swap3A_37 = vector.load %arg6[%swap3A, %swap3A_36] : memref<1280x32xf32, #tpu.memory_space<vmem>>, vector<1280x32xf32>
    tpu.vector_store %arg6[%swap3A, %swap3A_36], %mul3A_35 {strides = array<i32>} : memref<1280x32xf32, #tpu.memory_space<vmem>>, vector<1280x32xf32>,
    return
  }
  func.func @transform_0(%arg0: i32) -> (i32, i32, i32) {
    %c0_i32 = arith.constant 0 : i32
    %c0_i32_0 = arith.constant 0 : i32
    %c0_i32_1 = arith.constant 0 : i32
    return %c0_i32, %arg0, %c0_i32_0 : i32, i32, i32
  }
  func.func @transform_1(%arg0: i32) -> (i32, i32) {
    %c0_i32 = arith.constant 0 : i32
    %c0_i32_0 = arith.constant 0 : i32
    return %arg0, %c0_i32 : i32, i32
  }
  func.func @transform_2(%arg0: i32) -> (i32, i32) {
    %c0_i32 = arith.constant 0 : i32
    %c0_i32_0 = arith.constant 0 : i32
    return %arg0, %c0_i32 : i32, i32
  }
  func.func @transform_3(%arg0: i32) -> (i32, i32) {
    %c0_i32 = arith.constant 0 : i32
    %c0_i32_0 = arith.constant 0 : i32
    %c0_i32_1 = arith.constant 0 : i32
    return %c0_i32, %c0_i32_0 : i32, i32
  }
  func.func @transform_4(%arg0: i32) -> (i32, i32) {
    %c0_i32 = arith.constant 0 : i32
    %c0_i32_0 = arith.constant 0 : i32
    %c0_i32_1 = arith.constant 0 : i32
    return %c0_i32, %c0_i32_0 : i32, i32
  }
  func.func @transform_5(%arg0: i32) -> (i32, i32) {
    %c0_i32 = arith.constant 0 : i32
    %c0_i32_0 = arith.constant 0 : i32
    return %arg0, %c0_i32 : i32, i32
  }
}

module attributes {stable_mosaic.version = 14 : i64} {
  func.func @body(%arg0: i32, %arg1: memref<2x1280x128xf32, #tpu.memory_space<vmem>>, %arg2: memref<1280x32xf32, #tpu.memory_space<vmem>>, %arg3: memref<1280x1xf32, #tpu.memory_space<vmem>>, %arg4: memref<1x32xf32, #tpu.memory_space<vmem>>, %arg5: memref<32x2xf32, #tpu.memory_space<vmem>>, %arg6: memref<1x2xf32, #tpu.memory_space<vmem>>, %arg7: memref<1280x2xf32, #tpu.memory_space<vmem>>) attributes {dimension_semantics = [#tpu.dimension_semantics<arbitrary>], iteration_bounds = array<i64: 8>, scalar_prefetch = 0 : i64, scratch_operands = 0 : i64, tpu.core_type = #tpu.core_type<tc>, window_params = [{transform_indices = @transform_0, window_bounds = array<i64: 2, 1280, 128>}, {transform_indices = @transform_1, window_bounds = array<i64: 1280, 32>}, {transform_indices = @transform_2, window_bounds = array<i64: 1280, 1>}, {pipeline_mode = #tpu.pipeline_mode<synchronous>, transform_indices = @transform_3, window_bounds = array<i64: 1, 32>}, {pipeline_mode = #tpu.pipeline_mode<synchronous>, transform_indices = @transform_4, window_bounds = array<i64: 32, 2>}, {pipeline_mode = #tpu.pipeline_mode<synchronous>, transform_indices = @transform_5, window_bounds = array<i64: 1, 2>}, {transform_indices = @transform_6, window_bounds = array<i64: 1280, 2>}]} {
    %get3A = arith.constant 0 : index
    %get3A_0 = arith.constant 0 : index
    %get3A_1 = vector.load %arg3[%get3A, %get3A_0] : memref<1280x1xf32, #tpu.memory_space<vmem>>, vector<1280x1xf32>
    %get3A_2 = arith.constant 0 : index
    %get3A_3 = arith.constant 0 : index
    %get3A_4 = arith.constant 0 : index
    %get3A_5 = vector.load %arg1[%get3A_2, %get3A_3, %get3A_4] : memref<2x1280x128xf32, #tpu.memory_space<vmem>>, vector<1x1280x32xf32>
    %get3A_6 = vector.shape_cast %get3A_5 : vector<1x1280x32xf32> to vector<1280x32xf32>
    %get3A_7 = arith.constant 1 : index
    %get3A_8 = arith.constant 0 : index
    %get3A_9 = arith.constant 0 : index
    %get3A_10 = vector.load %arg1[%get3A_7, %get3A_8, %get3A_9] : memref<2x1280x128xf32, #tpu.memory_space<vmem>>, vector<1x1280x32xf32>
    %get3A_11 = vector.shape_cast %get3A_10 : vector<1x1280x32xf32> to vector<1280x32xf32>
    %add3A = arith.addf %get3A_6, %get3A_11 : vector<1280x32xf32>
    %get3A_12 = arith.constant 0 : index
    %get3A_13 = arith.constant 0 : index
    %get3A_14 = vector.load %arg2[%get3A_12, %get3A_13] : memref<1280x32xf32, #tpu.memory_space<vmem>>, vector<1280x32xf32>
    %add3A_15 = arith.addf %add3A, %get3A_14 : vector<1280x32xf32>
    %mul3A = vector.broadcast %get3A_1 : vector<1280x1xf32> to vector<1280x32xf32>
    %mul3A_16 = arith.mulf %add3A_15, %mul3A : vector<1280x32xf32>
    %get3A_17 = arith.constant 0 : index
    %get3A_18 = arith.constant 0 : index
    %get3A_19 = vector.load %arg4[%get3A_17, %get3A_18] : memref<1x32xf32, #tpu.memory_space<vmem>>, vector<1x32xf32>
    %add3A_20 = vector.broadcast %get3A_19 : vector<1x32xf32> to vector<1280x32xf32>
    %add3A_21 = arith.addf %mul3A_16, %add3A_20 : vector<1280x32xf32>
    %ge3A = arith.constant 0.000000e+00 : f32
    %ge3A_22 = vector.broadcast %ge3A : f32 to vector<1280x32xf32>
    %ge3A_23 = arith.cmpf oge, %add3A_21, %ge3A_22 : vector<1280x32xf32>
    %mul3A_24 = arith.constant 0.00999999977 : f32
    %mul3A_25 = vector.broadcast %mul3A_24 : f32 to vector<1280x32xf32>
    %mul3A_26 = arith.mulf %mul3A_25, %add3A_21 : vector<1280x32xf32>
    %select_n3A = arith.select %ge3A_23, %add3A_21, %mul3A_26 : vector<1280x32xi1>, vector<1280x32xf32>
    %mul3A_27 = arith.mulf %select_n3A, %select_n3A : vector<1280x32xf32>
    %reduce_sum3A = arith.constant dense<0.000000e+00> : vector<1280xf32>
    %reduce_sum3A_28 = vector.multi_reduction <add>, %mul3A_27, %reduce_sum3A [1] : vector<1280x32xf32> to vector<1280xf32>
    %broadcast_in_dim3A = vector.shape_cast %reduce_sum3A_28 : vector<1280xf32> to vector<1280x1xf32>
    %sqrt3A = math.sqrt %broadcast_in_dim3A : vector<1280x1xf32>
    %div3A = vector.broadcast %sqrt3A : vector<1280x1xf32> to vector<1280x32xf32>
    %div3A_29 = arith.divf %select_n3A, %div3A : vector<1280x32xf32>
    %get3A_30 = arith.constant 0 : index
    %get3A_31 = arith.constant 0 : index
    %get3A_32 = vector.load %arg5[%get3A_30, %get3A_31] : memref<32x2xf32, #tpu.memory_space<vmem>>, vector<32x2xf32>
    %dot_general3A = arith.constant dense<0.000000e+00> : vector<1280x2xf32>
    %dot_general3A_33 = tpu.matmul %div3A_29, %get3A_32, %dot_general3A {dimension_numbers = #tpu.dot_dimension_numbers<[1], [0], [0], [1], [0, 0, 1, 1], [], []>, transpose_lhs_hint = false} : vector<1280x32xf32>, vector<32x2xf32>, vector<1280x2xf32> -> vector<1280x2xf32>
    %get3A_34 = arith.constant 0 : index
    %get3A_35 = arith.constant 0 : index
    %get3A_36 = vector.load %arg6[%get3A_34, %get3A_35] : memref<1x2xf32, #tpu.memory_space<vmem>>, vector<1x2xf32>
    %add3A_37 = vector.broadcast %get3A_36 : vector<1x2xf32> to vector<1280x2xf32>
    %add3A_38 = arith.addf %dot_general3A_33, %add3A_37 : vector<1280x2xf32>
    %swap3A = arith.constant 0 : index
    %swap3A_39 = arith.constant 0 : index
    %swap3A_40 = vector.load %arg7[%swap3A, %swap3A_39] : memref<1280x2xf32, #tpu.memory_space<vmem>>, vector<1280x2xf32>
    tpu.vector_store %arg7[%swap3A, %swap3A_39], %add3A_38 {strides = array<i32>} : memref<1280x2xf32, #tpu.memory_space<vmem>>, vector<1280x2xf32>,
    return
  }
  func.func @transform_0(%arg0: i32) -> (i32, i32, i32) {
    %c0_i32 = arith.constant 0 : i32
    %c0_i32_0 = arith.constant 0 : i32
    %c0_i32_1 = arith.constant 0 : i32
    return %c0_i32, %arg0, %c0_i32_0 : i32, i32, i32
  }
  func.func @transform_1(%arg0: i32) -> (i32, i32) {
    %c0_i32 = arith.constant 0 : i32
    %c0_i32_0 = arith.constant 0 : i32
    return %arg0, %c0_i32 : i32, i32
  }
  func.func @transform_2(%arg0: i32) -> (i32, i32) {
    %c0_i32 = arith.constant 0 : i32
    %c0_i32_0 = arith.constant 0 : i32
    return %arg0, %c0_i32 : i32, i32
  }
  func.func @transform_3(%arg0: i32) -> (i32, i32) {
    %c0_i32 = arith.constant 0 : i32
    %c0_i32_0 = arith.constant 0 : i32
    %c0_i32_1 = arith.constant 0 : i32
    return %c0_i32, %c0_i32_0 : i32, i32
  }
  func.func @transform_4(%arg0: i32) -> (i32, i32) {
    %c0_i32 = arith.constant 0 : i32
    %c0_i32_0 = arith.constant 0 : i32
    %c0_i32_1 = arith.constant 0 : i32
    return %c0_i32, %c0_i32_0 : i32, i32
  }
  func.func @transform_5(%arg0: i32) -> (i32, i32) {
    %c0_i32 = arith.constant 0 : i32
    %c0_i32_0 = arith.constant 0 : i32
    %c0_i32_1 = arith.constant 0 : i32
    return %c0_i32, %c0_i32_0 : i32, i32
  }
  func.func @transform_6(%arg0: i32) -> (i32, i32) {
    %c0_i32 = arith.constant 0 : i32
    %c0_i32_0 = arith.constant 0 : i32
    return %arg0, %c0_i32 : i32, i32
  }
}

</mosaic_0001>

<sc_bundles>
// kernel: kernel.12.cloned.1.call-start
scs
__scs_entry_jumppad:
0x0: {  	(pc) =	sbr.rel $0x88, $3  }
0x1: {  	(tag) =	ssettag $0x0;
	lr =	simm.s32 $0x1  }
0x2: {  	[smem:$0x3F95] =	sst lr;
	_ =	strace $0xD0000000  }
0x3: {  	_ = 	snop  }
0x4: {  	_ = 	snop  }
0x5: {  	_ = 	snop  }
0x6: {  	_ = 	snop  }
0x7: {  	_ = 	snop  }
__scs_overlays_trampoline_lowered:
0x8: {  	[smem:$0x3FA4] =	sst s0  }
0x9: {  	[smem:$0x3FA5] =	sst s1  }
0xa: {  	[smem:$0x3FA6] =	sst s2  }
0xb: {  	[smem:$0x3FA7] =	sst s3  }
0xc: {  	[smem:$0x3FA8] =	sst s4  }
0xd: {  	[smem:$0x3FA9] =	sst s5  }
0xe: {  	[smem:$0x3FAA] =	sst s6  }
0xf: {  	[smem:$0x3FAB] =	sst s7  }
0x10: {  	[smem:$0x3FAC] =	sst s8  }
0x11: {  	[smem:$0x3FAD] =	sst s9;
	s0 =	simm.s32 @!p0 $0x0  }
0x12: {  	s1 =	sld [smem:$0x3F93];
	s0 =	simm.s32 @p0 $0x1  }
0x13: {  	[smem:$0x3FAE] =	sst s0;
	s0 =	simm.s32 @!p1 $0x0  }
0x14: {  	s2 =	sld [smem:$0x3F92];
	s0 =	simm.s32 @p1 $0x1  }
0x15: {  	[smem:$0x3FAF] =	sst s0;
	s0 =	simm.s32 @!p2 $0x0  }
0x16: {  	s3 =	sld [smem:$0x3FDB];
	s0 =	simm.s32 @p2 $0x1  }
0x17: {  	s4 =	simm.s32 $0x1BF5;
	[smem:$0x3FB1] =	sst s0  }
0x18: {  	s0 =	sld [smem:$0x3F94];
	_ =	swait.ge [sflag:s4], $0x0  }
0x19: {  	s7 =	sld [smem:$0x3F95]  }
0x1a: {  	s8 =	sadd.s32 $0xFFFFE003, lr  }
0x1b: {  	s9 =	sadd.s32 $0xFFFFFEF7, lr;
	s5 =	simm.s32 $0xFFFFFFFF;
	p2 =	slt.u32 s8, $0xFFFFF086  }
0x1c: {  	p1 =	slt.u32 s9, $0xF7A;
	s5 =	simm.s32 @!p2 $0x0  }
0x1d: {  	s5 =	simm.s32 @p1 $0x1;
	p0 =	seq.s32 s7, s2  }
0x1e: {  	s7 =	smul.u32 @!p0 $0xF7A, s2;
	p2 =	seq.s32 @!p0 s5, $0x0  }
0x1f: {  	s9 =	smul.u32 $0xF7A, s1;
	s8 =	simm.s32 @!p0 $0x1BF5;
	p2 =	por !p2, p0  }
0x20: {  	[sflag:s8] =	ssyncset.s32 @!p0 $0xFFFFF086;
	s6 =	sadd.s32 @!p0 s3, s7;
	s7 =	simm.s32 @!p0 $0x108  }
0x21: {  	s3 =	sadd.s32 s3, s9;
	s6 =	sadd.s32 @!p0 $0x88, s6;
	s7 =	simm.s32 @p2 $0x1082  }
0x22: {  	[simem:s7], [sflag:s8] =	dma.local @!p0 [hbm:s6], $0xF7A  }
0x23: {  	s9 =	sor.u32 $0xD0000000, s2;
	s6 =	simm.s32 $0x108;
	_ =	swait.ge @!p0 [sflag:s8], $0x0  }
0x24: {  	s3 =	sadd.s32 $0x88, s3;
	s6 =	simm.s32 @!p1 $0x1082;
	[sflag:s4] =	ssyncset.s32 $0xFFFFF086  }
0x25: {  	[simem:s6], [sflag:s4] =	dma.local [hbm:s3], $0xF7A  }
0x26: {  	[smem:$0x3F95] =	sst s1;
	(tag) =	ssettag s2;
	_ =	strace s9  }
0x27: {  	s1 =	sld [smem:$0x3FA5]  }
0x28: {  	s2 =	sld [smem:$0x3FA6]  }
0x29: {  	s4 =	sld [smem:$0x3FA8]  }
0x2a: {  	p0 =	seq.s32 s5, $0x0;
	s5 =	sld [smem:$0x3FA9]  }
0x2b: {  	s6 =	sld [smem:$0x3FAA]  }
0x2c: {  	s7 =	sld [smem:$0x3FAB]  }
0x2d: {  	s3 =	simm.s32 $0x108;
	s8 =	sld [smem:$0x3FAC]  }
0x2e: {  	s3 =	simm.s32 @!p0 $0x1082;
	s9 =	sld [smem:$0x3FAD]  }
0x2f: {  	lr =	sadd.s32 s0, s3;
	s0 =	sld [smem:$0x3FA4]  }
0x30: {  	s3 =	sld [smem:$0x3FA7]  }
0x31: {  	[smem:$0x3FB0] =	sst s10  }
0x32: {  	s10 =	sld [smem:$0x3FAE];
	_ =	sdelay $0x3  }
0x33: {  	p0 =	seq.s32 s10, $0x1;
	s10 =	sld [smem:$0x3FB0];
	_ =	sdelay $0x3  }
0x34: {  	[smem:$0x3FB0] =	sst s10  }
0x35: {  	s10 =	sld [smem:$0x3FAF];
	_ =	sdelay $0x3  }
0x36: {  	p1 =	seq.s32 s10, $0x1;
	s10 =	sld [smem:$0x3FB0];
	_ =	sdelay $0x3  }
0x37: {  	[smem:$0x3FB0] =	sst s10  }
0x38: {  	s10 =	sld [smem:$0x3FB1]  }
0x39: {  	_ = 	snop;
	(pc) =	sbr.ind lr, $3  }
0x3a: {  	_ = 	snop  }
0x3b: {  	_ = 	snop  }
0x3c: {  	p2 =	seq.s32 s10, $0x1;
	s10 =	sld [smem:$0x3FB0]  }
0x3d: {  	_ =	shalt  }
0x3e: {  	_ =	shalt  }
0x3f: {  	_ =	shalt  }
0x40: {  	_ =	shalt  }
0x41: {  	_ =	shalt  }
0x42: {  	_ =	shalt  }
0x43: {  	_ =	shalt  }
0x44: {  	_ =	shalt  }
0x45: {  	_ =	shalt  }
0x46: {  	_ =	shalt  }
0x47: {  	_ =	shalt  }
0x48: {  	_ =	shalt  }
0x49: {  	_ =	shalt  }
0x4a: {  	_ =	shalt  }
0x4b: {  	_ =	shalt  }
0x4c: {  	_ =	shalt  }
0x4d: {  	_ =	shalt  }
0x4e: {  	_ =	shalt  }
0x4f: {  	_ =	shalt  }
0x50: {  	_ =	shalt  }
0x51: {  	_ =	shalt  }
0x52: {  	_ =	shalt  }
0x53: {  	_ =	shalt  }
0x54: {  	_ =	shalt  }
0x55: {  	_ =	shalt  }
0x56: {  	_ =	shalt  }
0x57: {  	_ =	shalt  }
0x58: {  	_ =	shalt  }
0x59: {  	_ =	shalt  }
0x5a: {  	_ =	shalt  }
0x5b: {  	_ =	shalt  }
0x5c: {  	_ =	shalt  }
0x5d: {  	_ =	shalt  }
0x5e: {  	_ =	shalt  }
0x5f: {  	_ =	shalt  }
0x60: {  	_ =	shalt  }
0x61: {  	_ =	shalt  }
0x62: {  	_ =	shalt  }
0x63: {  	_ =	shalt  }
0x64: {  	_ =	shalt  }
0x65: {  	_ =	shalt  }
0x66: {  	_ =	shalt  }
0x67: {  	_ =	shalt  }
0x68: {  	_ =	shalt  }
0x69: {  	_ =	shalt  }
0x6a: {  	_ =	shalt  }
0x6b: {  	_ =	shalt  }
0x6c: {  	_ =	shalt  }
0x6d: {  	_ =	shalt  }
0x6e: {  	_ =	shalt  }
0x6f: {  	_ =	shalt  }
0x70: {  	_ =	shalt  }
0x71: {  	_ =	shalt  }
0x72: {  	_ =	shalt  }
0x73: {  	_ =	shalt  }
0x74: {  	_ =	shalt  }
0x75: {  	_ =	shalt  }
0x76: {  	_ =	shalt  }
0x77: {  	_ =	shalt  }
0x78: {  	_ =	shalt  }
0x79: {  	_ =	shalt  }
0x7a: {  	_ =	shalt  }
0x7b: {  	_ =	shalt  }
0x7c: {  	_ =	shalt  }
0x7d: {  	_ =	shalt  }
0x7e: {  	_ =	shalt  }
0x7f: {  	_ =	shalt  }
0x80: {  	_ =	shalt  }
0x81: {  	_ =	shalt  }
0x82: {  	_ =	shalt  }
0x83: {  	_ =	shalt  }
0x84: {  	_ =	shalt  }
0x85: {  	_ =	shalt  }
0x86: {  	_ =	shalt  }
0x87: {  	_ =	shalt  }
.Lfunc_end0:
.L_simem_size_0:
called_computation.1_lowered:
.L_overlay_start_0:
0x88: {  	s2 =	sld [smem:$0x3FD9]  }
0x89: {  	s3 =	sld [smem:$0x3FFE];
	_ =	sdelay $0x1  }
0x8a: {  	s1 =	srdreg.scid  }
0x8b: {  	s0 =	sand.u32 $0x1, s1  }
0x8c: {  	s16 =	sshll.u32 s0, $0xA;
	s2 =	sadd.s32 s3, s2  }
0x8d: {  	s2 =	sadd.s32 s2, s16  }
0x8e: {  	[smem:$0x3FBC] =	sst s2  }
0x8f: {  	_ = 	snop  }
0x90: {  	(tm) =	ssettm $0x1  }
0x91: {  	s17 =	sld [smem:$0x3FFB];
	_ =	sdelay $0x3  }
0x92: {  	_ =	strace s17  }
0x93: {  	s2 =	sld [smem:$0x3FFC];
	_ =	sdelay $0x3  }
0x94: {  	_ =	strace s2  }
0x95: {  	s2 =	sld [smem:$0x3FFD];
	_ =	sdelay $0x3  }
0x96: {  	_ =	strace s2  }
0x97: {  	_ =	strace $0x8FFFFFFF  }
0x98: {  	s18 =	sld [smem:$0x3FDB];
	_ =	sdelay $0x1  }
0x99: {  	s19 =	simm.s32 $_scs_section_size  }
0x9a: {  	s4 =	simm.s32 $_size__tile_overlayer_lowered;
	s5 =	simm.s32 $_tile_overlayer_lowered  }
0x9b: {  	s22 =	simm.s32 $0x1BFF;
	s21 =	sshll.u32 s5, $0x1;
	s2 =	sadd.s32 s19, s18  }
0x9c: {  	s6 =	simm.s32 $0x0;
	s20 =	sshll.u32 s4, $0x1;
	s4 =	sadd.s32 s21, s2  }
0x9d: {  	[timem:s6], [sflag:s22] =	dma.local [hbm:s4], s20  }
0x9e: {  	_ =	swait.ge [sflag:s22], s20  }
0x9f: {  	s3 =	ssub.s32 $0x0, s20;
	[sflag:s22] =	ssyncset.done $0x0  }
0xa0: {  	[sflag:s22] =	ssyncadd.s32 s3;
	_ =	sdelay $0x1  }
0xa1: {  	s23 =	simm.s32 $0x1B8B  }
0xa2: {  	_ =	swait.ge [sflag:s23], $0x1  }
0xa3: {  	[sflag:s23] =	ssyncset.done $0x0  }
0xa4: {  	s25 =	simm.s32 $0x1B8E;
	s24 =	sld [smem:$0x3FFE];
	[sflag:s23] =	ssyncadd.s32 $0xFFFFFFFF  }
0xa5: {  	s26 =	simm.s32 $execute0_lowered;
	[smem:$0x3FD2] =	sst s25  }
0xa6: {  	s4 =	sshll.u32 s26, $0x1;
	_ =	strace $0x80000049;
	[dreg:$0x1] =	wrdreg $0xFFFFFFFF  }
0xa7: {  	s28 =	simm.s32 $_size_execute0_lowered;
	s2 =	sadd.s32 s2, s4;
	[dreg:$0x0] =	wrdreg $0x0  }
0xa8: {  	s4 =	sshll.u32 s28, $0x1;
	[dreg:$0x2] =	wrdreg s2  }
0xa9: {  	[dreg:$0x3] =	wrdreg s4  }
0xaa: {  	[dreg:$0x4] =	wrdreg $0xC0  }
0xab: {  	_ =	task [dreg:s6], $0x5FFFF  }
0xac: {  	[dreg:$0x1] =	wrdreg $0xFFFFFFFF  }
0xad: {  	[dreg:$0x0] =	wrdreg $0x60  }
0xae: {  	[dreg:$0x2] =	wrdreg s24  }
0xaf: {  	[dreg:$0x3] =	wrdreg $0x4E200  }
0xb0: {  	[dreg:$0x4] =	wrdreg $0x9  }
0xb1: {  	_ =	task.clear_ibuf [dreg:s6], $0x5FFFF;
	_ =	strace $0x90000049  }
0xb2: {  	s29 =	simm.s32 $0x9;
	_ =	strace $0x8000004B  }
0xb3: {  	_ =	swait.ge [sflag:s29], $0x1  }
0xb4: {  	[sflag:s29] =	ssyncadd.s32 $0xFFFFFFFF  }
0xb5: {  	_ =	strace $0x9000004B  }
0xb6: {  	_ =	sfence  }
0xb7: {  	s30 =	sld [smem:$0x0];
	_ =	sdelay $0x2  }
0xb8: {  	s31 =	sshll.u32 s1, $0xD;
	s1 =	sshrl.u32 s1, $0x2  }
0xb9: {  	s3 =	sand.u32 $0x4000, s31;
	s1 =	sadd.s32 s1, s30  }
0xba: {  	s0 =	sor.u32 s3, s0;
	s1 =	sshll.u32 s1, $0x11  }
0xbb: {  	s0 =	sor.u32 s1, s0  }
0xbc: {  	s0 =	sadd.s32 $0x8F2B, s0  }
0xbd: {  	[sflag:s0] =	ssyncadd.remote.s32 $0x1  }
0xbe: {  	_ =	sfence.sel $0xFFFF  }
0xbf: {  	[dreg:$0x0] =	wrdreg $0xFFFFFFFF;
	(pc) =	sbr.abs _section_cstart, $3  }
0xc0: {  	[dreg:$0x1] =	wrdreg $0xFFFFFFFF  }
0xc1: {  	_ =	task.clear_ibuf [dreg:s6], $0x2FFFF;
	_ =	strace $0x9FFFFFFF  }
0xc2: {  	(tm) =	ssettm $0x7FFFFFFF  }
0xc3: {  	_ =	shalt  }
tec
execute0_lowered:
.L_overlay_start_1:
0x0: {  	(tag) =	ssettag $0x1  }
0x1: {  	s0 =	srdreg.scid;
	s1 =	rddreg [dreg:$0x0]  }
0x2: {  	s12 =	stileid.u32;
	s2 =	rddreg [dreg:$0x1]  }
0x3: {  	s14 =	simm.s32 $0x50;
	s15 =	simm.s32 $0xEE20;
	s16 =	simm.s32 $0x10220  }
0x4: {  	s18 =	simm.s32 $0x11620;
	s20 =	simm.s32 $0x12A20;
	s22 =	simm.s32 $0x13E20  }
0x5: {  	s23 =	simm.s32 $0x1;
	s24 =	simm.s32 $0x2;
	s28 =	simm.s32 $0x5  }
0x6: {  	s31 =	simm.s32 $0x4D30;
	s17 =	simm.s32 $0x8;
	s19 =	simm.s32 $0x0  }
0x7: {  	s0 =	sand.u32 $0x1, s0;
	s3 =	sshll.u32 s12, $0x1;
	s7 =	smul.u32 $0x14000, s12  }
0x8: {  	s8 =	smul.u32 $0xA000, s12;
	s30 =	sshll.u32 s12, $0x6;
	s4 =	sor.u32 s0, s3  }
0x9: {  	s3 =	simm.s32 $0x0;
	s6 =	smul.u32 $0x140000, s0;
	s0 =	ssub.s32 $0x2, s0  }
0xa: {  	s12 =	sor.u32 $0x1C06, s30;
	s5 =	smul.u32 $0x2710, s4;
	[smem:$0x7FF] =	sst s3  }
0xb: {  	s4 =	sadd.s32 $0x16400, s1;
	s26 =	sshrl.u32 s8, $0x3;
	s29 =	sshrl.u32 s0, $0x1  }
0xc: {  	s11 =	sadd.s32 s8, s2;
	_ =	strace $0x8000004A;
	s25 =	sadd.s32 s7, s6  }
0xd: {  	s10 =	sadd.s32 s26, s1;
	s0 =	ssub.s32 s0, s29;
	s13 =	sshrl.u32 s11, $0x3  }
0xe: {  	s26 =	simm.s32 $0x4;
	s11 =	simm.s32 $0x10;
	s5 =	sshrl.u32 s5, $0x3  }
0xf: {  	s7 =	sadd.s32 $0x2A400, s10;
	s9 =	sadd.s32 s5, s1;
	s5 =	sshrl.u32 s25, $0x3  }
0x10: {  	s10 =	simm.s32 $0x6;
	s25 =	simm.s32 $0x3;
	s1 =	sadd.s32 s5, s1  }
0x11: {  	s5 =	sadd.s32 $0x2A00, s9;
	s6 =	sadd.s32 $0xC640, s9;
	s9 =	smax.u32 s0, $0x1  }
0x12: {  	s0 =	simm.s32 $0x4DD0;
	s8 =	sadd.s32 $0x3E400, s1;
	s1 =	simm.s32 $0x4D80  }
.LBB2_1:
0x13: {  	[tilespmem:s3], [sflag:$0x6] =	stream.linear.gather [hbm4b:s5+s3], $0x2710, $0x38;
	[tilespmem:$0x15220] =	vst v63  }
0x14: {  	_ =	swait.ge [sflag:s10], $0x2710  }
0x15: {  	[sflag:s10] =	ssyncset.done $0x0  }
0x16: {  	s21 =	simm.s32 $0x2710;
	[sflag:s10] =	ssyncadd.s32 $0xFFFFD8F0  }
0x17: {  	[tilespmem:s21], [sflag:$0x6] =	stream.linear.gather [hbm4b:s6+s3], $0x2710, $0x38;
	[tilespmem:$0x15220] =	vst v63  }
0x18: {  	_ =	swait.ge [sflag:s10], $0x2710  }
0x19: {  	[sflag:s10] =	ssyncset.done $0x0  }
0x1a: {  	[sflag:s10] =	ssyncadd.s32 $0xFFFFD8F0  }
0x1b: {  	[spmem:s13], [sflag:s12] =	dma.local [hbm:s7], $0x1400  }
0x1c: {  	_ =	swait.ge [sflag:s10], $0x1400  }
0x1d: {  	[sflag:s10] =	ssyncset.done $0x0  }
0x1e: {  	[sflag:s10] =	ssyncadd.s32 $0xFFFFEC00  }
0x1f: {  	[bflag:$0x0] =	sbarrier.arrive $0xFFFF  }
0x20: {  	[tilespmem:s15], [sflag:$0x1] =	stream.indirect.gather [hbm4b:s4+s14], $0x40, s3, s14, $0xb8;
	[tilespmem:$0x15220] =	vst v63  }
0x21: {  	_ = 	snop  }
0x22: {  	[tilespmem:s16], [sflag:$0x2] =	stream.indirect.gather [hbm4b:s4+s14], $0x40, s14, s14, $0xb8;
	[tilespmem:$0x15220] =	vst v63  }
0x23: {  	s30 =	simm.s32 $0xA0  }
0x24: {  	[tilespmem:s18], [sflag:$0x3] =	stream.indirect.gather [hbm4b:s4+s14], $0x40, s30, s14, $0xb8;
	[tilespmem:$0x15220] =	vst v63  }
0x25: {  	s30 =	simm.s32 $0xF0  }
0x26: {  	[tilespmem:s20], [sflag:$0x4] =	stream.indirect.gather [hbm4b:s4+s14], $0x40, s30, s14, $0xb8;
	[tilespmem:$0x15220] =	vst v63  }
0x27: {  	s30 =	simm.s32 $0x140  }
0x28: {  	[tilespmem:s22], [sflag:$0x5] =	stream.indirect.gather [hbm4b:s4+s14], $0x40, s30, s14, $0xb8;
	[tilespmem:$0x15220] =	vst v63  }
0x29: {  	_ =	swait.ge [sflag:s23], $0x1400  }
0x2a: {  	[sflag:s23] =	ssyncset.done $0x0  }
0x2b: {  	s30 =	simm.s32 $0x2710;
	[sflag:s23] =	ssyncadd.s32 $0xFFFFEC00  }
0x2c: {  	[spmem:s2] =	stream.indirect.scatter.add.f32 [tilespmem:s15], [sflag:$0x6], $0x40, s30, s14, $0xb8;
	[tilespmem:$0x15220] =	vst v63  }
0x2d: {  	_ =	swait.ge [sflag:s10], $0x1400  }
0x2e: {  	[sflag:s10] =	ssyncset.done $0x0  }
0x2f: {  	s30 =	simm.s32 $0x190;
	[sflag:s10] =	ssyncadd.s32 $0xFFFFEC00  }
0x30: {  	[tilespmem:s15], [sflag:$0x1] =	stream.indirect.gather [hbm4b:s4+s14], $0x40, s30, s14, $0xb8;
	[tilespmem:$0x15220] =	vst v63  }
0x31: {  	_ =	swait.ge [sflag:s24], $0x1400  }
0x32: {  	[sflag:s24] =	ssyncset.done $0x0  }
0x33: {  	s30 =	simm.s32 $0x2760;
	[sflag:s24] =	ssyncadd.s32 $0xFFFFEC00  }
0x34: {  	[spmem:s2] =	stream.indirect.scatter.add.f32 [tilespmem:s16], [sflag:$0x6], $0x40, s30, s14, $0xb8;
	[tilespmem:$0x15220] =	vst v63  }
0x35: {  	_ =	swait.ge [sflag:s10], $0x1400  }
0x36: {  	[sflag:s10] =	ssyncset.done $0x0  }
0x37: {  	s30 =	simm.s32 $0x1E0;
	[sflag:s10] =	ssyncadd.s32 $0xFFFFEC00  }
0x38: {  	[tilespmem:s16], [sflag:$0x2] =	stream.indirect.gather [hbm4b:s4+s14], $0x40, s30, s14, $0xb8;
	[tilespmem:$0x15220] =	vst v63  }
0x39: {  	_ =	swait.ge [sflag:s25], $0x1400  }
0x3a: {  	[sflag:s25] =	ssyncset.done $0x0  }
0x3b: {  	s30 =	simm.s32 $0x27B0;
	[sflag:s25] =	ssyncadd.s32 $0xFFFFEC00  }
0x3c: {  	[spmem:s2] =	stream.indirect.scatter.add.f32 [tilespmem:s18], [sflag:$0x6], $0x40, s30, s14, $0xb8;
	[tilespmem:$0x15220] =	vst v63  }
0x3d: {  	_ =	swait.ge [sflag:s10], $0x1400  }
0x3e: {  	[sflag:s10] =	ssyncset.done $0x0  }
0x3f: {  	s30 =	simm.s32 $0x230;
	[sflag:s10] =	ssyncadd.s32 $0xFFFFEC00  }
0x40: {  	[tilespmem:s18], [sflag:$0x3] =	stream.indirect.gather [hbm4b:s4+s14], $0x40, s30, s14, $0xb8;
	[tilespmem:$0x15220] =	vst v63  }
0x41: {  	_ =	swait.ge [sflag:s26], $0x1400  }
0x42: {  	[sflag:s26] =	ssyncset.done $0x0  }
0x43: {  	s30 =	simm.s32 $0x2800;
	[sflag:s26] =	ssyncadd.s32 $0xFFFFEC00  }
0x44: {  	[spmem:s2] =	stream.indirect.scatter.add.f32 [tilespmem:s20], [sflag:$0x6], $0x40, s30, s14, $0xb8;
	[tilespmem:$0x15220] =	vst v63  }
0x45: {  	_ =	swait.ge [sflag:s10], $0x1400  }
0x46: {  	[sflag:s10] =	ssyncset.done $0x0  }
0x47: {  	s30 =	simm.s32 $0x280;
	[sflag:s10] =	ssyncadd.s32 $0xFFFFEC00  }
0x48: {  	[tilespmem:s20], [sflag:$0x4] =	stream.indirect.gather [hbm4b:s4+s14], $0x40, s30, s14, $0xb8;
	[tilespmem:$0x15220] =	vst v63  }
0x49: {  	_ =	swait.ge [sflag:s28], $0x1400  }
0x4a: {  	[sflag:s28] =	ssyncset.done $0x0  }
0x4b: {  	s30 =	simm.s32 $0x2850;
	[sflag:s28] =	ssyncadd.s32 $0xFFFFEC00  }
0x4c: {  	[spmem:s2] =	stream.indirect.scatter.add.f32 [tilespmem:s22], [sflag:$0x6], $0x40, s30, s14, $0xb8;
	[tilespmem:$0x15220] =	vst v63  }
0x4d: {  	_ =	swait.ge [sflag:s10], $0x1400  }
0x4e: {  	[sflag:s10] =	ssyncset.done $0x0  }
0x4f: {  	s29 =	simm.s32 $0x2D0;
	s21 =	simm.s32 $0x640;
	[sflag:s10] =	ssyncadd.s32 $0xFFFFEC00  }
.LBB2_2:
0x50: {  	[tilespmem:s22], [sflag:$0x5] =	stream.indirect.gather [hbm4b:s4+s14], $0x40, s29, s14, $0xb8;
	[tilespmem:$0x15220] =	vst v63  }
0x51: {  	s29 =	smov.u32 s21  }
0x52: {  	p0 =	sne.s32 s21, $0x8FC0;
	s21 =	sadd.s32 $0x640, s21;
	_ =	swait.ge [sflag:s23], $0x1400  }
0x53: {  	s29 =	sshra.s32 s29, $0x2;
	[sflag:s23] =	ssyncset.done $0x0  }
0x54: {  	s30 =	sadd.s32 $0x2710, s29;
	[sflag:s23] =	ssyncadd.s32 $0xFFFFEC00  }
0x55: {  	[spmem:s2] =	stream.indirect.scatter.add.f32 [tilespmem:s15], [sflag:$0x6], $0x40, s30, s14, $0xb8;
	[tilespmem:$0x15220] =	vst v63  }
0x56: {  	_ =	swait.ge [sflag:s10], $0x1400  }
0x57: {  	[sflag:s10] =	ssyncset.done $0x0  }
0x58: {  	s30 =	sadd.s32 $0x190, s29;
	[sflag:s10] =	ssyncadd.s32 $0xFFFFEC00  }
0x59: {  	[tilespmem:s15], [sflag:$0x1] =	stream.indirect.gather [hbm4b:s4+s14], $0x40, s30, s14, $0xb8;
	[tilespmem:$0x15220] =	vst v63  }
0x5a: {  	_ =	swait.ge [sflag:s24], $0x1400  }
0x5b: {  	[sflag:s24] =	ssyncset.done $0x0  }
0x5c: {  	s30 =	sadd.s32 $0x2760, s29;
	[sflag:s24] =	ssyncadd.s32 $0xFFFFEC00  }
0x5d: {  	[spmem:s2] =	stream.indirect.scatter.add.f32 [tilespmem:s16], [sflag:$0x6], $0x40, s30, s14, $0xb8;
	[tilespmem:$0x15220] =	vst v63  }
0x5e: {  	_ =	swait.ge [sflag:s10], $0x1400  }
0x5f: {  	[sflag:s10] =	ssyncset.done $0x0  }
0x60: {  	s30 =	sadd.s32 $0x1E0, s29;
	[sflag:s10] =	ssyncadd.s32 $0xFFFFEC00  }
0x61: {  	[tilespmem:s16], [sflag:$0x2] =	stream.indirect.gather [hbm4b:s4+s14], $0x40, s30, s14, $0xb8;
	[tilespmem:$0x15220] =	vst v63  }
0x62: {  	_ =	swait.ge [sflag:s25], $0x1400  }
0x63: {  	[sflag:s25] =	ssyncset.done $0x0  }
0x64: {  	s30 =	sadd.s32 $0x27B0, s29;
	[sflag:s25] =	ssyncadd.s32 $0xFFFFEC00  }
0x65: {  	[spmem:s2] =	stream.indirect.scatter.add.f32 [tilespmem:s18], [sflag:$0x6], $0x40, s30, s14, $0xb8;
	[tilespmem:$0x15220] =	vst v63  }
0x66: {  	_ =	swait.ge [sflag:s10], $0x1400  }
0x67: {  	[sflag:s10] =	ssyncset.done $0x0  }
0x68: {  	s30 =	sadd.s32 $0x230, s29;
	[sflag:s10] =	ssyncadd.s32 $0xFFFFEC00  }
0x69: {  	[tilespmem:s18], [sflag:$0x3] =	stream.indirect.gather [hbm4b:s4+s14], $0x40, s30, s14, $0xb8;
	[tilespmem:$0x15220] =	vst v63  }
0x6a: {  	_ =	swait.ge [sflag:s26], $0x1400  }
0x6b: {  	[sflag:s26] =	ssyncset.done $0x0  }
0x6c: {  	s30 =	sadd.s32 $0x2800, s29;
	[sflag:s26] =	ssyncadd.s32 $0xFFFFEC00  }
0x6d: {  	[spmem:s2] =	stream.indirect.scatter.add.f32 [tilespmem:s20], [sflag:$0x6], $0x40, s30, s14, $0xb8;
	[tilespmem:$0x15220] =	vst v63  }
0x6e: {  	_ =	swait.ge [sflag:s10], $0x1400  }
0x6f: {  	[sflag:s10] =	ssyncset.done $0x0  }
0x70: {  	s30 =	sadd.s32 $0x280, s29;
	[sflag:s10] =	ssyncadd.s32 $0xFFFFEC00  }
0x71: {  	[tilespmem:s20], [sflag:$0x4] =	stream.indirect.gather [hbm4b:s4+s14], $0x40, s30, s14, $0xb8;
	[tilespmem:$0x15220] =	vst v63  }
0x72: {  	_ =	swait.ge [sflag:s28], $0x1400  }
0x73: {  	[sflag:s28] =	ssyncset.done $0x0  }
.Ltmp0:
0x74: {  	s30 =	sadd.s32 $0x2850, s29;
	[sflag:s28] =	ssyncadd.s32 $0xFFFFEC00;
	(pc) =	sbr.rel @p0 .LBB2_2-.Ltmp0, $4  }
0x75: {  	[spmem:s2] =	stream.indirect.scatter.add.f32 [tilespmem:s22], [sflag:$0x6], $0x40, s30, s14, $0xb8;
	[tilespmem:$0x15220] =	vst v63  }
0x76: {  	_ =	swait.ge [sflag:s10], $0x1400  }
0x77: {  	[sflag:s10] =	ssyncset.done $0x0  }
0x78: {  	s29 =	sadd.s32 $0x2D0, s29;
	[sflag:s10] =	ssyncadd.s32 $0xFFFFEC00  }
0x79: {  	[tilespmem:s22], [sflag:$0x5] =	stream.indirect.gather [hbm4b:s4+s14], $0x40, s29, s14, $0xb8;
	[tilespmem:$0x15220] =	vst v63  }
0x7a: {  	_ =	swait.ge [sflag:s23], $0x1400  }
0x7b: {  	[sflag:s23] =	ssyncset.done $0x0  }
0x7c: {  	s21 =	simm.s32 $0x4C90;
	[sflag:s23] =	ssyncadd.s32 $0xFFFFEC00  }
0x7d: {  	[spmem:s2] =	stream.indirect.scatter.add.f32 [tilespmem:s15], [sflag:$0x6], $0x40, s21, s14, $0xb8;
	[tilespmem:$0x15220] =	vst v63  }
0x7e: {  	_ =	swait.ge [sflag:s10], $0x1400  }
0x7f: {  	[sflag:s10] =	ssyncset.done $0x0  }
0x80: {  	[sflag:s10] =	ssyncadd.s32 $0xFFFFEC00  }
0x81: {  	_ =	swait.ge [sflag:s24], $0x1400  }
0x82: {  	[sflag:s24] =	ssyncset.done $0x0  }
0x83: {  	s30 =	simm.s32 $0x4CE0;
	[sflag:s24] =	ssyncadd.s32 $0xFFFFEC00  }
0x84: {  	[spmem:s2] =	stream.indirect.scatter.add.f32 [tilespmem:s16], [sflag:$0x6], $0x40, s30, s14, $0xb8;
	[tilespmem:$0x15220] =	vst v63  }
0x85: {  	_ =	swait.ge [sflag:s10], $0x1400  }
0x86: {  	[sflag:s10] =	ssyncset.done $0x0  }
0x87: {  	[sflag:s10] =	ssyncadd.s32 $0xFFFFEC00  }
0x88: {  	_ =	swait.ge [sflag:s25], $0x1400  }
0x89: {  	[sflag:s25] =	ssyncset.done $0x0  }
0x8a: {  	[sflag:s25] =	ssyncadd.s32 $0xFFFFEC00  }
0x8b: {  	[spmem:s2] =	stream.indirect.scatter.add.f32 [tilespmem:s18], [sflag:$0x6], $0x40, s31, s14, $0xb8;
	[tilespmem:$0x15220] =	vst v63  }
0x8c: {  	_ =	swait.ge [sflag:s10], $0x1400  }
0x8d: {  	[sflag:s10] =	ssyncset.done $0x0  }
0x8e: {  	[sflag:s10] =	ssyncadd.s32 $0xFFFFEC00  }
0x8f: {  	_ =	swait.ge [sflag:s26], $0x1400  }
0x90: {  	[sflag:s26] =	ssyncset.done $0x0  }
0x91: {  	[sflag:s26] =	ssyncadd.s32 $0xFFFFEC00  }
0x92: {  	[spmem:s2] =	stream.indirect.scatter.add.f32 [tilespmem:s20], [sflag:$0x6], $0x40, s1, s14, $0xb8;
	[tilespmem:$0x15220] =	vst v63  }
0x93: {  	_ =	swait.ge [sflag:s10], $0x1400  }
0x94: {  	[sflag:s10] =	ssyncset.done $0x0  }
0x95: {  	[sflag:s10] =	ssyncadd.s32 $0xFFFFEC00  }
0x96: {  	_ =	swait.ge [sflag:s28], $0x1400  }
0x97: {  	[sflag:s28] =	ssyncset.done $0x0  }
0x98: {  	[sflag:s28] =	ssyncadd.s32 $0xFFFFEC00  }
0x99: {  	[spmem:s2] =	stream.indirect.scatter.add.f32 [tilespmem:s22], [sflag:$0x6], $0x40, s0, s14, $0xb8;
	[tilespmem:$0x15220] =	vst v63  }
0x9a: {  	_ =	swait.ge [sflag:s10], $0x1400  }
0x9b: {  	s19 =	sadd.s32 $0x1, s19;
	[sflag:s10] =	ssyncset.done $0x0  }
0x9c: {  	p0 =	sne.s32 s19, s9;
	[sflag:s10] =	ssyncadd.s32 $0xFFFFEC00  }
.Ltmp1:
0x9d: {  	[bflag:$0x0] =	sbarrier.arrive $0xFFFF;
	(pc) =	sbr.rel @p0 .LBB2_1-.Ltmp1, $4  }
0x9e: {  	[hbm:s8@s11], [sflag:s12] =	dma.strided [spmem:s13@s17], $0x1400, s23, $0x8   }
0x9f: {  	_ =	swait.ge [sflag:s10], $0x1400  }
0xa0: {  	[sflag:s10] =	ssyncset.done $0x0  }
0xa1: {  	[sflag:s10] =	ssyncadd.s32 $0xFFFFEC00  }
0xa2: {  	_ =	sfence.sel $0x180000  }
0xa3: {  	[bflag:$0x0] =	sbarrier.arrive $0xFFFF  }
0xa4: {  	_ =	strace $0x9000004A  }
0xa5: {  	s0 =	stileid.u32;
	[bflag:$0x2] =	sbarrier.arrive $0xFFFF  }
0xa6: {  	p0 =	sne.s32 s0, $0x0;
	s0 =	rddreg [dreg:$0x2]  }
0xa7: {  	s0 =	sadd.s32 @!p0 $0x100000, s0  }
0xa8: {  	[sflag:s0] =	ssyncadd.tile.s32 @!p0 $0x1;
	_ =	shalt  }
.Lfunc_end2:
_tile_overlayer_lowered:
.L_overlay_start_2:
0xa9: {  	(tag) =	ssettag $0x2  }
0xaa: {  	s0 =	rddreg [dreg:$0x0];
	s2 =	stileid.u32  }
0xab: {  	s1 =	rddreg [dreg:$0x1];
	p0 =	sne.s32 s2, $0x0  }
0xac: {  	s3 =	rddreg [dreg:$0x2];
	[bflag:$0x3] =	sbarrier.arrive $0xFFFF;
	s2 =	simm.s32 @!p0 $0x1C06  }
0xad: {  	[timem:s3], [sflag:s2] =	dma.local @!p0 [hbm:s0], s1  }
0xae: {  	s0 =	simm.s32 @!p0 $0x6  }
0xaf: {  	_ =	swait.ge @!p0 [sflag:s0], s1  }
0xb0: {  	s1 =	ssub.s32 @!p0 $0x0, s1;
	[sflag:s0] =	ssyncset.done @!p0 $0x0  }
0xb1: {  	[sflag:s0] =	ssyncadd.s32 @!p0 s1  }
0xb2: {  	[bflag:$0x3] =	sbarrier.arrive $0xFFFF  }
0xb3: {  	_ =	shalt  }

// kernel: kernel.15.cloned.1.call-start
scs
__scs_entry_jumppad:
0x0: {  	(pc) =	sbr.rel $0x88, $3  }
0x1: {  	(tag) =	ssettag $0x0;
	lr =	simm.s32 $0x1  }
0x2: {  	[smem:$0x3F95] =	sst lr;
	_ =	strace $0xD0000000  }
0x3: {  	_ = 	snop  }
0x4: {  	_ = 	snop  }
0x5: {  	_ = 	snop  }
0x6: {  	_ = 	snop  }
0x7: {  	_ = 	snop  }
__scs_overlays_trampoline_lowered:
0x8: {  	[smem:$0x3FA4] =	sst s0  }
0x9: {  	[smem:$0x3FA5] =	sst s1  }
0xa: {  	[smem:$0x3FA6] =	sst s2  }
0xb: {  	[smem:$0x3FA7] =	sst s3  }
0xc: {  	[smem:$0x3FA8] =	sst s4  }
0xd: {  	[smem:$0x3FA9] =	sst s5  }
0xe: {  	[smem:$0x3FAA] =	sst s6  }
0xf: {  	[smem:$0x3FAB] =	sst s7  }
0x10: {  	[smem:$0x3FAC] =	sst s8  }
0x11: {  	[smem:$0x3FAD] =	sst s9;
	s0 =	simm.s32 @!p0 $0x0  }
0x12: {  	s1 =	sld [smem:$0x3F93];
	s0 =	simm.s32 @p0 $0x1  }
0x13: {  	[smem:$0x3FAE] =	sst s0;
	s0 =	simm.s32 @!p1 $0x0  }
0x14: {  	s2 =	sld [smem:$0x3F92];
	s0 =	simm.s32 @p1 $0x1  }
0x15: {  	[smem:$0x3FAF] =	sst s0;
	s0 =	simm.s32 @!p2 $0x0  }
0x16: {  	s3 =	sld [smem:$0x3FDB];
	s0 =	simm.s32 @p2 $0x1  }
0x17: {  	s4 =	simm.s32 $0x1BF5;
	[smem:$0x3FB1] =	sst s0  }
0x18: {  	s0 =	sld [smem:$0x3F94];
	_ =	swait.ge [sflag:s4], $0x0  }
0x19: {  	s7 =	sld [smem:$0x3F95]  }
0x1a: {  	s8 =	sadd.s32 $0xFFFFE003, lr  }
0x1b: {  	s9 =	sadd.s32 $0xFFFFFEF7, lr;
	s5 =	simm.s32 $0xFFFFFFFF;
	p2 =	slt.u32 s8, $0xFFFFF086  }
0x1c: {  	p1 =	slt.u32 s9, $0xF7A;
	s5 =	simm.s32 @!p2 $0x0  }
0x1d: {  	s5 =	simm.s32 @p1 $0x1;
	p0 =	seq.s32 s7, s2  }
0x1e: {  	s7 =	smul.u32 @!p0 $0xF7A, s2;
	p2 =	seq.s32 @!p0 s5, $0x0  }
0x1f: {  	s9 =	smul.u32 $0xF7A, s1;
	s8 =	simm.s32 @!p0 $0x1BF5;
	p2 =	por !p2, p0  }
0x20: {  	[sflag:s8] =	ssyncset.s32 @!p0 $0xFFFFF086;
	s6 =	sadd.s32 @!p0 s3, s7;
	s7 =	simm.s32 @!p0 $0x108  }
0x21: {  	s3 =	sadd.s32 s3, s9;
	s6 =	sadd.s32 @!p0 $0x88, s6;
	s7 =	simm.s32 @p2 $0x1082  }
0x22: {  	[simem:s7], [sflag:s8] =	dma.local @!p0 [hbm:s6], $0xF7A  }
0x23: {  	s9 =	sor.u32 $0xD0000000, s2;
	s6 =	simm.s32 $0x108;
	_ =	swait.ge @!p0 [sflag:s8], $0x0  }
0x24: {  	s3 =	sadd.s32 $0x88, s3;
	s6 =	simm.s32 @!p1 $0x1082;
	[sflag:s4] =	ssyncset.s32 $0xFFFFF086  }
0x25: {  	[simem:s6], [sflag:s4] =	dma.local [hbm:s3], $0xF7A  }
0x26: {  	[smem:$0x3F95] =	sst s1;
	(tag) =	ssettag s2;
	_ =	strace s9  }
0x27: {  	s1 =	sld [smem:$0x3FA5]  }
0x28: {  	s2 =	sld [smem:$0x3FA6]  }
0x29: {  	s4 =	sld [smem:$0x3FA8]  }
0x2a: {  	p0 =	seq.s32 s5, $0x0;
	s5 =	sld [smem:$0x3FA9]  }
0x2b: {  	s6 =	sld [smem:$0x3FAA]  }
0x2c: {  	s7 =	sld [smem:$0x3FAB]  }
0x2d: {  	s3 =	simm.s32 $0x108;
	s8 =	sld [smem:$0x3FAC]  }
0x2e: {  	s3 =	simm.s32 @!p0 $0x1082;
	s9 =	sld [smem:$0x3FAD]  }
0x2f: {  	lr =	sadd.s32 s0, s3;
	s0 =	sld [smem:$0x3FA4]  }
0x30: {  	s3 =	sld [smem:$0x3FA7]  }
0x31: {  	[smem:$0x3FB0] =	sst s10  }
0x32: {  	s10 =	sld [smem:$0x3FAE];
	_ =	sdelay $0x3  }
0x33: {  	p0 =	seq.s32 s10, $0x1;
	s10 =	sld [smem:$0x3FB0];
	_ =	sdelay $0x3  }
0x34: {  	[smem:$0x3FB0] =	sst s10  }
0x35: {  	s10 =	sld [smem:$0x3FAF];
	_ =	sdelay $0x3  }
0x36: {  	p1 =	seq.s32 s10, $0x1;
	s10 =	sld [smem:$0x3FB0];
	_ =	sdelay $0x3  }
0x37: {  	[smem:$0x3FB0] =	sst s10  }
0x38: {  	s10 =	sld [smem:$0x3FB1]  }
0x39: {  	_ = 	snop;
	(pc) =	sbr.ind lr, $3  }
0x3a: {  	_ = 	snop  }
0x3b: {  	_ = 	snop  }
0x3c: {  	p2 =	seq.s32 s10, $0x1;
	s10 =	sld [smem:$0x3FB0]  }
0x3d: {  	_ =	shalt  }
0x3e: {  	_ =	shalt  }
0x3f: {  	_ =	shalt  }
0x40: {  	_ =	shalt  }
0x41: {  	_ =	shalt  }
0x42: {  	_ =	shalt  }
0x43: {  	_ =	shalt  }
0x44: {  	_ =	shalt  }
0x45: {  	_ =	shalt  }
0x46: {  	_ =	shalt  }
0x47: {  	_ =	shalt  }
0x48: {  	_ =	shalt  }
0x49: {  	_ =	shalt  }
0x4a: {  	_ =	shalt  }
0x4b: {  	_ =	shalt  }
0x4c: {  	_ =	shalt  }
0x4d: {  	_ =	shalt  }
0x4e: {  	_ =	shalt  }
0x4f: {  	_ =	shalt  }
0x50: {  	_ =	shalt  }
0x51: {  	_ =	shalt  }
0x52: {  	_ =	shalt  }
0x53: {  	_ =	shalt  }
0x54: {  	_ =	shalt  }
0x55: {  	_ =	shalt  }
0x56: {  	_ =	shalt  }
0x57: {  	_ =	shalt  }
0x58: {  	_ =	shalt  }
0x59: {  	_ =	shalt  }
0x5a: {  	_ =	shalt  }
0x5b: {  	_ =	shalt  }
0x5c: {  	_ =	shalt  }
0x5d: {  	_ =	shalt  }
0x5e: {  	_ =	shalt  }
0x5f: {  	_ =	shalt  }
0x60: {  	_ =	shalt  }
0x61: {  	_ =	shalt  }
0x62: {  	_ =	shalt  }
0x63: {  	_ =	shalt  }
0x64: {  	_ =	shalt  }
0x65: {  	_ =	shalt  }
0x66: {  	_ =	shalt  }
0x67: {  	_ =	shalt  }
0x68: {  	_ =	shalt  }
0x69: {  	_ =	shalt  }
0x6a: {  	_ =	shalt  }
0x6b: {  	_ =	shalt  }
0x6c: {  	_ =	shalt  }
0x6d: {  	_ =	shalt  }
0x6e: {  	_ =	shalt  }
0x6f: {  	_ =	shalt  }
0x70: {  	_ =	shalt  }
0x71: {  	_ =	shalt  }
0x72: {  	_ =	shalt  }
0x73: {  	_ =	shalt  }
0x74: {  	_ =	shalt  }
0x75: {  	_ =	shalt  }
0x76: {  	_ =	shalt  }
0x77: {  	_ =	shalt  }
0x78: {  	_ =	shalt  }
0x79: {  	_ =	shalt  }
0x7a: {  	_ =	shalt  }
0x7b: {  	_ =	shalt  }
0x7c: {  	_ =	shalt  }
0x7d: {  	_ =	shalt  }
0x7e: {  	_ =	shalt  }
0x7f: {  	_ =	shalt  }
0x80: {  	_ =	shalt  }
0x81: {  	_ =	shalt  }
0x82: {  	_ =	shalt  }
0x83: {  	_ =	shalt  }
0x84: {  	_ =	shalt  }
0x85: {  	_ =	shalt  }
0x86: {  	_ =	shalt  }
0x87: {  	_ =	shalt  }
.Lfunc_end0:
.L_simem_size_0:
called_computation.2_lowered:
.L_overlay_start_0:
0x88: {  	s2 =	sld [smem:$0x3FD9]  }
0x89: {  	s3 =	sld [smem:$0x3FFE];
	_ =	sdelay $0x1  }
0x8a: {  	s1 =	srdreg.scid  }
0x8b: {  	s0 =	sand.u32 $0x1, s1  }
0x8c: {  	s16 =	sshll.u32 s0, $0xA;
	s2 =	sadd.s32 s3, s2  }
0x8d: {  	s2 =	sadd.s32 s2, s16  }
0x8e: {  	[smem:$0x3FBC] =	sst s2  }
0x8f: {  	_ = 	snop  }
0x90: {  	(tm) =	ssettm $0x1  }
0x91: {  	s17 =	sld [smem:$0x3FFB];
	_ =	sdelay $0x3  }
0x92: {  	_ =	strace s17  }
0x93: {  	s2 =	sld [smem:$0x3FFC];
	_ =	sdelay $0x3  }
0x94: {  	_ =	strace s2  }
0x95: {  	s2 =	sld [smem:$0x3FFD];
	_ =	sdelay $0x3  }
0x96: {  	_ =	strace s2  }
0x97: {  	_ =	strace $0x8FFFFFFF  }
0x98: {  	s18 =	sld [smem:$0x3FDB];
	_ =	sdelay $0x1  }
0x99: {  	s19 =	simm.s32 $_scs_section_size  }
0x9a: {  	s4 =	simm.s32 $_size__tile_overlayer_lowered;
	s5 =	simm.s32 $_tile_overlayer_lowered  }
0x9b: {  	s22 =	simm.s32 $0x1BFF;
	s21 =	sshll.u32 s5, $0x1;
	s2 =	sadd.s32 s19, s18  }
0x9c: {  	s6 =	simm.s32 $0x0;
	s20 =	sshll.u32 s4, $0x1;
	s4 =	sadd.s32 s21, s2  }
0x9d: {  	[timem:s6], [sflag:s22] =	dma.local [hbm:s4], s20  }
0x9e: {  	_ =	swait.ge [sflag:s22], s20  }
0x9f: {  	s3 =	ssub.s32 $0x0, s20;
	[sflag:s22] =	ssyncset.done $0x0  }
0xa0: {  	[sflag:s22] =	ssyncadd.s32 s3;
	_ =	sdelay $0x1  }
0xa1: {  	s23 =	simm.s32 $0x1B8B  }
0xa2: {  	_ =	swait.ge [sflag:s23], $0x1  }
0xa3: {  	[sflag:s23] =	ssyncset.done $0x0  }
0xa4: {  	s25 =	simm.s32 $0x1B8E;
	s24 =	sld [smem:$0x3FFE];
	[sflag:s23] =	ssyncadd.s32 $0xFFFFFFFF  }
0xa5: {  	s26 =	simm.s32 $execute0_lowered;
	[smem:$0x3FD2] =	sst s25  }
0xa6: {  	s4 =	sshll.u32 s26, $0x1;
	_ =	strace $0x8000004C;
	[dreg:$0x1] =	wrdreg $0xFFFFFFFF  }
0xa7: {  	s28 =	simm.s32 $_size_execute0_lowered;
	s2 =	sadd.s32 s2, s4;
	[dreg:$0x0] =	wrdreg $0x0  }
0xa8: {  	s4 =	sshll.u32 s28, $0x1;
	[dreg:$0x2] =	wrdreg s2  }
0xa9: {  	[dreg:$0x3] =	wrdreg s4  }
0xaa: {  	[dreg:$0x4] =	wrdreg $0xC0  }
0xab: {  	_ =	task [dreg:s6], $0x5FFFF  }
0xac: {  	[dreg:$0x1] =	wrdreg $0xFFFFFFFF  }
0xad: {  	[dreg:$0x0] =	wrdreg $0x60  }
0xae: {  	[dreg:$0x2] =	wrdreg s24  }
0xaf: {  	[dreg:$0x3] =	wrdreg $0x4E200  }
0xb0: {  	[dreg:$0x4] =	wrdreg $0x9  }
0xb1: {  	_ =	task.clear_ibuf [dreg:s6], $0x5FFFF;
	_ =	strace $0x9000004C  }
0xb2: {  	s29 =	simm.s32 $0x9;
	_ =	strace $0x8000004E  }
0xb3: {  	_ =	swait.ge [sflag:s29], $0x1  }
0xb4: {  	[sflag:s29] =	ssyncadd.s32 $0xFFFFFFFF  }
0xb5: {  	_ =	strace $0x9000004E  }
0xb6: {  	_ =	sfence  }
0xb7: {  	s30 =	sld [smem:$0x0];
	_ =	sdelay $0x2  }
0xb8: {  	s31 =	sshll.u32 s1, $0xD;
	s1 =	sshrl.u32 s1, $0x2  }
0xb9: {  	s3 =	sand.u32 $0x4000, s31;
	s1 =	sadd.s32 s1, s30  }
0xba: {  	s0 =	sor.u32 s3, s0;
	s1 =	sshll.u32 s1, $0x11  }
0xbb: {  	s0 =	sor.u32 s1, s0  }
0xbc: {  	s0 =	sadd.s32 $0x8F2B, s0  }
0xbd: {  	[sflag:s0] =	ssyncadd.remote.s32 $0x1  }
0xbe: {  	_ =	sfence.sel $0xFFFF  }
0xbf: {  	[dreg:$0x0] =	wrdreg $0xFFFFFFFF;
	(pc) =	sbr.abs _section_cstart, $3  }
0xc0: {  	[dreg:$0x1] =	wrdreg $0xFFFFFFFF  }
0xc1: {  	_ =	task.clear_ibuf [dreg:s6], $0x2FFFF;
	_ =	strace $0x9FFFFFFF  }
0xc2: {  	(tm) =	ssettm $0x7FFFFFFF  }
0xc3: {  	_ =	shalt  }
tec
execute0_lowered:
.L_overlay_start_1:
0x0: {  	(tag) =	ssettag $0x1  }
0x1: {  	s0 =	srdreg.scid;
	s5 =	rddreg [dreg:$0x0]  }
0x2: {  	s11 =	stileid.u32;
	s2 =	rddreg [dreg:$0x1]  }
0x3: {  	s3 =	simm.s32 $0x0;
	s10 =	simm.s32 $0x6;
	s14 =	simm.s32 $0x50  }
0x4: {  	s15 =	simm.s32 $0x9E20;
	s16 =	simm.s32 $0xA820;
	s18 =	simm.s32 $0xB220  }
0x5: {  	s20 =	simm.s32 $0xBC20;
	s22 =	simm.s32 $0xC620;
	s23 =	simm.s32 $0x1  }
0x6: {  	s28 =	simm.s32 $0x5;
	s30 =	simm.s32 $0x4CE0;
	s31 =	simm.s32 $0x4D30  }
0x7: {  	s17 =	simm.s32 $0x0;
	s0 =	sand.u32 $0x1, s0;
	s7 =	smul.u32 $0x14000, s11  }
0x8: {  	s1 =	sshll.u32 s11, $0x1;
	[smem:$0x7FF] =	sst s3;
	s8 =	smul.u32 $0x5000, s11  }
0x9: {  	s4 =	sadd.s32 $0x16400, s5;
	s29 =	sshll.u32 s11, $0x6;
	s11 =	simm.s32 $0x10  }
0xa: {  	s1 =	sor.u32 s0, s1;
	s6 =	smul.u32 $0x140000, s0;
	_ =	strace $0x8000004D  }
0xb: {  	s0 =	ssub.s32 $0x2, s0;
	s12 =	sor.u32 $0x1C06, s29;
	s1 =	smul.u32 $0x2710, s1  }
0xc: {  	s24 =	sshrl.u32 s8, $0x3;
	s25 =	sshrl.u32 s0, $0x1;
	s26 =	sadd.s32 s8, s2  }
0xd: {  	s6 =	sadd.s32 s7, s6;
	s7 =	sadd.s32 s24, s5;
	s0 =	ssub.s32 s0, s25  }
0xe: {  	s13 =	sshrl.u32 s26, $0x3;
	s24 =	simm.s32 $0x2;
	s25 =	simm.s32 $0x3  }
0xf: {  	s26 =	simm.s32 $0x4;
	s1 =	sshrl.u32 s1, $0x3;
	s6 =	sshrl.u32 s6, $0x3  }
0x10: {  	s7 =	sadd.s32 $0x20400, s7;
	s1 =	sadd.s32 s1, s5;
	s9 =	sadd.s32 s6, s5  }
0x11: {  	s5 =	sadd.s32 $0x2A00, s1;
	s6 =	sadd.s32 $0xC640, s1;
	s8 =	sadd.s32 $0x2A400, s9  }
0x12: {  	s9 =	smax.u32 s0, $0x1;
	s1 =	simm.s32 $0x4D80;
	s0 =	simm.s32 $0x4DD0  }
.LBB2_1:
0x13: {  	[tilespmem:s3], [sflag:$0x6] =	stream.linear.gather [hbm4b:s5+s3], $0x2710, $0x38;
	[tilespmem:$0xD020] =	vst v63  }
0x14: {  	_ =	swait.ge [sflag:s10], $0x2710  }
0x15: {  	[sflag:s10] =	ssyncset.done $0x0  }
0x16: {  	s19 =	simm.s32 $0x2710;
	[sflag:s10] =	ssyncadd.s32 $0xFFFFD8F0  }
0x17: {  	[tilespmem:s19], [sflag:$0x6] =	stream.linear.gather [hbm4b:s6+s3], $0x2710, $0x38;
	[tilespmem:$0xD020] =	vst v63  }
0x18: {  	_ =	swait.ge [sflag:s10], $0x2710  }
0x19: {  	[sflag:s10] =	ssyncset.done $0x0  }
0x1a: {  	[sflag:s10] =	ssyncadd.s32 $0xFFFFD8F0  }
0x1b: {  	[spmem:s13], [sflag:s12] =	dma.local [hbm:s7], $0xA00  }
0x1c: {  	_ =	swait.ge [sflag:s10], $0xA00  }
0x1d: {  	[sflag:s10] =	ssyncset.done $0x0  }
0x1e: {  	[sflag:s10] =	ssyncadd.s32 $0xFFFFF600  }
0x1f: {  	[bflag:$0x0] =	sbarrier.arrive $0xFFFF  }
0x20: {  	[tilespmem:s15], [sflag:$0x1] =	stream.indirect.gather [hbm4b:s4+s14], $0x20, s3, s14, $0xb8;
	[tilespmem:$0xD020] =	vst v63  }
0x21: {  	_ = 	snop  }
0x22: {  	[tilespmem:s16], [sflag:$0x2] =	stream.indirect.gather [hbm4b:s4+s14], $0x20, s14, s14, $0xb8;
	[tilespmem:$0xD020] =	vst v63  }
0x23: {  	s21 =	simm.s32 $0xA0  }
0x24: {  	[tilespmem:s18], [sflag:$0x3] =	stream.indirect.gather [hbm4b:s4+s14], $0x20, s21, s14, $0xb8;
	[tilespmem:$0xD020] =	vst v63  }
0x25: {  	s29 =	simm.s32 $0xF0  }
0x26: {  	[tilespmem:s20], [sflag:$0x4] =	stream.indirect.gather [hbm4b:s4+s14], $0x20, s29, s14, $0xb8;
	[tilespmem:$0xD020] =	vst v63  }
0x27: {  	s21 =	simm.s32 $0x140  }
0x28: {  	[tilespmem:s22], [sflag:$0x5] =	stream.indirect.gather [hbm4b:s4+s14], $0x20, s21, s14, $0xb8;
	[tilespmem:$0xD020] =	vst v63  }
0x29: {  	_ =	swait.ge [sflag:s23], $0xA00  }
0x2a: {  	[sflag:s23] =	ssyncset.done $0x0  }
0x2b: {  	s29 =	simm.s32 $0x2710;
	[sflag:s23] =	ssyncadd.s32 $0xFFFFF600  }
0x2c: {  	[spmem:s2] =	stream.indirect.scatter.add.f32 [tilespmem:s15], [sflag:$0x6], $0x20, s29, s14, $0xb8;
	[tilespmem:$0xD020] =	vst v63  }
0x2d: {  	_ =	swait.ge [sflag:s10], $0xA00  }
0x2e: {  	[sflag:s10] =	ssyncset.done $0x0  }
0x2f: {  	s21 =	simm.s32 $0x190;
	[sflag:s10] =	ssyncadd.s32 $0xFFFFF600  }
0x30: {  	[tilespmem:s15], [sflag:$0x1] =	stream.indirect.gather [hbm4b:s4+s14], $0x20, s21, s14, $0xb8;
	[tilespmem:$0xD020] =	vst v63  }
0x31: {  	_ =	swait.ge [sflag:s24], $0xA00  }
0x32: {  	[sflag:s24] =	ssyncset.done $0x0  }
0x33: {  	s29 =	simm.s32 $0x2760;
	[sflag:s24] =	ssyncadd.s32 $0xFFFFF600  }
0x34: {  	[spmem:s2] =	stream.indirect.scatter.add.f32 [tilespmem:s16], [sflag:$0x6], $0x20, s29, s14, $0xb8;
	[tilespmem:$0xD020] =	vst v63  }
0x35: {  	_ =	swait.ge [sflag:s10], $0xA00  }
0x36: {  	[sflag:s10] =	ssyncset.done $0x0  }
0x37: {  	s21 =	simm.s32 $0x1E0;
	[sflag:s10] =	ssyncadd.s32 $0xFFFFF600  }
0x38: {  	[tilespmem:s16], [sflag:$0x2] =	stream.indirect.gather [hbm4b:s4+s14], $0x20, s21, s14, $0xb8;
	[tilespmem:$0xD020] =	vst v63  }
0x39: {  	_ =	swait.ge [sflag:s25], $0xA00  }
0x3a: {  	[sflag:s25] =	ssyncset.done $0x0  }
0x3b: {  	s29 =	simm.s32 $0x27B0;
	[sflag:s25] =	ssyncadd.s32 $0xFFFFF600  }
0x3c: {  	[spmem:s2] =	stream.indirect.scatter.add.f32 [tilespmem:s18], [sflag:$0x6], $0x20, s29, s14, $0xb8;
	[tilespmem:$0xD020] =	vst v63  }
0x3d: {  	_ =	swait.ge [sflag:s10], $0xA00  }
0x3e: {  	[sflag:s10] =	ssyncset.done $0x0  }
0x3f: {  	s21 =	simm.s32 $0x230;
	[sflag:s10] =	ssyncadd.s32 $0xFFFFF600  }
0x40: {  	[tilespmem:s18], [sflag:$0x3] =	stream.indirect.gather [hbm4b:s4+s14], $0x20, s21, s14, $0xb8;
	[tilespmem:$0xD020] =	vst v63  }
0x41: {  	_ =	swait.ge [sflag:s26], $0xA00  }
0x42: {  	[sflag:s26] =	ssyncset.done $0x0  }
0x43: {  	s29 =	simm.s32 $0x2800;
	[sflag:s26] =	ssyncadd.s32 $0xFFFFF600  }
0x44: {  	[spmem:s2] =	stream.indirect.scatter.add.f32 [tilespmem:s20], [sflag:$0x6], $0x20, s29, s14, $0xb8;
	[tilespmem:$0xD020] =	vst v63  }
0x45: {  	_ =	swait.ge [sflag:s10], $0xA00  }
0x46: {  	[sflag:s10] =	ssyncset.done $0x0  }
0x47: {  	s21 =	simm.s32 $0x280;
	[sflag:s10] =	ssyncadd.s32 $0xFFFFF600  }
0x48: {  	[tilespmem:s20], [sflag:$0x4] =	stream.indirect.gather [hbm4b:s4+s14], $0x20, s21, s14, $0xb8;
	[tilespmem:$0xD020] =	vst v63  }
0x49: {  	_ =	swait.ge [sflag:s28], $0xA00  }
0x4a: {  	[sflag:s28] =	ssyncset.done $0x0  }
0x4b: {  	s29 =	simm.s32 $0x2850;
	[sflag:s28] =	ssyncadd.s32 $0xFFFFF600  }
0x4c: {  	[spmem:s2] =	stream.indirect.scatter.add.f32 [tilespmem:s22], [sflag:$0x6], $0x20, s29, s14, $0xb8;
	[tilespmem:$0xD020] =	vst v63  }
0x4d: {  	_ =	swait.ge [sflag:s10], $0xA00  }
0x4e: {  	[sflag:s10] =	ssyncset.done $0x0  }
0x4f: {  	s19 =	simm.s32 $0x640;
	s21 =	simm.s32 $0x2D0;
	[sflag:s10] =	ssyncadd.s32 $0xFFFFF600  }
.LBB2_2:
0x50: {  	[tilespmem:s22], [sflag:$0x5] =	stream.indirect.gather [hbm4b:s4+s14], $0x20, s21, s14, $0xb8;
	[tilespmem:$0xD020] =	vst v63  }
0x51: {  	s21 =	smov.u32 s19  }
0x52: {  	p0 =	sne.s32 s19, $0x8FC0;
	s19 =	sadd.s32 $0x640, s19;
	_ =	swait.ge [sflag:s23], $0xA00  }
0x53: {  	s21 =	sshra.s32 s21, $0x2;
	[sflag:s23] =	ssyncset.done $0x0  }
0x54: {  	s29 =	sadd.s32 $0x2710, s21;
	[sflag:s23] =	ssyncadd.s32 $0xFFFFF600  }
0x55: {  	[spmem:s2] =	stream.indirect.scatter.add.f32 [tilespmem:s15], [sflag:$0x6], $0x20, s29, s14, $0xb8;
	[tilespmem:$0xD020] =	vst v63  }
0x56: {  	_ =	swait.ge [sflag:s10], $0xA00  }
0x57: {  	[sflag:s10] =	ssyncset.done $0x0  }
0x58: {  	s29 =	sadd.s32 $0x190, s21;
	[sflag:s10] =	ssyncadd.s32 $0xFFFFF600  }
0x59: {  	[tilespmem:s15], [sflag:$0x1] =	stream.indirect.gather [hbm4b:s4+s14], $0x20, s29, s14, $0xb8;
	[tilespmem:$0xD020] =	vst v63  }
0x5a: {  	_ =	swait.ge [sflag:s24], $0xA00  }
0x5b: {  	[sflag:s24] =	ssyncset.done $0x0  }
0x5c: {  	s29 =	sadd.s32 $0x2760, s21;
	[sflag:s24] =	ssyncadd.s32 $0xFFFFF600  }
0x5d: {  	[spmem:s2] =	stream.indirect.scatter.add.f32 [tilespmem:s16], [sflag:$0x6], $0x20, s29, s14, $0xb8;
	[tilespmem:$0xD020] =	vst v63  }
0x5e: {  	_ =	swait.ge [sflag:s10], $0xA00  }
0x5f: {  	[sflag:s10] =	ssyncset.done $0x0  }
0x60: {  	s29 =	sadd.s32 $0x1E0, s21;
	[sflag:s10] =	ssyncadd.s32 $0xFFFFF600  }
0x61: {  	[tilespmem:s16], [sflag:$0x2] =	stream.indirect.gather [hbm4b:s4+s14], $0x20, s29, s14, $0xb8;
	[tilespmem:$0xD020] =	vst v63  }
0x62: {  	_ =	swait.ge [sflag:s25], $0xA00  }
0x63: {  	[sflag:s25] =	ssyncset.done $0x0  }
0x64: {  	s29 =	sadd.s32 $0x27B0, s21;
	[sflag:s25] =	ssyncadd.s32 $0xFFFFF600  }
0x65: {  	[spmem:s2] =	stream.indirect.scatter.add.f32 [tilespmem:s18], [sflag:$0x6], $0x20, s29, s14, $0xb8;
	[tilespmem:$0xD020] =	vst v63  }
0x66: {  	_ =	swait.ge [sflag:s10], $0xA00  }
0x67: {  	[sflag:s10] =	ssyncset.done $0x0  }
0x68: {  	s29 =	sadd.s32 $0x230, s21;
	[sflag:s10] =	ssyncadd.s32 $0xFFFFF600  }
0x69: {  	[tilespmem:s18], [sflag:$0x3] =	stream.indirect.gather [hbm4b:s4+s14], $0x20, s29, s14, $0xb8;
	[tilespmem:$0xD020] =	vst v63  }
0x6a: {  	_ =	swait.ge [sflag:s26], $0xA00  }
0x6b: {  	[sflag:s26] =	ssyncset.done $0x0  }
0x6c: {  	s29 =	sadd.s32 $0x2800, s21;
	[sflag:s26] =	ssyncadd.s32 $0xFFFFF600  }
0x6d: {  	[spmem:s2] =	stream.indirect.scatter.add.f32 [tilespmem:s20], [sflag:$0x6], $0x20, s29, s14, $0xb8;
	[tilespmem:$0xD020] =	vst v63  }
0x6e: {  	_ =	swait.ge [sflag:s10], $0xA00  }
0x6f: {  	[sflag:s10] =	ssyncset.done $0x0  }
0x70: {  	s29 =	sadd.s32 $0x280, s21;
	[sflag:s10] =	ssyncadd.s32 $0xFFFFF600  }
0x71: {  	[tilespmem:s20], [sflag:$0x4] =	stream.indirect.gather [hbm4b:s4+s14], $0x20, s29, s14, $0xb8;
	[tilespmem:$0xD020] =	vst v63  }
0x72: {  	_ =	swait.ge [sflag:s28], $0xA00  }
0x73: {  	[sflag:s28] =	ssyncset.done $0x0  }
.Ltmp0:
0x74: {  	s29 =	sadd.s32 $0x2850, s21;
	[sflag:s28] =	ssyncadd.s32 $0xFFFFF600;
	(pc) =	sbr.rel @p0 .LBB2_2-.Ltmp0, $4  }
0x75: {  	[spmem:s2] =	stream.indirect.scatter.add.f32 [tilespmem:s22], [sflag:$0x6], $0x20, s29, s14, $0xb8;
	[tilespmem:$0xD020] =	vst v63  }
0x76: {  	_ =	swait.ge [sflag:s10], $0xA00  }
0x77: {  	[sflag:s10] =	ssyncset.done $0x0  }
0x78: {  	s21 =	sadd.s32 $0x2D0, s21;
	[sflag:s10] =	ssyncadd.s32 $0xFFFFF600  }
0x79: {  	[tilespmem:s22], [sflag:$0x5] =	stream.indirect.gather [hbm4b:s4+s14], $0x20, s21, s14, $0xb8;
	[tilespmem:$0xD020] =	vst v63  }
0x7a: {  	_ =	swait.ge [sflag:s23], $0xA00  }
0x7b: {  	[sflag:s23] =	ssyncset.done $0x0  }
0x7c: {  	s19 =	simm.s32 $0x4C90;
	[sflag:s23] =	ssyncadd.s32 $0xFFFFF600  }
0x7d: {  	[spmem:s2] =	stream.indirect.scatter.add.f32 [tilespmem:s15], [sflag:$0x6], $0x20, s19, s14, $0xb8;
	[tilespmem:$0xD020] =	vst v63  }
0x7e: {  	_ =	swait.ge [sflag:s10], $0xA00  }
0x7f: {  	[sflag:s10] =	ssyncset.done $0x0  }
0x80: {  	[sflag:s10] =	ssyncadd.s32 $0xFFFFF600  }
0x81: {  	_ =	swait.ge [sflag:s24], $0xA00  }
0x82: {  	[sflag:s24] =	ssyncset.done $0x0  }
0x83: {  	[sflag:s24] =	ssyncadd.s32 $0xFFFFF600  }
0x84: {  	[spmem:s2] =	stream.indirect.scatter.add.f32 [tilespmem:s16], [sflag:$0x6], $0x20, s30, s14, $0xb8;
	[tilespmem:$0xD020] =	vst v63  }
0x85: {  	_ =	swait.ge [sflag:s10], $0xA00  }
0x86: {  	[sflag:s10] =	ssyncset.done $0x0  }
0x87: {  	[sflag:s10] =	ssyncadd.s32 $0xFFFFF600  }
0x88: {  	_ =	swait.ge [sflag:s25], $0xA00  }
0x89: {  	[sflag:s25] =	ssyncset.done $0x0  }
0x8a: {  	[sflag:s25] =	ssyncadd.s32 $0xFFFFF600  }
0x8b: {  	[spmem:s2] =	stream.indirect.scatter.add.f32 [tilespmem:s18], [sflag:$0x6], $0x20, s31, s14, $0xb8;
	[tilespmem:$0xD020] =	vst v63  }
0x8c: {  	_ =	swait.ge [sflag:s10], $0xA00  }
0x8d: {  	[sflag:s10] =	ssyncset.done $0x0  }
0x8e: {  	[sflag:s10] =	ssyncadd.s32 $0xFFFFF600  }
0x8f: {  	_ =	swait.ge [sflag:s26], $0xA00  }
0x90: {  	[sflag:s26] =	ssyncset.done $0x0  }
0x91: {  	[sflag:s26] =	ssyncadd.s32 $0xFFFFF600  }
0x92: {  	[spmem:s2] =	stream.indirect.scatter.add.f32 [tilespmem:s20], [sflag:$0x6], $0x20, s1, s14, $0xb8;
	[tilespmem:$0xD020] =	vst v63  }
0x93: {  	_ =	swait.ge [sflag:s10], $0xA00  }
0x94: {  	[sflag:s10] =	ssyncset.done $0x0  }
0x95: {  	[sflag:s10] =	ssyncadd.s32 $0xFFFFF600  }
0x96: {  	_ =	swait.ge [sflag:s28], $0xA00  }
0x97: {  	[sflag:s28] =	ssyncset.done $0x0  }
0x98: {  	[sflag:s28] =	ssyncadd.s32 $0xFFFFF600  }
0x99: {  	[spmem:s2] =	stream.indirect.scatter.add.f32 [tilespmem:s22], [sflag:$0x6], $0x20, s0, s14, $0xb8;
	[tilespmem:$0xD020] =	vst v63  }
0x9a: {  	_ =	swait.ge [sflag:s10], $0xA00  }
0x9b: {  	s17 =	sadd.s32 $0x1, s17;
	[sflag:s10] =	ssyncset.done $0x0  }
0x9c: {  	p0 =	sne.s32 s17, s9;
	[sflag:s10] =	ssyncadd.s32 $0xFFFFF600  }
.Ltmp1:
0x9d: {  	[bflag:$0x0] =	sbarrier.arrive $0xFFFF;
	(pc) =	sbr.rel @p0 .LBB2_1-.Ltmp1, $4  }
0x9e: {  	[hbm:s8@s11], [sflag:s12] =	dma.strided [spmem:s13@s26], $0xA00, s23, $0x4   }
0x9f: {  	_ =	swait.ge [sflag:s10], $0xA00  }
0xa0: {  	[sflag:s10] =	ssyncset.done $0x0  }
0xa1: {  	[sflag:s10] =	ssyncadd.s32 $0xFFFFF600  }
0xa2: {  	_ =	sfence.sel $0x180000  }
0xa3: {  	[bflag:$0x0] =	sbarrier.arrive $0xFFFF  }
0xa4: {  	_ =	strace $0x9000004D  }
0xa5: {  	s0 =	stileid.u32;
	[bflag:$0x2] =	sbarrier.arrive $0xFFFF  }
0xa6: {  	p0 =	sne.s32 s0, $0x0;
	s0 =	rddreg [dreg:$0x2]  }
0xa7: {  	s0 =	sadd.s32 @!p0 $0x100000, s0  }
0xa8: {  	[sflag:s0] =	ssyncadd.tile.s32 @!p0 $0x1;
	_ =	shalt  }
.Lfunc_end2:
_tile_overlayer_lowered:
.L_overlay_start_2:
0xa9: {  	(tag) =	ssettag $0x2  }
0xaa: {  	s0 =	rddreg [dreg:$0x0];
	s2 =	stileid.u32  }
0xab: {  	s1 =	rddreg [dreg:$0x1];
	p0 =	sne.s32 s2, $0x0  }
0xac: {  	s3 =	rddreg [dreg:$0x2];
	[bflag:$0x3] =	sbarrier.arrive $0xFFFF;
	s2 =	simm.s32 @!p0 $0x1C06  }
0xad: {  	[timem:s3], [sflag:s2] =	dma.local @!p0 [hbm:s0], s1  }
0xae: {  	s0 =	simm.s32 @!p0 $0x6  }
0xaf: {  	_ =	swait.ge @!p0 [sflag:s0], s1  }
0xb0: {  	s1 =	ssub.s32 @!p0 $0x0, s1;
	[sflag:s0] =	ssyncset.done @!p0 $0x0  }
0xb1: {  	[sflag:s0] =	ssyncadd.s32 @!p0 s1  }
0xb2: {  	[bflag:$0x3] =	sbarrier.arrive $0xFFFF  }
0xb3: {  	_ =	shalt  }

// kernel: kernel.9.cloned.1.call-start
scs
__scs_entry_jumppad:
0x0: {  	(pc) =	sbr.rel $0x88, $3  }
0x1: {  	(tag) =	ssettag $0x0;
	lr =	simm.s32 $0x1  }
0x2: {  	[smem:$0x3F95] =	sst lr;
	_ =	strace $0xD0000000  }
0x3: {  	_ = 	snop  }
0x4: {  	_ = 	snop  }
0x5: {  	_ = 	snop  }
0x6: {  	_ = 	snop  }
0x7: {  	_ = 	snop  }
__scs_overlays_trampoline_lowered:
0x8: {  	[smem:$0x3FA4] =	sst s0  }
0x9: {  	[smem:$0x3FA5] =	sst s1  }
0xa: {  	[smem:$0x3FA6] =	sst s2  }
0xb: {  	[smem:$0x3FA7] =	sst s3  }
0xc: {  	[smem:$0x3FA8] =	sst s4  }
0xd: {  	[smem:$0x3FA9] =	sst s5  }
0xe: {  	[smem:$0x3FAA] =	sst s6  }
0xf: {  	[smem:$0x3FAB] =	sst s7  }
0x10: {  	[smem:$0x3FAC] =	sst s8  }
0x11: {  	[smem:$0x3FAD] =	sst s9;
	s0 =	simm.s32 @!p0 $0x0  }
0x12: {  	s1 =	sld [smem:$0x3F93];
	s0 =	simm.s32 @p0 $0x1  }
0x13: {  	[smem:$0x3FAE] =	sst s0;
	s0 =	simm.s32 @!p1 $0x0  }
0x14: {  	s2 =	sld [smem:$0x3F92];
	s0 =	simm.s32 @p1 $0x1  }
0x15: {  	[smem:$0x3FAF] =	sst s0;
	s0 =	simm.s32 @!p2 $0x0  }
0x16: {  	s3 =	sld [smem:$0x3FDB];
	s0 =	simm.s32 @p2 $0x1  }
0x17: {  	s4 =	simm.s32 $0x1BF5;
	[smem:$0x3FB1] =	sst s0  }
0x18: {  	s0 =	sld [smem:$0x3F94];
	_ =	swait.ge [sflag:s4], $0x0  }
0x19: {  	s7 =	sld [smem:$0x3F95]  }
0x1a: {  	s8 =	sadd.s32 $0xFFFFE003, lr  }
0x1b: {  	s9 =	sadd.s32 $0xFFFFFEF7, lr;
	s5 =	simm.s32 $0xFFFFFFFF;
	p2 =	slt.u32 s8, $0xFFFFF086  }
0x1c: {  	p1 =	slt.u32 s9, $0xF7A;
	s5 =	simm.s32 @!p2 $0x0  }
0x1d: {  	s5 =	simm.s32 @p1 $0x1;
	p0 =	seq.s32 s7, s2  }
0x1e: {  	s7 =	smul.u32 @!p0 $0xF7A, s2;
	p2 =	seq.s32 @!p0 s5, $0x0  }
0x1f: {  	s9 =	smul.u32 $0xF7A, s1;
	s8 =	simm.s32 @!p0 $0x1BF5;
	p2 =	por !p2, p0  }
0x20: {  	[sflag:s8] =	ssyncset.s32 @!p0 $0xFFFFF086;
	s6 =	sadd.s32 @!p0 s3, s7;
	s7 =	simm.s32 @!p0 $0x108  }
0x21: {  	s3 =	sadd.s32 s3, s9;
	s6 =	sadd.s32 @!p0 $0x88, s6;
	s7 =	simm.s32 @p2 $0x1082  }
0x22: {  	[simem:s7], [sflag:s8] =	dma.local @!p0 [hbm:s6], $0xF7A  }
0x23: {  	s9 =	sor.u32 $0xD0000000, s2;
	s6 =	simm.s32 $0x108;
	_ =	swait.ge @!p0 [sflag:s8], $0x0  }
0x24: {  	s3 =	sadd.s32 $0x88, s3;
	s6 =	simm.s32 @!p1 $0x1082;
	[sflag:s4] =	ssyncset.s32 $0xFFFFF086  }
0x25: {  	[simem:s6], [sflag:s4] =	dma.local [hbm:s3], $0xF7A  }
0x26: {  	[smem:$0x3F95] =	sst s1;
	(tag) =	ssettag s2;
	_ =	strace s9  }
0x27: {  	s1 =	sld [smem:$0x3FA5]  }
0x28: {  	s2 =	sld [smem:$0x3FA6]  }
0x29: {  	s4 =	sld [smem:$0x3FA8]  }
0x2a: {  	p0 =	seq.s32 s5, $0x0;
	s5 =	sld [smem:$0x3FA9]  }
0x2b: {  	s6 =	sld [smem:$0x3FAA]  }
0x2c: {  	s7 =	sld [smem:$0x3FAB]  }
0x2d: {  	s3 =	simm.s32 $0x108;
	s8 =	sld [smem:$0x3FAC]  }
0x2e: {  	s3 =	simm.s32 @!p0 $0x1082;
	s9 =	sld [smem:$0x3FAD]  }
0x2f: {  	lr =	sadd.s32 s0, s3;
	s0 =	sld [smem:$0x3FA4]  }
0x30: {  	s3 =	sld [smem:$0x3FA7]  }
0x31: {  	[smem:$0x3FB0] =	sst s10  }
0x32: {  	s10 =	sld [smem:$0x3FAE];
	_ =	sdelay $0x3  }
0x33: {  	p0 =	seq.s32 s10, $0x1;
	s10 =	sld [smem:$0x3FB0];
	_ =	sdelay $0x3  }
0x34: {  	[smem:$0x3FB0] =	sst s10  }
0x35: {  	s10 =	sld [smem:$0x3FAF];
	_ =	sdelay $0x3  }
0x36: {  	p1 =	seq.s32 s10, $0x1;
	s10 =	sld [smem:$0x3FB0];
	_ =	sdelay $0x3  }
0x37: {  	[smem:$0x3FB0] =	sst s10  }
0x38: {  	s10 =	sld [smem:$0x3FB1]  }
0x39: {  	_ = 	snop;
	(pc) =	sbr.ind lr, $3  }
0x3a: {  	_ = 	snop  }
0x3b: {  	_ = 	snop  }
0x3c: {  	p2 =	seq.s32 s10, $0x1;
	s10 =	sld [smem:$0x3FB0]  }
0x3d: {  	_ =	shalt  }
0x3e: {  	_ =	shalt  }
0x3f: {  	_ =	shalt  }
0x40: {  	_ =	shalt  }
0x41: {  	_ =	shalt  }
0x42: {  	_ =	shalt  }
0x43: {  	_ =	shalt  }
0x44: {  	_ =	shalt  }
0x45: {  	_ =	shalt  }
0x46: {  	_ =	shalt  }
0x47: {  	_ =	shalt  }
0x48: {  	_ =	shalt  }
0x49: {  	_ =	shalt  }
0x4a: {  	_ =	shalt  }
0x4b: {  	_ =	shalt  }
0x4c: {  	_ =	shalt  }
0x4d: {  	_ =	shalt  }
0x4e: {  	_ =	shalt  }
0x4f: {  	_ =	shalt  }
0x50: {  	_ =	shalt  }
0x51: {  	_ =	shalt  }
0x52: {  	_ =	shalt  }
0x53: {  	_ =	shalt  }
0x54: {  	_ =	shalt  }
0x55: {  	_ =	shalt  }
0x56: {  	_ =	shalt  }
0x57: {  	_ =	shalt  }
0x58: {  	_ =	shalt  }
0x59: {  	_ =	shalt  }
0x5a: {  	_ =	shalt  }
0x5b: {  	_ =	shalt  }
0x5c: {  	_ =	shalt  }
0x5d: {  	_ =	shalt  }
0x5e: {  	_ =	shalt  }
0x5f: {  	_ =	shalt  }
0x60: {  	_ =	shalt  }
0x61: {  	_ =	shalt  }
0x62: {  	_ =	shalt  }
0x63: {  	_ =	shalt  }
0x64: {  	_ =	shalt  }
0x65: {  	_ =	shalt  }
0x66: {  	_ =	shalt  }
0x67: {  	_ =	shalt  }
0x68: {  	_ =	shalt  }
0x69: {  	_ =	shalt  }
0x6a: {  	_ =	shalt  }
0x6b: {  	_ =	shalt  }
0x6c: {  	_ =	shalt  }
0x6d: {  	_ =	shalt  }
0x6e: {  	_ =	shalt  }
0x6f: {  	_ =	shalt  }
0x70: {  	_ =	shalt  }
0x71: {  	_ =	shalt  }
0x72: {  	_ =	shalt  }
0x73: {  	_ =	shalt  }
0x74: {  	_ =	shalt  }
0x75: {  	_ =	shalt  }
0x76: {  	_ =	shalt  }
0x77: {  	_ =	shalt  }
0x78: {  	_ =	shalt  }
0x79: {  	_ =	shalt  }
0x7a: {  	_ =	shalt  }
0x7b: {  	_ =	shalt  }
0x7c: {  	_ =	shalt  }
0x7d: {  	_ =	shalt  }
0x7e: {  	_ =	shalt  }
0x7f: {  	_ =	shalt  }
0x80: {  	_ =	shalt  }
0x81: {  	_ =	shalt  }
0x82: {  	_ =	shalt  }
0x83: {  	_ =	shalt  }
0x84: {  	_ =	shalt  }
0x85: {  	_ =	shalt  }
0x86: {  	_ =	shalt  }
0x87: {  	_ =	shalt  }
.Lfunc_end0:
.L_simem_size_0:
called_computation_lowered:
.L_overlay_start_0:
0x88: {  	s2 =	sld [smem:$0x3FD9]  }
0x89: {  	s3 =	sld [smem:$0x3FFE];
	_ =	sdelay $0x1  }
0x8a: {  	s1 =	srdreg.scid  }
0x8b: {  	s0 =	sand.u32 $0x1, s1  }
0x8c: {  	s17 =	sshll.u32 s0, $0xA;
	s2 =	sadd.s32 s3, s2  }
0x8d: {  	s2 =	sadd.s32 s2, s17  }
0x8e: {  	[smem:$0x3FBC] =	sst s2  }
0x8f: {  	_ = 	snop  }
0x90: {  	s2 =	sld [smem:$0x3FD0];
	(tm) =	ssettm $0x1  }
0x91: {  	s18 =	sld [smem:$0x3FFB];
	_ =	sdelay $0x3  }
0x92: {  	_ =	strace s18  }
0x93: {  	s3 =	sld [smem:$0x3FFC];
	_ =	sdelay $0x3  }
0x94: {  	_ =	strace s3  }
0x95: {  	s3 =	sld [smem:$0x3FFD];
	_ =	sdelay $0x3  }
0x96: {  	_ =	strace s3  }
0x97: {  	_ =	strace $0x8FFFFFFF  }
0x98: {  	s19 =	sld [smem:$0x3FDB];
	_ =	sdelay $0x1  }
0x99: {  	s4 =	simm.s32 $_scs_section_size  }
0x9a: {  	s5 =	simm.s32 $_size__tile_overlayer_lowered;
	s6 =	simm.s32 $_tile_overlayer_lowered  }
0x9b: {  	s22 =	simm.s32 $0x1BFF;
	s21 =	sshll.u32 s6, $0x1;
	s3 =	sadd.s32 s4, s19  }
0x9c: {  	s7 =	simm.s32 $0x0;
	s20 =	sshll.u32 s5, $0x1;
	s5 =	sadd.s32 s21, s3  }
0x9d: {  	[timem:s7], [sflag:s22] =	dma.local [hbm:s5], s20  }
0x9e: {  	_ =	swait.ge [sflag:s22], s20  }
0x9f: {  	s4 =	ssub.s32 $0x0, s20;
	[sflag:s22] =	ssyncset.done $0x0  }
0xa0: {  	[sflag:s22] =	ssyncadd.s32 s4;
	_ =	sdelay $0x1  }
0xa1: {  	s23 =	simm.s32 $0x1B8B  }
0xa2: {  	_ =	swait.ge [sflag:s23], $0x1  }
0xa3: {  	[sflag:s23] =	ssyncset.done $0x0  }
0xa4: {  	s25 =	simm.s32 $0x1B8E;
	s24 =	sld [smem:$0x3FFE];
	[sflag:s23] =	ssyncadd.s32 $0xFFFFFFFF  }
0xa5: {  	s26 =	simm.s32 $execute0_lowered;
	[smem:$0x3FD2] =	sst s25  }
0xa6: {  	s5 =	sshll.u32 s26, $0x1;
	_ =	strace $0x80000046;
	[dreg:$0x1] =	wrdreg $0xFFFFFFFF  }
0xa7: {  	s28 =	simm.s32 $_size_execute0_lowered;
	s3 =	sadd.s32 s3, s5;
	[dreg:$0x0] =	wrdreg $0x0  }
0xa8: {  	s5 =	sshll.u32 s28, $0x1;
	[dreg:$0x2] =	wrdreg s3  }
0xa9: {  	[dreg:$0x3] =	wrdreg s5  }
0xaa: {  	[dreg:$0x4] =	wrdreg $0xC0  }
0xab: {  	_ =	task [dreg:s7], $0x5FFFF  }
0xac: {  	[dreg:$0x1] =	wrdreg $0xFFFFFFFF  }
0xad: {  	[dreg:$0x0] =	wrdreg $0x60  }
0xae: {  	[dreg:$0x2] =	wrdreg s24  }
0xaf: {  	[dreg:$0x3] =	wrdreg s2  }
0xb0: {  	[dreg:$0x4] =	wrdreg $0x2C100  }
0xb1: {  	[dreg:$0x5] =	wrdreg $0x9  }
0xb2: {  	_ =	task.clear_ibuf [dreg:s7], $0x6FFFF;
	_ =	strace $0x90000046  }
0xb3: {  	s29 =	simm.s32 $0x9;
	_ =	strace $0x80000048  }
0xb4: {  	_ =	swait.ge [sflag:s29], $0x1  }
0xb5: {  	[sflag:s29] =	ssyncadd.s32 $0xFFFFFFFF  }
0xb6: {  	_ =	strace $0x90000048  }
0xb7: {  	_ =	sfence  }
0xb8: {  	s30 =	sld [smem:$0x0];
	_ =	sdelay $0x2  }
0xb9: {  	s31 =	sshll.u32 s1, $0xD;
	s1 =	sshrl.u32 s1, $0x2  }
0xba: {  	s3 =	sand.u32 $0x4000, s31;
	s1 =	sadd.s32 s1, s30  }
0xbb: {  	s0 =	sor.u32 s3, s0;
	s1 =	sshll.u32 s1, $0x11  }
0xbc: {  	s0 =	sor.u32 s1, s0  }
0xbd: {  	s0 =	sadd.s32 $0x8F2B, s0  }
0xbe: {  	[sflag:s0] =	ssyncadd.remote.s32 $0x1  }
0xbf: {  	_ =	sfence.sel $0xFFFF  }
0xc0: {  	[dreg:$0x0] =	wrdreg $0xFFFFFFFF;
	(pc) =	sbr.abs _section_cstart, $3  }
0xc1: {  	[dreg:$0x1] =	wrdreg $0xFFFFFFFF  }
0xc2: {  	_ =	task.clear_ibuf [dreg:s7], $0x2FFFF;
	_ =	strace $0x9FFFFFFF  }
0xc3: {  	(tm) =	ssettm $0x7FFFFFFF  }
tec
execute0_lowered:
.L_overlay_start_1:
0x0: {  	(tag) =	ssettag $0x1  }
0x1: {  	s5 =	rddreg [dreg:$0x0]  }
0x2: {  	s2 =	rddreg [dreg:$0x1]  }
0x3: {  	s3 =	rddreg [dreg:$0x2]  }
0x4: {  	s1 =	stileid.u32;
	s4 =	srdreg.scid  }
0x5: {  	s0 =	rddreg [dreg:$0x3];
	s13 =	simm.s32 $0x50;
	s14 =	simm.s32 $0xA0  }
0x6: {  	s15 =	simm.s32 $0xF0;
	s16 =	simm.s32 $0x140;
	s17 =	simm.s32 $0x1  }
0x7: {  	s18 =	simm.s32 $0x2;
	s19 =	simm.s32 $0x3;
	s20 =	simm.s32 $0x4  }
0x8: {  	s21 =	simm.s32 $0x5;
	s22 =	simm.s32 $0x10;
	s23 =	simm.s32 $0x0  }
0x9: {  	s6 =	smul.u32 $0x2800, s1;
	s7 =	sand.u32 $0x1, s4;
	s4 =	simm.s32 $0x0  }
0xa: {  	s9 =	sshll.u32 s1, $0x1;
	s10 =	smul.u32 $0x14000, s1;
	s31 =	sshll.u32 s1, $0x6  }
0xb: {  	s8 =	smul.u32 $0x140000, s7;
	[smem:$0x7FF] =	sst s4;
	s9 =	sor.u32 s7, s9  }
0xc: {  	s7 =	ssub.s32 $0x2, s7;
	_ =	strace $0x80000047;
	s11 =	sshrl.u32 s6, $0x3  }
0xd: {  	s9 =	smul.u32 $0x2710, s9;
	s30 =	sshrl.u32 s7, $0x1;
	s12 =	sadd.s32 s6, s3  }
0xe: {  	s11 =	sadd.s32 s11, s5;
	s8 =	sadd.s32 s10, s8;
	s10 =	ssub.s32 s7, s30  }
0xf: {  	s12 =	sshrl.u32 s12, $0x3;
	s8 =	sshrl.u32 s8, $0x3;
	s9 =	sshrl.u32 s9, $0x3  }
0x10: {  	s6 =	sadd.s32 $0x16400, s11;
	s8 =	sadd.s32 s8, s5;
	s5 =	sadd.s32 s5, s9  }
0x11: {  	s11 =	sor.u32 $0x1C06, s31;
	s9 =	simm.s32 $0x6;
	s5 =	sadd.s32 $0xC640, s5  }
0x12: {  	s7 =	sadd.s32 $0x1B400, s8;
	s8 =	smax.u32 s10, $0x1;
	s10 =	simm.s32 $0x2710  }
.LBB2_1:
0x13: {  	[tilespmem:s4], [sflag:$0x6] =	stream.linear.gather [hbm4b:s5+s4], $0x2710, $0x38;
	[tilespmem:$0x5410] =	vst v63  }
0x14: {  	_ =	swait.ge [sflag:s9], $0x2710  }
0x15: {  	[sflag:s9] =	ssyncset.done $0x0  }
0x16: {  	[sflag:s9] =	ssyncadd.s32 $0xFFFFD8F0  }
0x17: {  	[tilespmem:s10], [sflag:$0x6] =	stream.linear.gather [hbm4b:s2+s4], $0x500, $0x38;
	[tilespmem:$0x5410] =	vst v63  }
0x18: {  	_ =	swait.ge [sflag:s9], $0x500  }
0x19: {  	[sflag:s9] =	ssyncset.done $0x0  }
0x1a: {  	[sflag:s9] =	ssyncadd.s32 $0xFFFFFB00  }
0x1b: {  	[spmem:s12], [sflag:s11] =	dma.local [hbm:s6], $0x500  }
0x1c: {  	_ =	swait.ge [sflag:s9], $0x500  }
0x1d: {  	[sflag:s9] =	ssyncset.done $0x0  }
0x1e: {  	[sflag:s9] =	ssyncadd.s32 $0xFFFFFB00  }
0x1f: {  	[bflag:$0x0] =	sbarrier.arrive $0xFFFF  }
0x20: {  	[spmem:s3] =	stream.indirect.scatter.add.f32 [tilespmem:s10], [sflag:$0x1], $0x10, s4, s13, $0xb8;
	[tilespmem:$0x5410] =	vst v63  }
0x21: {  	_ = 	snop  }
0x22: {  	[spmem:s3] =	stream.indirect.scatter.add.f32 [tilespmem:s10], [sflag:$0x2], $0x10, s13, s13, $0xb8;
	[tilespmem:$0x5410] =	vst v63  }
0x23: {  	_ = 	snop  }
0x24: {  	[spmem:s3] =	stream.indirect.scatter.add.f32 [tilespmem:s10], [sflag:$0x3], $0x10, s14, s13, $0xb8;
	[tilespmem:$0x5410] =	vst v63  }
0x25: {  	_ = 	snop  }
0x26: {  	[spmem:s3] =	stream.indirect.scatter.add.f32 [tilespmem:s10], [sflag:$0x4], $0x10, s15, s13, $0xb8;
	[tilespmem:$0x5410] =	vst v63  }
0x27: {  	_ = 	snop  }
0x28: {  	[spmem:s3] =	stream.indirect.scatter.add.f32 [tilespmem:s10], [sflag:$0x5], $0x10, s16, s13, $0xb8;
	[tilespmem:$0x5410] =	vst v63  }
0x29: {  	_ =	swait.ge [sflag:s17], $0x500  }
0x2a: {  	[sflag:s17] =	ssyncset.done $0x0  }
0x2b: {  	s24 =	simm.s32 $0x190;
	[sflag:s17] =	ssyncadd.s32 $0xFFFFFB00  }
0x2c: {  	[spmem:s3] =	stream.indirect.scatter.add.f32 [tilespmem:s10], [sflag:$0x1], $0x10, s24, s13, $0xb8;
	[tilespmem:$0x5410] =	vst v63  }
0x2d: {  	_ =	swait.ge [sflag:s18], $0x500  }
0x2e: {  	[sflag:s18] =	ssyncset.done $0x0  }
0x2f: {  	s29 =	simm.s32 $0x1E0;
	[sflag:s18] =	ssyncadd.s32 $0xFFFFFB00  }
0x30: {  	[spmem:s3] =	stream.indirect.scatter.add.f32 [tilespmem:s10], [sflag:$0x2], $0x10, s29, s13, $0xb8;
	[tilespmem:$0x5410] =	vst v63  }
0x31: {  	_ =	swait.ge [sflag:s19], $0x500  }
0x32: {  	[sflag:s19] =	ssyncset.done $0x0  }
0x33: {  	s30 =	simm.s32 $0x230;
	[sflag:s19] =	ssyncadd.s32 $0xFFFFFB00  }
0x34: {  	[spmem:s3] =	stream.indirect.scatter.add.f32 [tilespmem:s10], [sflag:$0x3], $0x10, s30, s13, $0xb8;
	[tilespmem:$0x5410] =	vst v63  }
0x35: {  	_ =	swait.ge [sflag:s20], $0x500  }
0x36: {  	[sflag:s20] =	ssyncset.done $0x0  }
0x37: {  	s31 =	simm.s32 $0x280;
	[sflag:s20] =	ssyncadd.s32 $0xFFFFFB00  }
0x38: {  	[spmem:s3] =	stream.indirect.scatter.add.f32 [tilespmem:s10], [sflag:$0x4], $0x10, s31, s13, $0xb8;
	[tilespmem:$0x5410] =	vst v63  }
0x39: {  	_ =	swait.ge [sflag:s21], $0x500  }
0x3a: {  	[sflag:s21] =	ssyncset.done $0x0  }
0x3b: {  	s25 =	simm.s32 $0x2D0;
	s24 =	simm.s32 $0xFFFF7040;
	[sflag:s21] =	ssyncadd.s32 $0xFFFFFB00  }
.LBB2_2:
0x3c: {  	[spmem:s3] =	stream.indirect.scatter.add.f32 [tilespmem:s10], [sflag:$0x5], $0x10, s25, s13, $0xb8;
	[tilespmem:$0x5410] =	vst v63  }
0x3d: {  	s25 =	smov.u32 s24  }
0x3e: {  	p0 =	sne.s32 s24, $0xFFFFF9C0;
	s24 =	sadd.s32 $0x640, s24;
	_ =	swait.ge [sflag:s17], $0x500  }
0x3f: {  	s25 =	sshra.s32 s25, $0x2;
	[sflag:s17] =	ssyncset.done $0x0  }
0x40: {  	s26 =	sadd.s32 $0x2710, s25;
	[sflag:s17] =	ssyncadd.s32 $0xFFFFFB00  }
0x41: {  	[spmem:s3] =	stream.indirect.scatter.add.f32 [tilespmem:s10], [sflag:$0x1], $0x10, s26, s13, $0xb8;
	[tilespmem:$0x5410] =	vst v63  }
0x42: {  	_ =	swait.ge [sflag:s18], $0x500  }
0x43: {  	[sflag:s18] =	ssyncset.done $0x0  }
0x44: {  	s26 =	sadd.s32 $0x2760, s25;
	[sflag:s18] =	ssyncadd.s32 $0xFFFFFB00  }
0x45: {  	[spmem:s3] =	stream.indirect.scatter.add.f32 [tilespmem:s10], [sflag:$0x2], $0x10, s26, s13, $0xb8;
	[tilespmem:$0x5410] =	vst v63  }
0x46: {  	_ =	swait.ge [sflag:s19], $0x500  }
0x47: {  	[sflag:s19] =	ssyncset.done $0x0  }
0x48: {  	s26 =	sadd.s32 $0x27B0, s25;
	[sflag:s19] =	ssyncadd.s32 $0xFFFFFB00  }
0x49: {  	[spmem:s3] =	stream.indirect.scatter.add.f32 [tilespmem:s10], [sflag:$0x3], $0x10, s26, s13, $0xb8;
	[tilespmem:$0x5410] =	vst v63  }
0x4a: {  	_ =	swait.ge [sflag:s20], $0x500  }
0x4b: {  	[sflag:s20] =	ssyncset.done $0x0  }
.Ltmp0:
0x4c: {  	s26 =	sadd.s32 $0x2800, s25;
	[sflag:s20] =	ssyncadd.s32 $0xFFFFFB00;
	(pc) =	sbr.rel @p0 .LBB2_2-.Ltmp0, $4  }
0x4d: {  	[spmem:s3] =	stream.indirect.scatter.add.f32 [tilespmem:s10], [sflag:$0x4], $0x10, s26, s13, $0xb8;
	[tilespmem:$0x5410] =	vst v63  }
0x4e: {  	_ =	swait.ge [sflag:s21], $0x500  }
0x4f: {  	[sflag:s21] =	ssyncset.done $0x0  }
0x50: {  	s25 =	sadd.s32 $0x2850, s25;
	[sflag:s21] =	ssyncadd.s32 $0xFFFFFB00  }
0x51: {  	[spmem:s3] =	stream.indirect.scatter.add.f32 [tilespmem:s10], [sflag:$0x5], $0x10, s25, s13, $0xb8;
	[tilespmem:$0x5410] =	vst v63  }
0x52: {  	_ =	swait.ge [sflag:s17], $0x500  }
0x53: {  	[sflag:s17] =	ssyncset.done $0x0  }
0x54: {  	[sflag:s17] =	ssyncadd.s32 $0xFFFFFB00  }
0x55: {  	_ =	swait.ge [sflag:s18], $0x500  }
0x56: {  	[sflag:s18] =	ssyncset.done $0x0  }
0x57: {  	[sflag:s18] =	ssyncadd.s32 $0xFFFFFB00  }
0x58: {  	_ =	swait.ge [sflag:s19], $0x500  }
0x59: {  	[sflag:s19] =	ssyncset.done $0x0  }
0x5a: {  	[sflag:s19] =	ssyncadd.s32 $0xFFFFFB00  }
0x5b: {  	_ =	swait.ge [sflag:s20], $0x500  }
0x5c: {  	[sflag:s20] =	ssyncset.done $0x0  }
0x5d: {  	[sflag:s20] =	ssyncadd.s32 $0xFFFFFB00  }
0x5e: {  	_ =	swait.ge [sflag:s21], $0x500  }
0x5f: {  	s23 =	sadd.s32 $0x1, s23;
	[sflag:s21] =	ssyncset.done $0x0  }
0x60: {  	p0 =	sne.s32 s23, s8;
	[sflag:s21] =	ssyncadd.s32 $0xFFFFFB00  }
.Ltmp1:
0x61: {  	[bflag:$0x0] =	sbarrier.arrive $0xFFFF;
	(pc) =	sbr.rel @p0 .LBB2_1-.Ltmp1, $4  }
0x62: {  	[hbm:s7@s22], [sflag:s11] =	dma.strided [spmem:s12@s18], $0x500, s17, $0x2   }
0x63: {  	_ =	swait.ge [sflag:s9], $0x500  }
0x64: {  	[sflag:s9] =	ssyncset.done $0x0  }
0x65: {  	[sflag:s9] =	ssyncadd.s32 $0xFFFFFB00  }
0x66: {  	_ =	sfence.sel $0x180000  }
0x67: {  	[bflag:$0x0] =	sbarrier.arrive $0xFFFF  }
0x68: {  	p0 =	sne.s32 s1, $0x0;
	_ =	strace $0x90000047  }
0x69: {  	s0 =	sadd.s32 @!p0 $0x100000, s0;
	[bflag:$0x2] =	sbarrier.arrive $0xFFFF  }
0x6a: {  	[sflag:s0] =	ssyncadd.tile.s32 @!p0 $0x1;
	_ =	shalt  }
.Lfunc_end2:
_tile_overlayer_lowered:
.L_overlay_start_2:
0x6b: {  	(tag) =	ssettag $0x2  }
0x6c: {  	s0 =	rddreg [dreg:$0x0];
	s2 =	stileid.u32  }
0x6d: {  	s1 =	rddreg [dreg:$0x1];
	p0 =	sne.s32 s2, $0x0  }
0x6e: {  	s3 =	rddreg [dreg:$0x2];
	[bflag:$0x3] =	sbarrier.arrive $0xFFFF;
	s2 =	simm.s32 @!p0 $0x1C06  }
0x6f: {  	[timem:s3], [sflag:s2] =	dma.local @!p0 [hbm:s0], s1  }
0x70: {  	s0 =	simm.s32 @!p0 $0x6  }
0x71: {  	_ =	swait.ge @!p0 [sflag:s0], s1  }
0x72: {  	s1 =	ssub.s32 @!p0 $0x0, s1;
	[sflag:s0] =	ssyncset.done @!p0 $0x0  }
0x73: {  	[sflag:s0] =	ssyncadd.s32 @!p0 s1  }
0x74: {  	[bflag:$0x3] =	sbarrier.arrive $0xFFFF  }
0x75: {  	_ =	shalt  }

</sc_bundles>
